<compile_context>
chip_gen: v7x
topology: tpu7x:2x2x1
jax: 0.10.2.dev20260603
libtpu: 0.0.44.dev20260713+nightly
codegen_flags: <defaults>
</compile_context>

<pallas_src>
import functools

import jax
import jax.numpy as jnp
from jax import lax
from jax.experimental import pallas as pl
from jax.experimental.pallas import tpu as pltpu
from jax.experimental.pallas import tpu_sc as plsc

_NUM_HEADS = 12
_KEEP_RATIO = 0.7
_PP = 408
_IP = 416
_NSLICES = 1
_NWORKERS = 32


def _bf(a):
    return a.astype(jnp.bfloat16)



def _stage_a_body(x_ref, wq_ref, bq_ref, qkv_ref, kidx_ref, nsc_ref,
                  fidx_ref, *, N, C, H, keep):
    D = C // H
    NP = keep + 1
    scale = D ** -0.5
    f32 = jnp.float32

    qkv = jnp.dot(x_ref[0], wq_ref[...],
                  preferred_element_type=f32) + bq_ref[...]
    qkv_ref[0] = qkv
    qkvb = _bf(qkv)

    k_part = qkvb[:, C:2 * C]
    q_cls = qkvb[0:1, 0:C].astype(f32) * scale
    ic_r = lax.broadcasted_iota(jnp.int32, (C, C), 0)
    ic_c = lax.broadcasted_iota(jnp.int32, (C, C), 1)
    q_col = jnp.sum(jnp.where(ic_r == ic_c, q_cls, 0.0),
                    axis=1, keepdims=True)
    HP = 128
    ih_r = lax.broadcasted_iota(jnp.int32, (C, HP), 0)
    ih_c = lax.broadcasted_iota(jnp.int32, (C, HP), 1)
    m_sel = jnp.where(ih_c == ih_r // D, q_col, 0.0)
    logits = jnp.dot(k_part, _bf(m_sel), preferred_element_type=f32)
    lmax = jnp.max(logits, axis=0, keepdims=True)
    lexp = jnp.exp(logits - lmax)
    lsum = jnp.sum(lexp, axis=0, keepdims=True)
    probs = lexp / lsum
    head_ok = lax.broadcasted_iota(jnp.int32, (N, HP), 1) < H
    s_col = jnp.sum(jnp.where(head_ok, probs, 0.0),
                    axis=1, keepdims=True) / H

    in_r = lax.broadcasted_iota(jnp.int32, (N, N), 0)
    in_c = lax.broadcasted_iota(jnp.int32, (N, N), 1)
    s_row = jnp.sum(jnp.where(in_r == in_c, s_col, 0.0),
                    axis=0, keepdims=True)
    prefer = ((in_r >= 1) & (in_c >= 1)
              & ((s_col > s_row) | ((s_col == s_row) & (in_r < in_c))))
    rank_row = jnp.sum(prefer.astype(f32), axis=0, keepdims=True)
    kept_row = rank_row < keep
    kept_f = kept_row.astype(f32)
    kept_col = jnp.sum(jnp.where(in_r == in_c, kept_f, 0.0),
                       axis=1, keepdims=True)
    pos_row = jnp.sum(kept_col * (in_r < in_c).astype(f32),
                      axis=0, keepdims=True)

    ip_p = lax.broadcasted_iota(jnp.int32, (NP, N), 0).astype(f32)
    oh = jnp.where(kept_row & (pos_row == ip_p), 1.0, 0.0)

    j_row = lax.broadcasted_iota(jnp.int32, (1, N), 1).astype(f32)
    kidx = jnp.sum(oh * j_row, axis=1, keepdims=True)
    nsc = jnp.sum(oh * s_row, axis=1, keepdims=True)
    kidx_ref[0] = kidx.astype(jnp.int32)
    nsc_ref[0] = nsc

    it_r = lax.broadcasted_iota(jnp.int32, (NP, _IP), 0)
    it_c = lax.broadcasted_iota(jnp.int32, (NP, _IP), 1)
    kidx_pad_row = jnp.sum(jnp.where(it_r == it_c, kidx, 0.0),
                           axis=0, keepdims=True)
    basef = (pl.program_id(0) * N).astype(f32)
    valid = (lax.broadcasted_iota(jnp.int32, (1, _IP), 1) < NP).astype(f32)
    fidx_ref[0] = (kidx_pad_row + basef * valid).astype(jnp.int32)


def _stage_a(xb, wqb, bq_row, N, C, H, keep):
    Bs = xb.shape[0]
    C3 = wqb.shape[1]
    NP = keep + 1
    body = functools.partial(_stage_a_body, N=N, C=C, H=H, keep=keep)
    return pl.pallas_call(
        body,
        grid=(Bs,),
        in_specs=[
            pl.BlockSpec((1, N, C), lambda b: (b, 0, 0)),
            pl.BlockSpec((C, C3), lambda b: (0, 0)),
            pl.BlockSpec((1, C3), lambda b: (0, 0)),
        ],
        out_specs=[
            pl.BlockSpec((1, N, C3), lambda b: (b, 0, 0)),
            pl.BlockSpec((1, NP, 1), lambda b: (b, 0, 0)),
            pl.BlockSpec((1, NP, 1), lambda b: (b, 0, 0)),
            pl.BlockSpec((1, 1, _IP), lambda b: (b, 0, 0)),
        ],
        out_shape=[
            jax.ShapeDtypeStruct((Bs, N, C3), jnp.float32),
            jax.ShapeDtypeStruct((Bs, NP, 1), jnp.int32),
            jax.ShapeDtypeStruct((Bs, NP, 1), jnp.float32),
            jax.ShapeDtypeStruct((Bs, 1, _IP), jnp.int32),
        ],
    )(xb, wqb, bq_row)



def _sc_gather(qkv_all2d, fidx, Bs, C3):
    mesh = plsc.VectorSubcoreMesh(core_axis_name="c", subcore_axis_name="s")
    wpb = max(1, _NWORKERS // Bs)
    rpw = _PP // wpb
    chunks = [24] * (rpw // 24)
    if rpw % 24:
        chunks.append(rpw % 24)
    maxch = max(chunks)

    @functools.partial(
        pl.kernel, mesh=mesh,
        out_type=jax.ShapeDtypeStruct((Bs * _PP, C3), jnp.float32),
        scratch_types=[
            pltpu.VMEM((_IP,), jnp.int32),
            pltpu.VMEM((maxch, C3), jnp.float32),
            pltpu.VMEM((maxch, C3), jnp.float32),
            pltpu.SemaphoreType.DMA,
            pltpu.SemaphoreType.DMA,
            pltpu.SemaphoreType.DMA,
            pltpu.SemaphoreType.DMA,
        ])
    def gather_kernel(qkv_hbm, fidx_hbm, out_hbm,
                      idx_v, buf0, buf1, g0, g1, w0, w1):
        wid = lax.axis_index("s") * 2 + lax.axis_index("c")
        bat = wid // wpb
        pltpu.sync_copy(fidx_hbm.at[bat], idx_v)
        bufs = (buf0, buf1)
        gsems = (g0, g1)
        wsems = (w0, w1)
        whandles = [None, None]
        base = wid * rpw
        off = 0
        for i, ch in enumerate(chunks):
            b = i % 2
            if whandles[b] is not None:
                whandles[b].wait()
            gh = pltpu.async_copy(
                qkv_hbm.at[idx_v.at[pl.ds((wid % wpb) * rpw + off, ch)]],
                bufs[b].at[pl.ds(0, ch)], gsems[b])
            gh.wait()
            whandles[b] = pltpu.async_copy(
                bufs[b].at[pl.ds(0, ch)],
                out_hbm.at[pl.ds(base + off, ch)], wsems[b])
            off += ch
        for h in whandles:
            if h is not None:
                h.wait()

    return gather_kernel(qkv_all2d, fidx)



def _stage_c_body(g_ref, wp_ref, bp_ref, out_ref, *, C, H, NP):
    D = C // H
    scale = D ** -0.5
    f32 = jnp.float32
    gb = _bf(g_ref[0][:NP])
    onescol = (lax.broadcasted_iota(jnp.int32, (NP, D), 1) == 0)
    onescol = onescol.astype(jnp.bfloat16)
    outs = []
    for h in range(H):
        qh = gb[:, h * D:(h + 1) * D] * jnp.bfloat16(scale)
        kh = gb[:, C + h * D:C + (h + 1) * D]
        vh = gb[:, 2 * C + h * D:2 * C + (h + 1) * D]
        s_att = lax.dot_general(qh, kh, (((1,), (1,)), ((), ())),
                                preferred_element_type=f32)
        pb = _bf(jnp.exp(s_att))
        vaug = jnp.concatenate([vh, onescol], axis=1)
        o_aug = jnp.dot(pb, vaug, preferred_element_type=f32)
        rs = 1.0 / o_aug[:, D:D + 1]
        outs.append(o_aug[:, :D] * rs)
    att = jnp.concatenate(outs, axis=1)
    out_ref[0] = jnp.dot(_bf(att), wp_ref[...],
                         preferred_element_type=f32) + bp_ref[...]


def _stage_c(gpad, wpb, bp_row, Bs, C, H, NP):
    C3 = 3 * C
    body = functools.partial(_stage_c_body, C=C, H=H, NP=NP)
    return pl.pallas_call(
        body,
        grid=(Bs,),
        in_specs=[
            pl.BlockSpec((1, _PP, C3), lambda b: (b, 0, 0)),
            pl.BlockSpec((C, C), lambda b: (0, 0)),
            pl.BlockSpec((1, C), lambda b: (0, 0)),
        ],
        out_specs=pl.BlockSpec((1, NP, C), lambda b: (b, 0, 0)),
        out_shape=jax.ShapeDtypeStruct((Bs, NP, C), jnp.float32),
    )(gpad, wpb, bp_row)


def kernel(x, W_qkv, b_qkv, W_proj, b_proj):
    B, N, C = x.shape
    C3 = W_qkv.shape[1]
    H = _NUM_HEADS
    keep = max(1, int(_KEEP_RATIO * (N - 1)))
    NP = keep + 1
    ns = _NSLICES if B % _NSLICES == 0 else 1
    Bs = B // ns

    xb = _bf(x)
    wqb = _bf(W_qkv)
    wpb = _bf(W_proj)
    bq_row = b_qkv.reshape(1, C3)
    bp_row = b_proj.reshape(1, C)

    qkvs, kidxs = [], []
    for i in range(ns):
        q, ki, nc, fi = _stage_a(xb[i * Bs:(i + 1) * Bs], wqb, bq_row,
                                 N, C, H, keep)
        qkvs.append(q)
        kidxs.append((ki, nc, fi))
    outs = []
    for i in range(ns):
        _, _, fi = kidxs[i]
        gflat = _sc_gather(qkvs[i].reshape(Bs * N, C3),
                           fi.reshape(Bs, _IP), Bs, C3)
        gpad = gflat.reshape(Bs, _PP, C3)
        outs.append(_stage_c(gpad, wpb, bp_row, Bs, C, H, NP))
    out = jnp.concatenate(outs, axis=0)
    kidx = jnp.concatenate([k for k, _, _ in kidxs], axis=0)
    nsc = jnp.concatenate([n for _, n, _ in kidxs], axis=0)
    return (out, kidx[..., 0], nsc[..., 0])

# --- scband reference (transcript-rebuilt; emitter-appended) ---
"""Pipeline reference for scband-rajniattention-47596827574881 (READ-ONLY COPY).

The authoritative reference and input builder live on the scoring server;
editing this copy changes nothing except your own understanding.
"""

import jax, jax.numpy as jnp
import numpy as np

NUM_HEADS = 12
KEEP_RATIO = 0.7


def compute_importance(qkv, num_heads):
    # EViT-style importance: CLS-token attention averaged over heads.
    B, N, C3 = qkv.shape
    C = C3 // 3
    head_dim = C // num_heads
    scale = head_dim ** -0.5
    qkv_r = qkv.reshape(B, N, 3, num_heads, head_dim).transpose(2, 0, 3, 1, 4)
    q, k = qkv_r[0], qkv_r[1]
    attn = jax.nn.softmax(jnp.einsum('bhnd,bhmd->bhnm', q, k) * scale, axis=-1)
    scores = attn[:, :, 0, :].mean(axis=1)  # [B, N]
    return scores


def setup_inputs(seed: int = 0):
    key = jax.random.key(seed)
    k0, k1, k2 = jax.random.split(key, 3)
    B, N, C = 32, 577, 768
    x = jax.random.normal(k0, (B, N, C), dtype=jnp.float32)
    W_qkv = jax.random.normal(k1, (C, 3 * C), dtype=jnp.float32) * 0.02
    b_qkv = jnp.zeros((3 * C,), dtype=jnp.float32)
    W_proj = jax.random.normal(k2, (C, C), dtype=jnp.float32) * 0.02
    b_proj = jnp.zeros((C,), dtype=jnp.float32)
    return {"x": x, "W_qkv": W_qkv, "b_qkv": b_qkv, "W_proj": W_proj, "b_proj": b_proj}


def reference(x, W_qkv, b_qkv, W_proj, b_proj):
    num_heads = NUM_HEADS
    B, N, C = x.shape
    head_dim = C // num_heads
    scale = head_dim ** -0.5
    qkv = x @ W_qkv + b_qkv  # [B, N, 3C]
    scores = compute_importance(qkv, num_heads)  # update=True path
    num_patches = N - 1
    keep = max(1, int(KEEP_RATIO * num_patches))
    patch_scores = scores[:, 1:]
    _, idx = jax.lax.top_k(patch_scores, keep)
    idx = jnp.sort(idx, axis=1)
    cls_idx = jnp.zeros((B, 1), dtype=idx.dtype)
    keep_idx = jnp.concatenate([cls_idx, idx + 1], axis=1)  # [B, keep+1]
    qkv_g = jnp.take_along_axis(qkv, keep_idx[:, :, None], axis=1)  # [B, Np, 3C]
    Np = qkv_g.shape[1]
    qkv_r = qkv_g.reshape(B, Np, 3, num_heads, head_dim).transpose(2, 0, 3, 1, 4)
    q, k, v = qkv_r[0], qkv_r[1], qkv_r[2]
    attn = jax.nn.softmax(jnp.einsum('bhnd,bhmd->bhnm', q, k) * scale, axis=-1)
    out = jnp.einsum('bhnm,bhmd->bhnd', attn, v).transpose(0, 2, 1, 3).reshape(B, Np, C)
    out = out @ W_proj + b_proj  # proj_drop is identity in eval
    next_scores = jnp.take_along_axis(scores, keep_idx, axis=1)
    return (out, keep_idx, next_scores)

if __name__ == "__main__":
    import jax
    _d = setup_inputs()
    print(jax.jit(kernel)(*tuple(_d.values())))

</pallas_src>

<mosaic_0001>
#map = affine_map<(d0, d1) -> (0, 0)>
module attributes {stable_mosaic.version = 14 : i64} {
  func.func @gather_kernel(%arg0: i32, %arg1: i32, %arg2: memref<18464x2304xf32, #tpu.memory_space<hbm>>, %arg3: memref<32x416xi32, #tpu.memory_space<hbm>>, %arg4: memref<13056x2304xf32, #tpu.memory_space<hbm>>, %arg5: memref<416xi32, #tpu.memory_space<vmem>>, %arg6: memref<24x2304xf32, #tpu.memory_space<vmem>>, %arg7: memref<24x2304xf32, #tpu.memory_space<vmem>>, %arg8: memref<!tpu.dma_semaphore, #tpu.memory_space<semaphore_mem>>, %arg9: memref<!tpu.dma_semaphore, #tpu.memory_space<semaphore_mem>>, %arg10: memref<!tpu.dma_semaphore, #tpu.memory_space<semaphore_mem>>, %arg11: memref<!tpu.dma_semaphore, #tpu.memory_space<semaphore_mem>>) attributes {dimension_semantics = [#tpu.dimension_semantics<core_parallel>, #tpu.dimension_semantics<subcore_parallel>], iteration_bounds = array<i64: 2, 16>, scalar_prefetch = 0 : i64, scratch_operands = 7 : i64, tpu.core_type = #tpu.core_type<sc_vector_subcore>, window_params = [{transform_indices = #map}, {transform_indices = #map}, {transform_indices = #map}]} {
    %mul3A = arith.constant 2 : i32
    %mul3A_0 = arith.muli %arg1, %mul3A : i32
    %add3A = arith.addi %mul3A_0, %arg0 : i32
    %jit3A = arith.constant 1 : i32
    %div3A = arith.divsi %add3A, %jit3A : i32
    %sign3A = arith.constant 0 : i32
    %sign3A_1 = arith.cmpi sgt, %add3A, %sign3A : i32
    %sign3A_2 = arith.extui %sign3A_1 : i1 to i32
    %sign3A_3 = arith.constant 0 : i32
    %sign3A_4 = arith.cmpi slt, %add3A, %sign3A_3 : i32
    %sign3A_5 = arith.extui %sign3A_4 : i1 to i32
    %sign3A_6 = arith.subi %sign3A_2, %sign3A_5 : i32
    %sign3A_7 = arith.constant 0 : i32
    %sign3A_8 = arith.cmpi sgt, %jit3A, %sign3A_7 : i32
    %sign3A_9 = arith.extui %sign3A_8 : i1 to i32
    %sign3A_10 = arith.constant 0 : i32
    %sign3A_11 = arith.cmpi slt, %jit3A, %sign3A_10 : i32
    %sign3A_12 = arith.extui %sign3A_11 : i1 to i32
    %sign3A_13 = arith.subi %sign3A_9, %sign3A_12 : i32
    %ne3A = arith.cmpi ne, %sign3A_6, %sign3A_13 : i32
    %rem3A = arith.remsi %add3A, %jit3A : i32
    %ne3A_14 = arith.constant 0 : i32
    %ne3A_15 = arith.cmpi ne, %rem3A, %ne3A_14 : i32
    %and3A = arith.andi %ne3A, %ne3A_15 : i1
    %sub3A = arith.constant 1 : i32
    %sub3A_16 = arith.subi %div3A, %sub3A : i32
    %select_n3A = arith.select %and3A, %sub3A_16, %div3A : i32
    "tpu.region"() ({
      %run_scoped3A = tpu.sem_alloc : memref<!tpu.dma_semaphore, #tpu.memory_space<semaphore_mem>>
      %dma_start3A_967 = arith.constant 0 : i32
      %dma_start3A_968 = tpu.memref_slice %arg3[%select_n3A, %dma_start3A_967] : memref<32x416xi32, #tpu.memory_space<hbm>> -> memref<1x416xi32, #tpu.memory_space<hbm>>
      %dma_start3A_969 = tpu.memref_squeeze %dma_start3A_968 : memref<1x416xi32, #tpu.memory_space<hbm>> -> memref<416xi32, #tpu.memory_space<hbm>>
      %dma_start3A_970 = arith.constant 0 : i32
      %dma_start3A_971 = tpu.memref_slice %arg3[%select_n3A, %dma_start3A_970] : memref<32x416xi32, #tpu.memory_space<hbm>> -> memref<1x416xi32, #tpu.memory_space<hbm>>
      %dma_start3A_972 = tpu.memref_squeeze %dma_start3A_971 : memref<1x416xi32, #tpu.memory_space<hbm>> -> memref<416xi32, #tpu.memory_space<hbm>>
      tpu.enqueue_dma source(%dma_start3A_972 : memref<416xi32, #tpu.memory_space<hbm>>) target(%arg5 : memref<416xi32, #tpu.memory_space<vmem>>) target_semaphore(%run_scoped3A : memref<!tpu.dma_semaphore, #tpu.memory_space<semaphore_mem>>)
      %dma_wait3A_973 = arith.constant 0 : i32
      %dma_wait3A_974 = tpu.memref_slice %arg3[%select_n3A, %dma_wait3A_973] : memref<32x416xi32, #tpu.memory_space<hbm>> -> memref<1x416xi32, #tpu.memory_space<hbm>>
      %dma_wait3A_975 = tpu.memref_squeeze %dma_wait3A_974 : memref<1x416xi32, #tpu.memory_space<hbm>> -> memref<416xi32, #tpu.memory_space<hbm>>
      %dma_wait3A_976 = arith.constant 0 : i32
      %dma_wait3A_977 = tpu.memref_slice %arg3[%select_n3A, %dma_wait3A_976] : memref<32x416xi32, #tpu.memory_space<hbm>> -> memref<1x416xi32, #tpu.memory_space<hbm>>
      %dma_wait3A_978 = tpu.memref_squeeze %dma_wait3A_977 : memref<1x416xi32, #tpu.memory_space<hbm>> -> memref<416xi32, #tpu.memory_space<hbm>>
      tpu.wait_dma2 semaphore(%run_scoped3A : memref<!tpu.dma_semaphore, #tpu.memory_space<semaphore_mem>>) src(%dma_wait3A_978 : memref<416xi32, #tpu.memory_space<hbm>>) dst(%arg5 : memref<416xi32, #tpu.memory_space<vmem>>)
      tpu.yield
    }) : () -> ()
    %mul3A_17 = arith.constant 408 : i32
    %mul3A_18 = arith.muli %add3A, %mul3A_17 : i32
    %jit3A_19 = arith.constant 1 : i32
    %eq3A = arith.constant 0 : i32
    %eq3A_20 = arith.cmpi eq, %jit3A_19, %eq3A : i32
    %jit3A_21 = arith.constant 1 : i32
    %select_n3A_22 = arith.select %eq3A_20, %jit3A_21, %jit3A_19 : i32
    %rem3A_23 = arith.remsi %add3A, %select_n3A_22 : i32
    %ne3A_24 = arith.constant 0 : i32
    %ne3A_25 = arith.cmpi ne, %rem3A_23, %ne3A_24 : i32
    %lt3A = arith.constant 0 : i32
    %lt3A_26 = arith.cmpi slt, %rem3A_23, %lt3A : i32
    %lt3A_27 = arith.constant 0 : i32
    %lt3A_28 = arith.cmpi slt, %select_n3A_22, %lt3A_27 : i32
    %ne3A_29 = arith.xori %lt3A_26, %lt3A_28 : i1
    %and3A_30 = arith.andi %ne3A_29, %ne3A_25 : i1
    %add3A_31 = arith.addi %rem3A_23, %select_n3A_22 : i32
    %select_n3A_32 = arith.select %and3A_30, %add3A_31, %rem3A_23 : i32
    %mul3A_33 = arith.constant 408 : i32
    %mul3A_34 = arith.muli %select_n3A_32, %mul3A_33 : i32
    %add3A_35 = arith.constant 0 : i32
    %add3A_36 = arith.addi %mul3A_34, %add3A_35 : i32
    %dma_start3A = arith.constant 0 : i32
    %dma_start3A_37 = arith.constant 0 : i32
    %dma_start3A_38 = tpu.memref_slice %arg6[%dma_start3A, %dma_start3A_37] : memref<24x2304xf32, #tpu.memory_space<vmem>> -> memref<24x2304xf32, #tpu.memory_space<vmem>>
    %dma_start3A_39 = tpu.memref_slice %arg5[%add3A_36] : memref<416xi32, #tpu.memory_space<vmem>> -> memref<24xi32, #tpu.memory_space<vmem>>
    %dma_start3A_40 = arith.constant 0 : i32
    %dma_start3A_41 = arith.constant 0 : i32
    %dma_start3A_42 = tpu.memref_slice %arg2[%dma_start3A_40, %dma_start3A_41] : memref<18464x2304xf32, #tpu.memory_space<hbm>> -> memref<18464x2304xf32, #tpu.memory_space<hbm>>
    tpu.enqueue_indirect_dma source(%dma_start3A_42 : memref<18464x2304xf32, #tpu.memory_space<hbm>>) target(%dma_start3A_38 : memref<24x2304xf32, #tpu.memory_space<vmem>>) offsets(%dma_start3A_39 : memref<24xi32, #tpu.memory_space<vmem>>) semaphore(%arg8 : memref<!tpu.dma_semaphore, #tpu.memory_space<semaphore_mem>>)
    %dma_wait3A = arith.constant 0 : i32
    %dma_wait3A_43 = arith.constant 0 : i32
    %dma_wait3A_44 = tpu.memref_slice %arg6[%dma_wait3A, %dma_wait3A_43] : memref<24x2304xf32, #tpu.memory_space<vmem>> -> memref<24x2304xf32, #tpu.memory_space<vmem>>
    %dma_wait3A_45 = tpu.memref_slice %arg5[%add3A_36] : memref<416xi32, #tpu.memory_space<vmem>> -> memref<24xi32, #tpu.memory_space<vmem>>
    %dma_wait3A_46 = arith.constant 0 : i32
    %dma_wait3A_47 = arith.constant 0 : i32
    %dma_wait3A_48 = tpu.memref_slice %arg2[%dma_wait3A_46, %dma_wait3A_47] : memref<18464x2304xf32, #tpu.memory_space<hbm>> -> memref<18464x2304xf32, #tpu.memory_space<hbm>>
    tpu.wait_indirect_dma semaphore(%arg8 : memref<!tpu.dma_semaphore, #tpu.memory_space<semaphore_mem>>) src(%dma_wait3A_48 : memref<18464x2304xf32, #tpu.memory_space<hbm>>) dst(%dma_wait3A_44 : memref<24x2304xf32, #tpu.memory_space<vmem>>)
    %add3A_49 = arith.constant 0 : i32
    %add3A_50 = arith.addi %mul3A_18, %add3A_49 : i32
    %dma_start3A_51 = arith.constant 0 : i32
    %dma_start3A_52 = arith.constant 0 : i32
    %dma_start3A_53 = tpu.memref_slice %arg6[%dma_start3A_51, %dma_start3A_52] : memref<24x2304xf32, #tpu.memory_space<vmem>> -> memref<24x2304xf32, #tpu.memory_space<vmem>>
    %dma_start3A_54 = arith.constant 0 : i32
    %dma_start3A_55 = tpu.memref_slice %arg4[%add3A_50, %dma_start3A_54] : memref<13056x2304xf32, #tpu.memory_space<hbm>> -> memref<24x2304xf32, #tpu.memory_space<hbm>>
    %dma_start3A_56 = arith.constant 0 : i32
    %dma_start3A_57 = tpu.memref_slice %arg4[%add3A_50, %dma_start3A_56] : memref<13056x2304xf32, #tpu.memory_space<hbm>> -> memref<24x2304xf32, #tpu.memory_space<hbm>>
    %dma_start3A_58 = arith.constant 0 : i32
    %dma_start3A_59 = arith.constant 0 : i32
    %dma_start3A_60 = tpu.memref_slice %arg6[%dma_start3A_58, %dma_start3A_59] : memref<24x2304xf32, #tpu.memory_space<vmem>> -> memref<24x2304xf32, #tpu.memory_space<vmem>>
    tpu.enqueue_dma source(%dma_start3A_60 : memref<24x2304xf32, #tpu.memory_space<vmem>>) target(%dma_start3A_57 : memref<24x2304xf32, #tpu.memory_space<hbm>>) target_semaphore(%arg10 : memref<!tpu.dma_semaphore, #tpu.memory_space<semaphore_mem>>)
    %jit3A_61 = arith.constant 1 : i32
    %eq3A_62 = arith.constant 0 : i32
    %eq3A_63 = arith.cmpi eq, %jit3A_61, %eq3A_62 : i32
    %jit3A_64 = arith.constant 1 : i32
    %select_n3A_65 = arith.select %eq3A_63, %jit3A_64, %jit3A_61 : i32
    %rem3A_66 = arith.remsi %add3A, %select_n3A_65 : i32
    %ne3A_67 = arith.constant 0 : i32
    %ne3A_68 = arith.cmpi ne, %rem3A_66, %ne3A_67 : i32
    %lt3A_69 = arith.constant 0 : i32
    %lt3A_70 = arith.cmpi slt, %rem3A_66, %lt3A_69 : i32
    %lt3A_71 = arith.constant 0 : i32
    %lt3A_72 = arith.cmpi slt, %select_n3A_65, %lt3A_71 : i32
    %ne3A_73 = arith.xori %lt3A_70, %lt3A_72 : i1
    %and3A_74 = arith.andi %ne3A_73, %ne3A_68 : i1
    %add3A_75 = arith.addi %rem3A_66, %select_n3A_65 : i32
    %select_n3A_76 = arith.select %and3A_74, %add3A_75, %rem3A_66 : i32
    %mul3A_77 = arith.constant 408 : i32
    %mul3A_78 = arith.muli %select_n3A_76, %mul3A_77 : i32
    %add3A_79 = arith.constant 24 : i32
    %add3A_80 = arith.addi %mul3A_78, %add3A_79 : i32
    %dma_start3A_81 = arith.constant 0 : i32
    %dma_start3A_82 = arith.constant 0 : i32
    %dma_start3A_83 = tpu.memref_slice %arg7[%dma_start3A_81, %dma_start3A_82] : memref<24x2304xf32, #tpu.memory_space<vmem>> -> memref<24x2304xf32, #tpu.memory_space<vmem>>
    %dma_start3A_84 = tpu.memref_slice %arg5[%add3A_80] : memref<416xi32, #tpu.memory_space<vmem>> -> memref<24xi32, #tpu.memory_space<vmem>>
    %dma_start3A_85 = arith.constant 0 : i32
    %dma_start3A_86 = arith.constant 0 : i32
    %dma_start3A_87 = tpu.memref_slice %arg2[%dma_start3A_85, %dma_start3A_86] : memref<18464x2304xf32, #tpu.memory_space<hbm>> -> memref<18464x2304xf32, #tpu.memory_space<hbm>>
    tpu.enqueue_indirect_dma source(%dma_start3A_87 : memref<18464x2304xf32, #tpu.memory_space<hbm>>) target(%dma_start3A_83 : memref<24x2304xf32, #tpu.memory_space<vmem>>) offsets(%dma_start3A_84 : memref<24xi32, #tpu.memory_space<vmem>>) semaphore(%arg9 : memref<!tpu.dma_semaphore, #tpu.memory_space<semaphore_mem>>)
    %dma_wait3A_88 = arith.constant 0 : i32
    %dma_wait3A_89 = arith.constant 0 : i32
    %dma_wait3A_90 = tpu.memref_slice %arg7[%dma_wait3A_88, %dma_wait3A_89] : memref<24x2304xf32, #tpu.memory_space<vmem>> -> memref<24x2304xf32, #tpu.memory_space<vmem>>
    %dma_wait3A_91 = tpu.memref_slice %arg5[%add3A_80] : memref<416xi32, #tpu.memory_space<vmem>> -> memref<24xi32, #tpu.memory_space<vmem>>
    %dma_wait3A_92 = arith.constant 0 : i32
    %dma_wait3A_93 = arith.constant 0 : i32
    %dma_wait3A_94 = tpu.memref_slice %arg2[%dma_wait3A_92, %dma_wait3A_93] : memref<18464x2304xf32, #tpu.memory_space<hbm>> -> memref<18464x2304xf32, #tpu.memory_space<hbm>>
    tpu.wait_indirect_dma semaphore(%arg9 : memref<!tpu.dma_semaphore, #tpu.memory_space<semaphore_mem>>) src(%dma_wait3A_94 : memref<18464x2304xf32, #tpu.memory_space<hbm>>) dst(%dma_wait3A_90 : memref<24x2304xf32, #tpu.memory_space<vmem>>)
    %add3A_95 = arith.constant 24 : i32
    %add3A_96 = arith.addi %mul3A_18, %add3A_95 : i32
    %dma_start3A_97 = arith.constant 0 : i32
    %dma_start3A_98 = arith.constant 0 : i32
    %dma_start3A_99 = tpu.memref_slice %arg7[%dma_start3A_97, %dma_start3A_98] : memref<24x2304xf32, #tpu.memory_space<vmem>> -> memref<24x2304xf32, #tpu.memory_space<vmem>>
    %dma_start3A_100 = arith.constant 0 : i32
    %dma_start3A_101 = tpu.memref_slice %arg4[%add3A_96, %dma_start3A_100] : memref<13056x2304xf32, #tpu.memory_space<hbm>> -> memref<24x2304xf32, #tpu.memory_space<hbm>>
    %dma_start3A_102 = arith.constant 0 : i32
    %dma_start3A_103 = tpu.memref_slice %arg4[%add3A_96, %dma_start3A_102] : memref<13056x2304xf32, #tpu.memory_space<hbm>> -> memref<24x2304xf32, #tpu.memory_space<hbm>>
    %dma_start3A_104 = arith.constant 0 : i32
    %dma_start3A_105 = arith.constant 0 : i32
    %dma_start3A_106 = tpu.memref_slice %arg7[%dma_start3A_104, %dma_start3A_105] : memref<24x2304xf32, #tpu.memory_space<vmem>> -> memref<24x2304xf32, #tpu.memory_space<vmem>>
    tpu.enqueue_dma source(%dma_start3A_106 : memref<24x2304xf32, #tpu.memory_space<vmem>>) target(%dma_start3A_103 : memref<24x2304xf32, #tpu.memory_space<hbm>>) target_semaphore(%arg11 : memref<!tpu.dma_semaphore, #tpu.memory_space<semaphore_mem>>)
    %dma_wait3A_107 = arith.constant 0 : i32
    %dma_wait3A_108 = arith.constant 0 : i32
    %dma_wait3A_109 = tpu.memref_slice %arg6[%dma_wait3A_107, %dma_wait3A_108] : memref<24x2304xf32, #tpu.memory_space<vmem>> -> memref<24x2304xf32, #tpu.memory_space<vmem>>
    %dma_wait3A_110 = arith.constant 0 : i32
    %dma_wait3A_111 = tpu.memref_slice %arg4[%add3A_50, %dma_wait3A_110] : memref<13056x2304xf32, #tpu.memory_space<hbm>> -> memref<24x2304xf32, #tpu.memory_space<hbm>>
    %dma_wait3A_112 = arith.constant 0 : i32
    %dma_wait3A_113 = tpu.memref_slice %arg4[%add3A_50, %dma_wait3A_112] : memref<13056x2304xf32, #tpu.memory_space<hbm>> -> memref<24x2304xf32, #tpu.memory_space<hbm>>
    %dma_wait3A_114 = arith.constant 0 : i32
    %dma_wait3A_115 = arith.constant 0 : i32
    %dma_wait3A_116 = tpu.memref_slice %arg6[%dma_wait3A_114, %dma_wait3A_115] : memref<24x2304xf32, #tpu.memory_space<vmem>> -> memref<24x2304xf32, #tpu.memory_space<vmem>>
    tpu.wait_dma2 semaphore(%arg10 : memref<!tpu.dma_semaphore, #tpu.memory_space<semaphore_mem>>) src(%dma_wait3A_116 : memref<24x2304xf32, #tpu.memory_space<vmem>>) dst(%dma_wait3A_113 : memref<24x2304xf32, #tpu.memory_space<hbm>>)
    %jit3A_117 = arith.constant 1 : i32
    %eq3A_118 = arith.constant 0 : i32
    %eq3A_119 = arith.cmpi eq, %jit3A_117, %eq3A_118 : i32
    %jit3A_120 = arith.constant 1 : i32
    %select_n3A_121 = arith.select %eq3A_119, %jit3A_120, %jit3A_117 : i32
    %rem3A_122 = arith.remsi %add3A, %select_n3A_121 : i32
    %ne3A_123 = arith.constant 0 : i32
    %ne3A_124 = arith.cmpi ne, %rem3A_122, %ne3A_123 : i32
    %lt3A_125 = arith.constant 0 : i32
    %lt3A_126 = arith.cmpi slt, %rem3A_122, %lt3A_125 : i32
    %lt3A_127 = arith.constant 0 : i32
    %lt3A_128 = arith.cmpi slt, %select_n3A_121, %lt3A_127 : i32
    %ne3A_129 = arith.xori %lt3A_126, %lt3A_128 : i1
    %and3A_130 = arith.andi %ne3A_129, %ne3A_124 : i1
    %add3A_131 = arith.addi %rem3A_122, %select_n3A_121 : i32
    %select_n3A_132 = arith.select %and3A_130, %add3A_131, %rem3A_122 : i32
    %mul3A_133 = arith.constant 408 : i32
    %mul3A_134 = arith.muli %select_n3A_132, %mul3A_133 : i32
    %add3A_135 = arith.constant 48 : i32
    %add3A_136 = arith.addi %mul3A_134, %add3A_135 : i32
    %dma_start3A_137 = arith.constant 0 : i32
    %dma_start3A_138 = arith.constant 0 : i32
    %dma_start3A_139 = tpu.memref_slice %arg6[%dma_start3A_137, %dma_start3A_138] : memref<24x2304xf32, #tpu.memory_space<vmem>> -> memref<24x2304xf32, #tpu.memory_space<vmem>>
    %dma_start3A_140 = tpu.memref_slice %arg5[%add3A_136] : memref<416xi32, #tpu.memory_space<vmem>> -> memref<24xi32, #tpu.memory_space<vmem>>
    %dma_start3A_141 = arith.constant 0 : i32
    %dma_start3A_142 = arith.constant 0 : i32
    %dma_start3A_143 = tpu.memref_slice %arg2[%dma_start3A_141, %dma_start3A_142] : memref<18464x2304xf32, #tpu.memory_space<hbm>> -> memref<18464x2304xf32, #tpu.memory_space<hbm>>
    tpu.enqueue_indirect_dma source(%dma_start3A_143 : memref<18464x2304xf32, #tpu.memory_space<hbm>>) target(%dma_start3A_139 : memref<24x2304xf32, #tpu.memory_space<vmem>>) offsets(%dma_start3A_140 : memref<24xi32, #tpu.memory_space<vmem>>) semaphore(%arg8 : memref<!tpu.dma_semaphore, #tpu.memory_space<semaphore_mem>>)
    %dma_wait3A_144 = arith.constant 0 : i32
    %dma_wait3A_145 = arith.constant 0 : i32
    %dma_wait3A_146 = tpu.memref_slice %arg6[%dma_wait3A_144, %dma_wait3A_145] : memref<24x2304xf32, #tpu.memory_space<vmem>> -> memref<24x2304xf32, #tpu.memory_space<vmem>>
    %dma_wait3A_147 = tpu.memref_slice %arg5[%add3A_136] : memref<416xi32, #tpu.memory_space<vmem>> -> memref<24xi32, #tpu.memory_space<vmem>>
    %dma_wait3A_148 = arith.constant 0 : i32
    %dma_wait3A_149 = arith.constant 0 : i32
    %dma_wait3A_150 = tpu.memref_slice %arg2[%dma_wait3A_148, %dma_wait3A_149] : memref<18464x2304xf32, #tpu.memory_space<hbm>> -> memref<18464x2304xf32, #tpu.memory_space<hbm>>
    tpu.wait_indirect_dma semaphore(%arg8 : memref<!tpu.dma_semaphore, #tpu.memory_space<semaphore_mem>>) src(%dma_wait3A_150 : memref<18464x2304xf32, #tpu.memory_space<hbm>>) dst(%dma_wait3A_146 : memref<24x2304xf32, #tpu.memory_space<vmem>>)
    %add3A_151 = arith.constant 48 : i32
    %add3A_152 = arith.addi %mul3A_18, %add3A_151 : i32
    %dma_start3A_153 = arith.constant 0 : i32
    %dma_start3A_154 = arith.constant 0 : i32
    %dma_start3A_155 = tpu.memref_slice %arg6[%dma_start3A_153, %dma_start3A_154] : memref<24x2304xf32, #tpu.memory_space<vmem>> -> memref<24x2304xf32, #tpu.memory_space<vmem>>
    %dma_start3A_156 = arith.constant 0 : i32
    %dma_start3A_157 = tpu.memref_slice %arg4[%add3A_152, %dma_start3A_156] : memref<13056x2304xf32, #tpu.memory_space<hbm>> -> memref<24x2304xf32, #tpu.memory_space<hbm>>
    %dma_start3A_158 = arith.constant 0 : i32
    %dma_start3A_159 = tpu.memref_slice %arg4[%add3A_152, %dma_start3A_158] : memref<13056x2304xf32, #tpu.memory_space<hbm>> -> memref<24x2304xf32, #tpu.memory_space<hbm>>
    %dma_start3A_160 = arith.constant 0 : i32
    %dma_start3A_161 = arith.constant 0 : i32
    %dma_start3A_162 = tpu.memref_slice %arg6[%dma_start3A_160, %dma_start3A_161] : memref<24x2304xf32, #tpu.memory_space<vmem>> -> memref<24x2304xf32, #tpu.memory_space<vmem>>
    tpu.enqueue_dma source(%dma_start3A_162 : memref<24x2304xf32, #tpu.memory_space<vmem>>) target(%dma_start3A_159 : memref<24x2304xf32, #tpu.memory_space<hbm>>) target_semaphore(%arg10 : memref<!tpu.dma_semaphore, #tpu.memory_space<semaphore_mem>>)
    %dma_wait3A_163 = arith.constant 0 : i32
    %dma_wait3A_164 = arith.constant 0 : i32
    %dma_wait3A_165 = tpu.memref_slice %arg7[%dma_wait3A_163, %dma_wait3A_164] : memref<24x2304xf32, #tpu.memory_space<vmem>> -> memref<24x2304xf32, #tpu.memory_space<vmem>>
    %dma_wait3A_166 = arith.constant 0 : i32
    %dma_wait3A_167 = tpu.memref_slice %arg4[%add3A_96, %dma_wait3A_166] : memref<13056x2304xf32, #tpu.memory_space<hbm>> -> memref<24x2304xf32, #tpu.memory_space<hbm>>
    %dma_wait3A_168 = arith.constant 0 : i32
    %dma_wait3A_169 = tpu.memref_slice %arg4[%add3A_96, %dma_wait3A_168] : memref<13056x2304xf32, #tpu.memory_space<hbm>> -> memref<24x2304xf32, #tpu.memory_space<hbm>>
    %dma_wait3A_170 = arith.constant 0 : i32
    %dma_wait3A_171 = arith.constant 0 : i32
    %dma_wait3A_172 = tpu.memref_slice %arg7[%dma_wait3A_170, %dma_wait3A_171] : memref<24x2304xf32, #tpu.memory_space<vmem>> -> memref<24x2304xf32, #tpu.memory_space<vmem>>
    tpu.wait_dma2 semaphore(%arg11 : memref<!tpu.dma_semaphore, #tpu.memory_space<semaphore_mem>>) src(%dma_wait3A_172 : memref<24x2304xf32, #tpu.memory_space<vmem>>) dst(%dma_wait3A_169 : memref<24x2304xf32, #tpu.memory_space<hbm>>)
    %jit3A_173 = arith.constant 1 : i32
    %eq3A_174 = arith.constant 0 : i32
    %eq3A_175 = arith.cmpi eq, %jit3A_173, %eq3A_174 : i32
    %jit3A_176 = arith.constant 1 : i32
    %select_n3A_177 = arith.select %eq3A_175, %jit3A_176, %jit3A_173 : i32
    %rem3A_178 = arith.remsi %add3A, %select_n3A_177 : i32
    %ne3A_179 = arith.constant 0 : i32
    %ne3A_180 = arith.cmpi ne, %rem3A_178, %ne3A_179 : i32
    %lt3A_181 = arith.constant 0 : i32
    %lt3A_182 = arith.cmpi slt, %rem3A_178, %lt3A_181 : i32
    %lt3A_183 = arith.constant 0 : i32
    %lt3A_184 = arith.cmpi slt, %select_n3A_177, %lt3A_183 : i32
    %ne3A_185 = arith.xori %lt3A_182, %lt3A_184 : i1
    %and3A_186 = arith.andi %ne3A_185, %ne3A_180 : i1
    %add3A_187 = arith.addi %rem3A_178, %select_n3A_177 : i32
    %select_n3A_188 = arith.select %and3A_186, %add3A_187, %rem3A_178 : i32
    %mul3A_189 = arith.constant 408 : i32
    %mul3A_190 = arith.muli %select_n3A_188, %mul3A_189 : i32
    %add3A_191 = arith.constant 72 : i32
    %add3A_192 = arith.addi %mul3A_190, %add3A_191 : i32
    %dma_start3A_193 = arith.constant 0 : i32
    %dma_start3A_194 = arith.constant 0 : i32
    %dma_start3A_195 = tpu.memref_slice %arg7[%dma_start3A_193, %dma_start3A_194] : memref<24x2304xf32, #tpu.memory_space<vmem>> -> memref<24x2304xf32, #tpu.memory_space<vmem>>
    %dma_start3A_196 = tpu.memref_slice %arg5[%add3A_192] : memref<416xi32, #tpu.memory_space<vmem>> -> memref<24xi32, #tpu.memory_space<vmem>>
    %dma_start3A_197 = arith.constant 0 : i32
    %dma_start3A_198 = arith.constant 0 : i32
    %dma_start3A_199 = tpu.memref_slice %arg2[%dma_start3A_197, %dma_start3A_198] : memref<18464x2304xf32, #tpu.memory_space<hbm>> -> memref<18464x2304xf32, #tpu.memory_space<hbm>>
    tpu.enqueue_indirect_dma source(%dma_start3A_199 : memref<18464x2304xf32, #tpu.memory_space<hbm>>) target(%dma_start3A_195 : memref<24x2304xf32, #tpu.memory_space<vmem>>) offsets(%dma_start3A_196 : memref<24xi32, #tpu.memory_space<vmem>>) semaphore(%arg9 : memref<!tpu.dma_semaphore, #tpu.memory_space<semaphore_mem>>)
    %dma_wait3A_200 = arith.constant 0 : i32
    %dma_wait3A_201 = arith.constant 0 : i32
    %dma_wait3A_202 = tpu.memref_slice %arg7[%dma_wait3A_200, %dma_wait3A_201] : memref<24x2304xf32, #tpu.memory_space<vmem>> -> memref<24x2304xf32, #tpu.memory_space<vmem>>
    %dma_wait3A_203 = tpu.memref_slice %arg5[%add3A_192] : memref<416xi32, #tpu.memory_space<vmem>> -> memref<24xi32, #tpu.memory_space<vmem>>
    %dma_wait3A_204 = arith.constant 0 : i32
    %dma_wait3A_205 = arith.constant 0 : i32
    %dma_wait3A_206 = tpu.memref_slice %arg2[%dma_wait3A_204, %dma_wait3A_205] : memref<18464x2304xf32, #tpu.memory_space<hbm>> -> memref<18464x2304xf32, #tpu.memory_space<hbm>>
    tpu.wait_indirect_dma semaphore(%arg9 : memref<!tpu.dma_semaphore, #tpu.memory_space<semaphore_mem>>) src(%dma_wait3A_206 : memref<18464x2304xf32, #tpu.memory_space<hbm>>) dst(%dma_wait3A_202 : memref<24x2304xf32, #tpu.memory_space<vmem>>)
    %add3A_207 = arith.constant 72 : i32
    %add3A_208 = arith.addi %mul3A_18, %add3A_207 : i32
    %dma_start3A_209 = arith.constant 0 : i32
    %dma_start3A_210 = arith.constant 0 : i32
    %dma_start3A_211 = tpu.memref_slice %arg7[%dma_start3A_209, %dma_start3A_210] : memref<24x2304xf32, #tpu.memory_space<vmem>> -> memref<24x2304xf32, #tpu.memory_space<vmem>>
    %dma_start3A_212 = arith.constant 0 : i32
    %dma_start3A_213 = tpu.memref_slice %arg4[%add3A_208, %dma_start3A_212] : memref<13056x2304xf32, #tpu.memory_space<hbm>> -> memref<24x2304xf32, #tpu.memory_space<hbm>>
    %dma_start3A_214 = arith.constant 0 : i32
    %dma_start3A_215 = tpu.memref_slice %arg4[%add3A_208, %dma_start3A_214] : memref<13056x2304xf32, #tpu.memory_space<hbm>> -> memref<24x2304xf32, #tpu.memory_space<hbm>>
    %dma_start3A_216 = arith.constant 0 : i32
    %dma_start3A_217 = arith.constant 0 : i32
    %dma_start3A_218 = tpu.memref_slice %arg7[%dma_start3A_216, %dma_start3A_217] : memref<24x2304xf32, #tpu.memory_space<vmem>> -> memref<24x2304xf32, #tpu.memory_space<vmem>>
    tpu.enqueue_dma source(%dma_start3A_218 : memref<24x2304xf32, #tpu.memory_space<vmem>>) target(%dma_start3A_215 : memref<24x2304xf32, #tpu.memory_space<hbm>>) target_semaphore(%arg11 : memref<!tpu.dma_semaphore, #tpu.memory_space<semaphore_mem>>)
    %dma_wait3A_219 = arith.constant 0 : i32
    %dma_wait3A_220 = arith.constant 0 : i32
    %dma_wait3A_221 = tpu.memref_slice %arg6[%dma_wait3A_219, %dma_wait3A_220] : memref<24x2304xf32, #tpu.memory_space<vmem>> -> memref<24x2304xf32, #tpu.memory_space<vmem>>
    %dma_wait3A_222 = arith.constant 0 : i32
    %dma_wait3A_223 = tpu.memref_slice %arg4[%add3A_152, %dma_wait3A_222] : memref<13056x2304xf32, #tpu.memory_space<hbm>> -> memref<24x2304xf32, #tpu.memory_space<hbm>>
    %dma_wait3A_224 = arith.constant 0 : i32
    %dma_wait3A_225 = tpu.memref_slice %arg4[%add3A_152, %dma_wait3A_224] : memref<13056x2304xf32, #tpu.memory_space<hbm>> -> memref<24x2304xf32, #tpu.memory_space<hbm>>
    %dma_wait3A_226 = arith.constant 0 : i32
    %dma_wait3A_227 = arith.constant 0 : i32
    %dma_wait3A_228 = tpu.memref_slice %arg6[%dma_wait3A_226, %dma_wait3A_227] : memref<24x2304xf32, #tpu.memory_space<vmem>> -> memref<24x2304xf32, #tpu.memory_space<vmem>>
    tpu.wait_dma2 semaphore(%arg10 : memref<!tpu.dma_semaphore, #tpu.memory_space<semaphore_mem>>) src(%dma_wait3A_228 : memref<24x2304xf32, #tpu.memory_space<vmem>>) dst(%dma_wait3A_225 : memref<24x2304xf32, #tpu.memory_space<hbm>>)
    %jit3A_229 = arith.constant 1 : i32
    %eq3A_230 = arith.constant 0 : i32
    %eq3A_231 = arith.cmpi eq, %jit3A_229, %eq3A_230 : i32
    %jit3A_232 = arith.constant 1 : i32
    %select_n3A_233 = arith.select %eq3A_231, %jit3A_232, %jit3A_229 : i32
    %rem3A_234 = arith.remsi %add3A, %select_n3A_233 : i32
    %ne3A_235 = arith.constant 0 : i32
    %ne3A_236 = arith.cmpi ne, %rem3A_234, %ne3A_235 : i32
    %lt3A_237 = arith.constant 0 : i32
    %lt3A_238 = arith.cmpi slt, %rem3A_234, %lt3A_237 : i32
    %lt3A_239 = arith.constant 0 : i32
    %lt3A_240 = arith.cmpi slt, %select_n3A_233, %lt3A_239 : i32
    %ne3A_241 = arith.xori %lt3A_238, %lt3A_240 : i1
    %and3A_242 = arith.andi %ne3A_241, %ne3A_236 : i1
    %add3A_243 = arith.addi %rem3A_234, %select_n3A_233 : i32
    %select_n3A_244 = arith.select %and3A_242, %add3A_243, %rem3A_234 : i32
    %mul3A_245 = arith.constant 408 : i32
    %mul3A_246 = arith.muli %select_n3A_244, %mul3A_245 : i32
    %add3A_247 = arith.constant 96 : i32
    %add3A_248 = arith.addi %mul3A_246, %add3A_247 : i32
    %dma_start3A_249 = arith.constant 0 : i32
    %dma_start3A_250 = arith.constant 0 : i32
    %dma_start3A_251 = tpu.memref_slice %arg6[%dma_start3A_249, %dma_start3A_250] : memref<24x2304xf32, #tpu.memory_space<vmem>> -> memref<24x2304xf32, #tpu.memory_space<vmem>>
    %dma_start3A_252 = tpu.memref_slice %arg5[%add3A_248] : memref<416xi32, #tpu.memory_space<vmem>> -> memref<24xi32, #tpu.memory_space<vmem>>
    %dma_start3A_253 = arith.constant 0 : i32
    %dma_start3A_254 = arith.constant 0 : i32
    %dma_start3A_255 = tpu.memref_slice %arg2[%dma_start3A_253, %dma_start3A_254] : memref<18464x2304xf32, #tpu.memory_space<hbm>> -> memref<18464x2304xf32, #tpu.memory_space<hbm>>
    tpu.enqueue_indirect_dma source(%dma_start3A_255 : memref<18464x2304xf32, #tpu.memory_space<hbm>>) target(%dma_start3A_251 : memref<24x2304xf32, #tpu.memory_space<vmem>>) offsets(%dma_start3A_252 : memref<24xi32, #tpu.memory_space<vmem>>) semaphore(%arg8 : memref<!tpu.dma_semaphore, #tpu.memory_space<semaphore_mem>>)
    %dma_wait3A_256 = arith.constant 0 : i32
    %dma_wait3A_257 = arith.constant 0 : i32
    %dma_wait3A_258 = tpu.memref_slice %arg6[%dma_wait3A_256, %dma_wait3A_257] : memref<24x2304xf32, #tpu.memory_space<vmem>> -> memref<24x2304xf32, #tpu.memory_space<vmem>>
    %dma_wait3A_259 = tpu.memref_slice %arg5[%add3A_248] : memref<416xi32, #tpu.memory_space<vmem>> -> memref<24xi32, #tpu.memory_space<vmem>>
    %dma_wait3A_260 = arith.constant 0 : i32
    %dma_wait3A_261 = arith.constant 0 : i32
    %dma_wait3A_262 = tpu.memref_slice %arg2[%dma_wait3A_260, %dma_wait3A_261] : memref<18464x2304xf32, #tpu.memory_space<hbm>> -> memref<18464x2304xf32, #tpu.memory_space<hbm>>
    tpu.wait_indirect_dma semaphore(%arg8 : memref<!tpu.dma_semaphore, #tpu.memory_space<semaphore_mem>>) src(%dma_wait3A_262 : memref<18464x2304xf32, #tpu.memory_space<hbm>>) dst(%dma_wait3A_258 : memref<24x2304xf32, #tpu.memory_space<vmem>>)
    %add3A_263 = arith.constant 96 : i32
    %add3A_264 = arith.addi %mul3A_18, %add3A_263 : i32
    %dma_start3A_265 = arith.constant 0 : i32
    %dma_start3A_266 = arith.constant 0 : i32
    %dma_start3A_267 = tpu.memref_slice %arg6[%dma_start3A_265, %dma_start3A_266] : memref<24x2304xf32, #tpu.memory_space<vmem>> -> memref<24x2304xf32, #tpu.memory_space<vmem>>
    %dma_start3A_268 = arith.constant 0 : i32
    %dma_start3A_269 = tpu.memref_slice %arg4[%add3A_264, %dma_start3A_268] : memref<13056x2304xf32, #tpu.memory_space<hbm>> -> memref<24x2304xf32, #tpu.memory_space<hbm>>
    %dma_start3A_270 = arith.constant 0 : i32
    %dma_start3A_271 = tpu.memref_slice %arg4[%add3A_264, %dma_start3A_270] : memref<13056x2304xf32, #tpu.memory_space<hbm>> -> memref<24x2304xf32, #tpu.memory_space<hbm>>
    %dma_start3A_272 = arith.constant 0 : i32
    %dma_start3A_273 = arith.constant 0 : i32
    %dma_start3A_274 = tpu.memref_slice %arg6[%dma_start3A_272, %dma_start3A_273] : memref<24x2304xf32, #tpu.memory_space<vmem>> -> memref<24x2304xf32, #tpu.memory_space<vmem>>
    tpu.enqueue_dma source(%dma_start3A_274 : memref<24x2304xf32, #tpu.memory_space<vmem>>) target(%dma_start3A_271 : memref<24x2304xf32, #tpu.memory_space<hbm>>) target_semaphore(%arg10 : memref<!tpu.dma_semaphore, #tpu.memory_space<semaphore_mem>>)
    %dma_wait3A_275 = arith.constant 0 : i32
    %dma_wait3A_276 = arith.constant 0 : i32
    %dma_wait3A_277 = tpu.memref_slice %arg7[%dma_wait3A_275, %dma_wait3A_276] : memref<24x2304xf32, #tpu.memory_space<vmem>> -> memref<24x2304xf32, #tpu.memory_space<vmem>>
    %dma_wait3A_278 = arith.constant 0 : i32
    %dma_wait3A_279 = tpu.memref_slice %arg4[%add3A_208, %dma_wait3A_278] : memref<13056x2304xf32, #tpu.memory_space<hbm>> -> memref<24x2304xf32, #tpu.memory_space<hbm>>
    %dma_wait3A_280 = arith.constant 0 : i32
    %dma_wait3A_281 = tpu.memref_slice %arg4[%add3A_208, %dma_wait3A_280] : memref<13056x2304xf32, #tpu.memory_space<hbm>> -> memref<24x2304xf32, #tpu.memory_space<hbm>>
    %dma_wait3A_282 = arith.constant 0 : i32
    %dma_wait3A_283 = arith.constant 0 : i32
    %dma_wait3A_284 = tpu.memref_slice %arg7[%dma_wait3A_282, %dma_wait3A_283] : memref<24x2304xf32, #tpu.memory_space<vmem>> -> memref<24x2304xf32, #tpu.memory_space<vmem>>
    tpu.wait_dma2 semaphore(%arg11 : memref<!tpu.dma_semaphore, #tpu.memory_space<semaphore_mem>>) src(%dma_wait3A_284 : memref<24x2304xf32, #tpu.memory_space<vmem>>) dst(%dma_wait3A_281 : memref<24x2304xf32, #tpu.memory_space<hbm>>)
    %jit3A_285 = arith.constant 1 : i32
    %eq3A_286 = arith.constant 0 : i32
    %eq3A_287 = arith.cmpi eq, %jit3A_285, %eq3A_286 : i32
    %jit3A_288 = arith.constant 1 : i32
    %select_n3A_289 = arith.select %eq3A_287, %jit3A_288, %jit3A_285 : i32
    %rem3A_290 = arith.remsi %add3A, %select_n3A_289 : i32
    %ne3A_291 = arith.constant 0 : i32
    %ne3A_292 = arith.cmpi ne, %rem3A_290, %ne3A_291 : i32
    %lt3A_293 = arith.constant 0 : i32
    %lt3A_294 = arith.cmpi slt, %rem3A_290, %lt3A_293 : i32
    %lt3A_295 = arith.constant 0 : i32
    %lt3A_296 = arith.cmpi slt, %select_n3A_289, %lt3A_295 : i32
    %ne3A_297 = arith.xori %lt3A_294, %lt3A_296 : i1
    %and3A_298 = arith.andi %ne3A_297, %ne3A_292 : i1
    %add3A_299 = arith.addi %rem3A_290, %select_n3A_289 : i32
    %select_n3A_300 = arith.select %and3A_298, %add3A_299, %rem3A_290 : i32
    %mul3A_301 = arith.constant 408 : i32
    %mul3A_302 = arith.muli %select_n3A_300, %mul3A_301 : i32
    %add3A_303 = arith.constant 120 : i32
    %add3A_304 = arith.addi %mul3A_302, %add3A_303 : i32
    %dma_start3A_305 = arith.constant 0 : i32
    %dma_start3A_306 = arith.constant 0 : i32
    %dma_start3A_307 = tpu.memref_slice %arg7[%dma_start3A_305, %dma_start3A_306] : memref<24x2304xf32, #tpu.memory_space<vmem>> -> memref<24x2304xf32, #tpu.memory_space<vmem>>
    %dma_start3A_308 = tpu.memref_slice %arg5[%add3A_304] : memref<416xi32, #tpu.memory_space<vmem>> -> memref<24xi32, #tpu.memory_space<vmem>>
    %dma_start3A_309 = arith.constant 0 : i32
    %dma_start3A_310 = arith.constant 0 : i32
    %dma_start3A_311 = tpu.memref_slice %arg2[%dma_start3A_309, %dma_start3A_310] : memref<18464x2304xf32, #tpu.memory_space<hbm>> -> memref<18464x2304xf32, #tpu.memory_space<hbm>>
    tpu.enqueue_indirect_dma source(%dma_start3A_311 : memref<18464x2304xf32, #tpu.memory_space<hbm>>) target(%dma_start3A_307 : memref<24x2304xf32, #tpu.memory_space<vmem>>) offsets(%dma_start3A_308 : memref<24xi32, #tpu.memory_space<vmem>>) semaphore(%arg9 : memref<!tpu.dma_semaphore, #tpu.memory_space<semaphore_mem>>)
    %dma_wait3A_312 = arith.constant 0 : i32
    %dma_wait3A_313 = arith.constant 0 : i32
    %dma_wait3A_314 = tpu.memref_slice %arg7[%dma_wait3A_312, %dma_wait3A_313] : memref<24x2304xf32, #tpu.memory_space<vmem>> -> memref<24x2304xf32, #tpu.memory_space<vmem>>
    %dma_wait3A_315 = tpu.memref_slice %arg5[%add3A_304] : memref<416xi32, #tpu.memory_space<vmem>> -> memref<24xi32, #tpu.memory_space<vmem>>
    %dma_wait3A_316 = arith.constant 0 : i32
    %dma_wait3A_317 = arith.constant 0 : i32
    %dma_wait3A_318 = tpu.memref_slice %arg2[%dma_wait3A_316, %dma_wait3A_317] : memref<18464x2304xf32, #tpu.memory_space<hbm>> -> memref<18464x2304xf32, #tpu.memory_space<hbm>>
    tpu.wait_indirect_dma semaphore(%arg9 : memref<!tpu.dma_semaphore, #tpu.memory_space<semaphore_mem>>) src(%dma_wait3A_318 : memref<18464x2304xf32, #tpu.memory_space<hbm>>) dst(%dma_wait3A_314 : memref<24x2304xf32, #tpu.memory_space<vmem>>)
    %add3A_319 = arith.constant 120 : i32
    %add3A_320 = arith.addi %mul3A_18, %add3A_319 : i32
    %dma_start3A_321 = arith.constant 0 : i32
    %dma_start3A_322 = arith.constant 0 : i32
    %dma_start3A_323 = tpu.memref_slice %arg7[%dma_start3A_321, %dma_start3A_322] : memref<24x2304xf32, #tpu.memory_space<vmem>> -> memref<24x2304xf32, #tpu.memory_space<vmem>>
    %dma_start3A_324 = arith.constant 0 : i32
    %dma_start3A_325 = tpu.memref_slice %arg4[%add3A_320, %dma_start3A_324] : memref<13056x2304xf32, #tpu.memory_space<hbm>> -> memref<24x2304xf32, #tpu.memory_space<hbm>>
    %dma_start3A_326 = arith.constant 0 : i32
    %dma_start3A_327 = tpu.memref_slice %arg4[%add3A_320, %dma_start3A_326] : memref<13056x2304xf32, #tpu.memory_space<hbm>> -> memref<24x2304xf32, #tpu.memory_space<hbm>>
    %dma_start3A_328 = arith.constant 0 : i32
    %dma_start3A_329 = arith.constant 0 : i32
    %dma_start3A_330 = tpu.memref_slice %arg7[%dma_start3A_328, %dma_start3A_329] : memref<24x2304xf32, #tpu.memory_space<vmem>> -> memref<24x2304xf32, #tpu.memory_space<vmem>>
    tpu.enqueue_dma source(%dma_start3A_330 : memref<24x2304xf32, #tpu.memory_space<vmem>>) target(%dma_start3A_327 : memref<24x2304xf32, #tpu.memory_space<hbm>>) target_semaphore(%arg11 : memref<!tpu.dma_semaphore, #tpu.memory_space<semaphore_mem>>)
    %dma_wait3A_331 = arith.constant 0 : i32
    %dma_wait3A_332 = arith.constant 0 : i32
    %dma_wait3A_333 = tpu.memref_slice %arg6[%dma_wait3A_331, %dma_wait3A_332] : memref<24x2304xf32, #tpu.memory_space<vmem>> -> memref<24x2304xf32, #tpu.memory_space<vmem>>
    %dma_wait3A_334 = arith.constant 0 : i32
    %dma_wait3A_335 = tpu.memref_slice %arg4[%add3A_264, %dma_wait3A_334] : memref<13056x2304xf32, #tpu.memory_space<hbm>> -> memref<24x2304xf32, #tpu.memory_space<hbm>>
    %dma_wait3A_336 = arith.constant 0 : i32
    %dma_wait3A_337 = tpu.memref_slice %arg4[%add3A_264, %dma_wait3A_336] : memref<13056x2304xf32, #tpu.memory_space<hbm>> -> memref<24x2304xf32, #tpu.memory_space<hbm>>
    %dma_wait3A_338 = arith.constant 0 : i32
    %dma_wait3A_339 = arith.constant 0 : i32
    %dma_wait3A_340 = tpu.memref_slice %arg6[%dma_wait3A_338, %dma_wait3A_339] : memref<24x2304xf32, #tpu.memory_space<vmem>> -> memref<24x2304xf32, #tpu.memory_space<vmem>>
    tpu.wait_dma2 semaphore(%arg10 : memref<!tpu.dma_semaphore, #tpu.memory_space<semaphore_mem>>) src(%dma_wait3A_340 : memref<24x2304xf32, #tpu.memory_space<vmem>>) dst(%dma_wait3A_337 : memref<24x2304xf32, #tpu.memory_space<hbm>>)
    %jit3A_341 = arith.constant 1 : i32
    %eq3A_342 = arith.constant 0 : i32
    %eq3A_343 = arith.cmpi eq, %jit3A_341, %eq3A_342 : i32
    %jit3A_344 = arith.constant 1 : i32
    %select_n3A_345 = arith.select %eq3A_343, %jit3A_344, %jit3A_341 : i32
    %rem3A_346 = arith.remsi %add3A, %select_n3A_345 : i32
    %ne3A_347 = arith.constant 0 : i32
    %ne3A_348 = arith.cmpi ne, %rem3A_346, %ne3A_347 : i32
    %lt3A_349 = arith.constant 0 : i32
    %lt3A_350 = arith.cmpi slt, %rem3A_346, %lt3A_349 : i32
    %lt3A_351 = arith.constant 0 : i32
    %lt3A_352 = arith.cmpi slt, %select_n3A_345, %lt3A_351 : i32
    %ne3A_353 = arith.xori %lt3A_350, %lt3A_352 : i1
    %and3A_354 = arith.andi %ne3A_353, %ne3A_348 : i1
    %add3A_355 = arith.addi %rem3A_346, %select_n3A_345 : i32
    %select_n3A_356 = arith.select %and3A_354, %add3A_355, %rem3A_346 : i32
    %mul3A_357 = arith.constant 408 : i32
    %mul3A_358 = arith.muli %select_n3A_356, %mul3A_357 : i32
    %add3A_359 = arith.constant 144 : i32
    %add3A_360 = arith.addi %mul3A_358, %add3A_359 : i32
    %dma_start3A_361 = arith.constant 0 : i32
    %dma_start3A_362 = arith.constant 0 : i32
    %dma_start3A_363 = tpu.memref_slice %arg6[%dma_start3A_361, %dma_start3A_362] : memref<24x2304xf32, #tpu.memory_space<vmem>> -> memref<24x2304xf32, #tpu.memory_space<vmem>>
    %dma_start3A_364 = tpu.memref_slice %arg5[%add3A_360] : memref<416xi32, #tpu.memory_space<vmem>> -> memref<24xi32, #tpu.memory_space<vmem>>
    %dma_start3A_365 = arith.constant 0 : i32
    %dma_start3A_366 = arith.constant 0 : i32
    %dma_start3A_367 = tpu.memref_slice %arg2[%dma_start3A_365, %dma_start3A_366] : memref<18464x2304xf32, #tpu.memory_space<hbm>> -> memref<18464x2304xf32, #tpu.memory_space<hbm>>
    tpu.enqueue_indirect_dma source(%dma_start3A_367 : memref<18464x2304xf32, #tpu.memory_space<hbm>>) target(%dma_start3A_363 : memref<24x2304xf32, #tpu.memory_space<vmem>>) offsets(%dma_start3A_364 : memref<24xi32, #tpu.memory_space<vmem>>) semaphore(%arg8 : memref<!tpu.dma_semaphore, #tpu.memory_space<semaphore_mem>>)
    %dma_wait3A_368 = arith.constant 0 : i32
    %dma_wait3A_369 = arith.constant 0 : i32
    %dma_wait3A_370 = tpu.memref_slice %arg6[%dma_wait3A_368, %dma_wait3A_369] : memref<24x2304xf32, #tpu.memory_space<vmem>> -> memref<24x2304xf32, #tpu.memory_space<vmem>>
    %dma_wait3A_371 = tpu.memref_slice %arg5[%add3A_360] : memref<416xi32, #tpu.memory_space<vmem>> -> memref<24xi32, #tpu.memory_space<vmem>>
    %dma_wait3A_372 = arith.constant 0 : i32
    %dma_wait3A_373 = arith.constant 0 : i32
    %dma_wait3A_374 = tpu.memref_slice %arg2[%dma_wait3A_372, %dma_wait3A_373] : memref<18464x2304xf32, #tpu.memory_space<hbm>> -> memref<18464x2304xf32, #tpu.memory_space<hbm>>
    tpu.wait_indirect_dma semaphore(%arg8 : memref<!tpu.dma_semaphore, #tpu.memory_space<semaphore_mem>>) src(%dma_wait3A_374 : memref<18464x2304xf32, #tpu.memory_space<hbm>>) dst(%dma_wait3A_370 : memref<24x2304xf32, #tpu.memory_space<vmem>>)
    %add3A_375 = arith.constant 144 : i32
    %add3A_376 = arith.addi %mul3A_18, %add3A_375 : i32
    %dma_start3A_377 = arith.constant 0 : i32
    %dma_start3A_378 = arith.constant 0 : i32
    %dma_start3A_379 = tpu.memref_slice %arg6[%dma_start3A_377, %dma_start3A_378] : memref<24x2304xf32, #tpu.memory_space<vmem>> -> memref<24x2304xf32, #tpu.memory_space<vmem>>
    %dma_start3A_380 = arith.constant 0 : i32
    %dma_start3A_381 = tpu.memref_slice %arg4[%add3A_376, %dma_start3A_380] : memref<13056x2304xf32, #tpu.memory_space<hbm>> -> memref<24x2304xf32, #tpu.memory_space<hbm>>
    %dma_start3A_382 = arith.constant 0 : i32
    %dma_start3A_383 = tpu.memref_slice %arg4[%add3A_376, %dma_start3A_382] : memref<13056x2304xf32, #tpu.memory_space<hbm>> -> memref<24x2304xf32, #tpu.memory_space<hbm>>
    %dma_start3A_384 = arith.constant 0 : i32
    %dma_start3A_385 = arith.constant 0 : i32
    %dma_start3A_386 = tpu.memref_slice %arg6[%dma_start3A_384, %dma_start3A_385] : memref<24x2304xf32, #tpu.memory_space<vmem>> -> memref<24x2304xf32, #tpu.memory_space<vmem>>
    tpu.enqueue_dma source(%dma_start3A_386 : memref<24x2304xf32, #tpu.memory_space<vmem>>) target(%dma_start3A_383 : memref<24x2304xf32, #tpu.memory_space<hbm>>) target_semaphore(%arg10 : memref<!tpu.dma_semaphore, #tpu.memory_space<semaphore_mem>>)
    %dma_wait3A_387 = arith.constant 0 : i32
    %dma_wait3A_388 = arith.constant 0 : i32
    %dma_wait3A_389 = tpu.memref_slice %arg7[%dma_wait3A_387, %dma_wait3A_388] : memref<24x2304xf32, #tpu.memory_space<vmem>> -> memref<24x2304xf32, #tpu.memory_space<vmem>>
    %dma_wait3A_390 = arith.constant 0 : i32
    %dma_wait3A_391 = tpu.memref_slice %arg4[%add3A_320, %dma_wait3A_390] : memref<13056x2304xf32, #tpu.memory_space<hbm>> -> memref<24x2304xf32, #tpu.memory_space<hbm>>
    %dma_wait3A_392 = arith.constant 0 : i32
    %dma_wait3A_393 = tpu.memref_slice %arg4[%add3A_320, %dma_wait3A_392] : memref<13056x2304xf32, #tpu.memory_space<hbm>> -> memref<24x2304xf32, #tpu.memory_space<hbm>>
    %dma_wait3A_394 = arith.constant 0 : i32
    %dma_wait3A_395 = arith.constant 0 : i32
    %dma_wait3A_396 = tpu.memref_slice %arg7[%dma_wait3A_394, %dma_wait3A_395] : memref<24x2304xf32, #tpu.memory_space<vmem>> -> memref<24x2304xf32, #tpu.memory_space<vmem>>
    tpu.wait_dma2 semaphore(%arg11 : memref<!tpu.dma_semaphore, #tpu.memory_space<semaphore_mem>>) src(%dma_wait3A_396 : memref<24x2304xf32, #tpu.memory_space<vmem>>) dst(%dma_wait3A_393 : memref<24x2304xf32, #tpu.memory_space<hbm>>)
    %jit3A_397 = arith.constant 1 : i32
    %eq3A_398 = arith.constant 0 : i32
    %eq3A_399 = arith.cmpi eq, %jit3A_397, %eq3A_398 : i32
    %jit3A_400 = arith.constant 1 : i32
    %select_n3A_401 = arith.select %eq3A_399, %jit3A_400, %jit3A_397 : i32
    %rem3A_402 = arith.remsi %add3A, %select_n3A_401 : i32
    %ne3A_403 = arith.constant 0 : i32
    %ne3A_404 = arith.cmpi ne, %rem3A_402, %ne3A_403 : i32
    %lt3A_405 = arith.constant 0 : i32
    %lt3A_406 = arith.cmpi slt, %rem3A_402, %lt3A_405 : i32
    %lt3A_407 = arith.constant 0 : i32
    %lt3A_408 = arith.cmpi slt, %select_n3A_401, %lt3A_407 : i32
    %ne3A_409 = arith.xori %lt3A_406, %lt3A_408 : i1
    %and3A_410 = arith.andi %ne3A_409, %ne3A_404 : i1
    %add3A_411 = arith.addi %rem3A_402, %select_n3A_401 : i32
    %select_n3A_412 = arith.select %and3A_410, %add3A_411, %rem3A_402 : i32
    %mul3A_413 = arith.constant 408 : i32
    %mul3A_414 = arith.muli %select_n3A_412, %mul3A_413 : i32
    %add3A_415 = arith.constant 168 : i32
    %add3A_416 = arith.addi %mul3A_414, %add3A_415 : i32
    %dma_start3A_417 = arith.constant 0 : i32
    %dma_start3A_418 = arith.constant 0 : i32
    %dma_start3A_419 = tpu.memref_slice %arg7[%dma_start3A_417, %dma_start3A_418] : memref<24x2304xf32, #tpu.memory_space<vmem>> -> memref<24x2304xf32, #tpu.memory_space<vmem>>
    %dma_start3A_420 = tpu.memref_slice %arg5[%add3A_416] : memref<416xi32, #tpu.memory_space<vmem>> -> memref<24xi32, #tpu.memory_space<vmem>>
    %dma_start3A_421 = arith.constant 0 : i32
    %dma_start3A_422 = arith.constant 0 : i32
    %dma_start3A_423 = tpu.memref_slice %arg2[%dma_start3A_421, %dma_start3A_422] : memref<18464x2304xf32, #tpu.memory_space<hbm>> -> memref<18464x2304xf32, #tpu.memory_space<hbm>>
    tpu.enqueue_indirect_dma source(%dma_start3A_423 : memref<18464x2304xf32, #tpu.memory_space<hbm>>) target(%dma_start3A_419 : memref<24x2304xf32, #tpu.memory_space<vmem>>) offsets(%dma_start3A_420 : memref<24xi32, #tpu.memory_space<vmem>>) semaphore(%arg9 : memref<!tpu.dma_semaphore, #tpu.memory_space<semaphore_mem>>)
    %dma_wait3A_424 = arith.constant 0 : i32
    %dma_wait3A_425 = arith.constant 0 : i32
    %dma_wait3A_426 = tpu.memref_slice %arg7[%dma_wait3A_424, %dma_wait3A_425] : memref<24x2304xf32, #tpu.memory_space<vmem>> -> memref<24x2304xf32, #tpu.memory_space<vmem>>
    %dma_wait3A_427 = tpu.memref_slice %arg5[%add3A_416] : memref<416xi32, #tpu.memory_space<vmem>> -> memref<24xi32, #tpu.memory_space<vmem>>
    %dma_wait3A_428 = arith.constant 0 : i32
    %dma_wait3A_429 = arith.constant 0 : i32
    %dma_wait3A_430 = tpu.memref_slice %arg2[%dma_wait3A_428, %dma_wait3A_429] : memref<18464x2304xf32, #tpu.memory_space<hbm>> -> memref<18464x2304xf32, #tpu.memory_space<hbm>>
    tpu.wait_indirect_dma semaphore(%arg9 : memref<!tpu.dma_semaphore, #tpu.memory_space<semaphore_mem>>) src(%dma_wait3A_430 : memref<18464x2304xf32, #tpu.memory_space<hbm>>) dst(%dma_wait3A_426 : memref<24x2304xf32, #tpu.memory_space<vmem>>)
    %add3A_431 = arith.constant 168 : i32
    %add3A_432 = arith.addi %mul3A_18, %add3A_431 : i32
    %dma_start3A_433 = arith.constant 0 : i32
    %dma_start3A_434 = arith.constant 0 : i32
    %dma_start3A_435 = tpu.memref_slice %arg7[%dma_start3A_433, %dma_start3A_434] : memref<24x2304xf32, #tpu.memory_space<vmem>> -> memref<24x2304xf32, #tpu.memory_space<vmem>>
    %dma_start3A_436 = arith.constant 0 : i32
    %dma_start3A_437 = tpu.memref_slice %arg4[%add3A_432, %dma_start3A_436] : memref<13056x2304xf32, #tpu.memory_space<hbm>> -> memref<24x2304xf32, #tpu.memory_space<hbm>>
    %dma_start3A_438 = arith.constant 0 : i32
    %dma_start3A_439 = tpu.memref_slice %arg4[%add3A_432, %dma_start3A_438] : memref<13056x2304xf32, #tpu.memory_space<hbm>> -> memref<24x2304xf32, #tpu.memory_space<hbm>>
    %dma_start3A_440 = arith.constant 0 : i32
    %dma_start3A_441 = arith.constant 0 : i32
    %dma_start3A_442 = tpu.memref_slice %arg7[%dma_start3A_440, %dma_start3A_441] : memref<24x2304xf32, #tpu.memory_space<vmem>> -> memref<24x2304xf32, #tpu.memory_space<vmem>>
    tpu.enqueue_dma source(%dma_start3A_442 : memref<24x2304xf32, #tpu.memory_space<vmem>>) target(%dma_start3A_439 : memref<24x2304xf32, #tpu.memory_space<hbm>>) target_semaphore(%arg11 : memref<!tpu.dma_semaphore, #tpu.memory_space<semaphore_mem>>)
    %dma_wait3A_443 = arith.constant 0 : i32
    %dma_wait3A_444 = arith.constant 0 : i32
    %dma_wait3A_445 = tpu.memref_slice %arg6[%dma_wait3A_443, %dma_wait3A_444] : memref<24x2304xf32, #tpu.memory_space<vmem>> -> memref<24x2304xf32, #tpu.memory_space<vmem>>
    %dma_wait3A_446 = arith.constant 0 : i32
    %dma_wait3A_447 = tpu.memref_slice %arg4[%add3A_376, %dma_wait3A_446] : memref<13056x2304xf32, #tpu.memory_space<hbm>> -> memref<24x2304xf32, #tpu.memory_space<hbm>>
    %dma_wait3A_448 = arith.constant 0 : i32
    %dma_wait3A_449 = tpu.memref_slice %arg4[%add3A_376, %dma_wait3A_448] : memref<13056x2304xf32, #tpu.memory_space<hbm>> -> memref<24x2304xf32, #tpu.memory_space<hbm>>
    %dma_wait3A_450 = arith.constant 0 : i32
    %dma_wait3A_451 = arith.constant 0 : i32
    %dma_wait3A_452 = tpu.memref_slice %arg6[%dma_wait3A_450, %dma_wait3A_451] : memref<24x2304xf32, #tpu.memory_space<vmem>> -> memref<24x2304xf32, #tpu.memory_space<vmem>>
    tpu.wait_dma2 semaphore(%arg10 : memref<!tpu.dma_semaphore, #tpu.memory_space<semaphore_mem>>) src(%dma_wait3A_452 : memref<24x2304xf32, #tpu.memory_space<vmem>>) dst(%dma_wait3A_449 : memref<24x2304xf32, #tpu.memory_space<hbm>>)
    %jit3A_453 = arith.constant 1 : i32
    %eq3A_454 = arith.constant 0 : i32
    %eq3A_455 = arith.cmpi eq, %jit3A_453, %eq3A_454 : i32
    %jit3A_456 = arith.constant 1 : i32
    %select_n3A_457 = arith.select %eq3A_455, %jit3A_456, %jit3A_453 : i32
    %rem3A_458 = arith.remsi %add3A, %select_n3A_457 : i32
    %ne3A_459 = arith.constant 0 : i32
    %ne3A_460 = arith.cmpi ne, %rem3A_458, %ne3A_459 : i32
    %lt3A_461 = arith.constant 0 : i32
    %lt3A_462 = arith.cmpi slt, %rem3A_458, %lt3A_461 : i32
    %lt3A_463 = arith.constant 0 : i32
    %lt3A_464 = arith.cmpi slt, %select_n3A_457, %lt3A_463 : i32
    %ne3A_465 = arith.xori %lt3A_462, %lt3A_464 : i1
    %and3A_466 = arith.andi %ne3A_465, %ne3A_460 : i1
    %add3A_467 = arith.addi %rem3A_458, %select_n3A_457 : i32
    %select_n3A_468 = arith.select %and3A_466, %add3A_467, %rem3A_458 : i32
    %mul3A_469 = arith.constant 408 : i32
    %mul3A_470 = arith.muli %select_n3A_468, %mul3A_469 : i32
    %add3A_471 = arith.constant 192 : i32
    %add3A_472 = arith.addi %mul3A_470, %add3A_471 : i32
    %dma_start3A_473 = arith.constant 0 : i32
    %dma_start3A_474 = arith.constant 0 : i32
    %dma_start3A_475 = tpu.memref_slice %arg6[%dma_start3A_473, %dma_start3A_474] : memref<24x2304xf32, #tpu.memory_space<vmem>> -> memref<24x2304xf32, #tpu.memory_space<vmem>>
    %dma_start3A_476 = tpu.memref_slice %arg5[%add3A_472] : memref<416xi32, #tpu.memory_space<vmem>> -> memref<24xi32, #tpu.memory_space<vmem>>
    %dma_start3A_477 = arith.constant 0 : i32
    %dma_start3A_478 = arith.constant 0 : i32
    %dma_start3A_479 = tpu.memref_slice %arg2[%dma_start3A_477, %dma_start3A_478] : memref<18464x2304xf32, #tpu.memory_space<hbm>> -> memref<18464x2304xf32, #tpu.memory_space<hbm>>
    tpu.enqueue_indirect_dma source(%dma_start3A_479 : memref<18464x2304xf32, #tpu.memory_space<hbm>>) target(%dma_start3A_475 : memref<24x2304xf32, #tpu.memory_space<vmem>>) offsets(%dma_start3A_476 : memref<24xi32, #tpu.memory_space<vmem>>) semaphore(%arg8 : memref<!tpu.dma_semaphore, #tpu.memory_space<semaphore_mem>>)
    %dma_wait3A_480 = arith.constant 0 : i32
    %dma_wait3A_481 = arith.constant 0 : i32
    %dma_wait3A_482 = tpu.memref_slice %arg6[%dma_wait3A_480, %dma_wait3A_481] : memref<24x2304xf32, #tpu.memory_space<vmem>> -> memref<24x2304xf32, #tpu.memory_space<vmem>>
    %dma_wait3A_483 = tpu.memref_slice %arg5[%add3A_472] : memref<416xi32, #tpu.memory_space<vmem>> -> memref<24xi32, #tpu.memory_space<vmem>>
    %dma_wait3A_484 = arith.constant 0 : i32
    %dma_wait3A_485 = arith.constant 0 : i32
    %dma_wait3A_486 = tpu.memref_slice %arg2[%dma_wait3A_484, %dma_wait3A_485] : memref<18464x2304xf32, #tpu.memory_space<hbm>> -> memref<18464x2304xf32, #tpu.memory_space<hbm>>
    tpu.wait_indirect_dma semaphore(%arg8 : memref<!tpu.dma_semaphore, #tpu.memory_space<semaphore_mem>>) src(%dma_wait3A_486 : memref<18464x2304xf32, #tpu.memory_space<hbm>>) dst(%dma_wait3A_482 : memref<24x2304xf32, #tpu.memory_space<vmem>>)
    %add3A_487 = arith.constant 192 : i32
    %add3A_488 = arith.addi %mul3A_18, %add3A_487 : i32
    %dma_start3A_489 = arith.constant 0 : i32
    %dma_start3A_490 = arith.constant 0 : i32
    %dma_start3A_491 = tpu.memref_slice %arg6[%dma_start3A_489, %dma_start3A_490] : memref<24x2304xf32, #tpu.memory_space<vmem>> -> memref<24x2304xf32, #tpu.memory_space<vmem>>
    %dma_start3A_492 = arith.constant 0 : i32
    %dma_start3A_493 = tpu.memref_slice %arg4[%add3A_488, %dma_start3A_492] : memref<13056x2304xf32, #tpu.memory_space<hbm>> -> memref<24x2304xf32, #tpu.memory_space<hbm>>
    %dma_start3A_494 = arith.constant 0 : i32
    %dma_start3A_495 = tpu.memref_slice %arg4[%add3A_488, %dma_start3A_494] : memref<13056x2304xf32, #tpu.memory_space<hbm>> -> memref<24x2304xf32, #tpu.memory_space<hbm>>
    %dma_start3A_496 = arith.constant 0 : i32
    %dma_start3A_497 = arith.constant 0 : i32
    %dma_start3A_498 = tpu.memref_slice %arg6[%dma_start3A_496, %dma_start3A_497] : memref<24x2304xf32, #tpu.memory_space<vmem>> -> memref<24x2304xf32, #tpu.memory_space<vmem>>
    tpu.enqueue_dma source(%dma_start3A_498 : memref<24x2304xf32, #tpu.memory_space<vmem>>) target(%dma_start3A_495 : memref<24x2304xf32, #tpu.memory_space<hbm>>) target_semaphore(%arg10 : memref<!tpu.dma_semaphore, #tpu.memory_space<semaphore_mem>>)
    %dma_wait3A_499 = arith.constant 0 : i32
    %dma_wait3A_500 = arith.constant 0 : i32
    %dma_wait3A_501 = tpu.memref_slice %arg7[%dma_wait3A_499, %dma_wait3A_500] : memref<24x2304xf32, #tpu.memory_space<vmem>> -> memref<24x2304xf32, #tpu.memory_space<vmem>>
    %dma_wait3A_502 = arith.constant 0 : i32
    %dma_wait3A_503 = tpu.memref_slice %arg4[%add3A_432, %dma_wait3A_502] : memref<13056x2304xf32, #tpu.memory_space<hbm>> -> memref<24x2304xf32, #tpu.memory_space<hbm>>
    %dma_wait3A_504 = arith.constant 0 : i32
    %dma_wait3A_505 = tpu.memref_slice %arg4[%add3A_432, %dma_wait3A_504] : memref<13056x2304xf32, #tpu.memory_space<hbm>> -> memref<24x2304xf32, #tpu.memory_space<hbm>>
    %dma_wait3A_506 = arith.constant 0 : i32
    %dma_wait3A_507 = arith.constant 0 : i32
    %dma_wait3A_508 = tpu.memref_slice %arg7[%dma_wait3A_506, %dma_wait3A_507] : memref<24x2304xf32, #tpu.memory_space<vmem>> -> memref<24x2304xf32, #tpu.memory_space<vmem>>
    tpu.wait_dma2 semaphore(%arg11 : memref<!tpu.dma_semaphore, #tpu.memory_space<semaphore_mem>>) src(%dma_wait3A_508 : memref<24x2304xf32, #tpu.memory_space<vmem>>) dst(%dma_wait3A_505 : memref<24x2304xf32, #tpu.memory_space<hbm>>)
    %jit3A_509 = arith.constant 1 : i32
    %eq3A_510 = arith.constant 0 : i32
    %eq3A_511 = arith.cmpi eq, %jit3A_509, %eq3A_510 : i32
    %jit3A_512 = arith.constant 1 : i32
    %select_n3A_513 = arith.select %eq3A_511, %jit3A_512, %jit3A_509 : i32
    %rem3A_514 = arith.remsi %add3A, %select_n3A_513 : i32
    %ne3A_515 = arith.constant 0 : i32
    %ne3A_516 = arith.cmpi ne, %rem3A_514, %ne3A_515 : i32
    %lt3A_517 = arith.constant 0 : i32
    %lt3A_518 = arith.cmpi slt, %rem3A_514, %lt3A_517 : i32
    %lt3A_519 = arith.constant 0 : i32
    %lt3A_520 = arith.cmpi slt, %select_n3A_513, %lt3A_519 : i32
    %ne3A_521 = arith.xori %lt3A_518, %lt3A_520 : i1
    %and3A_522 = arith.andi %ne3A_521, %ne3A_516 : i1
    %add3A_523 = arith.addi %rem3A_514, %select_n3A_513 : i32
    %select_n3A_524 = arith.select %and3A_522, %add3A_523, %rem3A_514 : i32
    %mul3A_525 = arith.constant 408 : i32
    %mul3A_526 = arith.muli %select_n3A_524, %mul3A_525 : i32
    %add3A_527 = arith.constant 216 : i32
    %add3A_528 = arith.addi %mul3A_526, %add3A_527 : i32
    %dma_start3A_529 = arith.constant 0 : i32
    %dma_start3A_530 = arith.constant 0 : i32
    %dma_start3A_531 = tpu.memref_slice %arg7[%dma_start3A_529, %dma_start3A_530] : memref<24x2304xf32, #tpu.memory_space<vmem>> -> memref<24x2304xf32, #tpu.memory_space<vmem>>
    %dma_start3A_532 = tpu.memref_slice %arg5[%add3A_528] : memref<416xi32, #tpu.memory_space<vmem>> -> memref<24xi32, #tpu.memory_space<vmem>>
    %dma_start3A_533 = arith.constant 0 : i32
    %dma_start3A_534 = arith.constant 0 : i32
    %dma_start3A_535 = tpu.memref_slice %arg2[%dma_start3A_533, %dma_start3A_534] : memref<18464x2304xf32, #tpu.memory_space<hbm>> -> memref<18464x2304xf32, #tpu.memory_space<hbm>>
    tpu.enqueue_indirect_dma source(%dma_start3A_535 : memref<18464x2304xf32, #tpu.memory_space<hbm>>) target(%dma_start3A_531 : memref<24x2304xf32, #tpu.memory_space<vmem>>) offsets(%dma_start3A_532 : memref<24xi32, #tpu.memory_space<vmem>>) semaphore(%arg9 : memref<!tpu.dma_semaphore, #tpu.memory_space<semaphore_mem>>)
    %dma_wait3A_536 = arith.constant 0 : i32
    %dma_wait3A_537 = arith.constant 0 : i32
    %dma_wait3A_538 = tpu.memref_slice %arg7[%dma_wait3A_536, %dma_wait3A_537] : memref<24x2304xf32, #tpu.memory_space<vmem>> -> memref<24x2304xf32, #tpu.memory_space<vmem>>
    %dma_wait3A_539 = tpu.memref_slice %arg5[%add3A_528] : memref<416xi32, #tpu.memory_space<vmem>> -> memref<24xi32, #tpu.memory_space<vmem>>
    %dma_wait3A_540 = arith.constant 0 : i32
    %dma_wait3A_541 = arith.constant 0 : i32
    %dma_wait3A_542 = tpu.memref_slice %arg2[%dma_wait3A_540, %dma_wait3A_541] : memref<18464x2304xf32, #tpu.memory_space<hbm>> -> memref<18464x2304xf32, #tpu.memory_space<hbm>>
    tpu.wait_indirect_dma semaphore(%arg9 : memref<!tpu.dma_semaphore, #tpu.memory_space<semaphore_mem>>) src(%dma_wait3A_542 : memref<18464x2304xf32, #tpu.memory_space<hbm>>) dst(%dma_wait3A_538 : memref<24x2304xf32, #tpu.memory_space<vmem>>)
    %add3A_543 = arith.constant 216 : i32
    %add3A_544 = arith.addi %mul3A_18, %add3A_543 : i32
    %dma_start3A_545 = arith.constant 0 : i32
    %dma_start3A_546 = arith.constant 0 : i32
    %dma_start3A_547 = tpu.memref_slice %arg7[%dma_start3A_545, %dma_start3A_546] : memref<24x2304xf32, #tpu.memory_space<vmem>> -> memref<24x2304xf32, #tpu.memory_space<vmem>>
    %dma_start3A_548 = arith.constant 0 : i32
    %dma_start3A_549 = tpu.memref_slice %arg4[%add3A_544, %dma_start3A_548] : memref<13056x2304xf32, #tpu.memory_space<hbm>> -> memref<24x2304xf32, #tpu.memory_space<hbm>>
    %dma_start3A_550 = arith.constant 0 : i32
    %dma_start3A_551 = tpu.memref_slice %arg4[%add3A_544, %dma_start3A_550] : memref<13056x2304xf32, #tpu.memory_space<hbm>> -> memref<24x2304xf32, #tpu.memory_space<hbm>>
    %dma_start3A_552 = arith.constant 0 : i32
    %dma_start3A_553 = arith.constant 0 : i32
    %dma_start3A_554 = tpu.memref_slice %arg7[%dma_start3A_552, %dma_start3A_553] : memref<24x2304xf32, #tpu.memory_space<vmem>> -> memref<24x2304xf32, #tpu.memory_space<vmem>>
    tpu.enqueue_dma source(%dma_start3A_554 : memref<24x2304xf32, #tpu.memory_space<vmem>>) target(%dma_start3A_551 : memref<24x2304xf32, #tpu.memory_space<hbm>>) target_semaphore(%arg11 : memref<!tpu.dma_semaphore, #tpu.memory_space<semaphore_mem>>)
    %dma_wait3A_555 = arith.constant 0 : i32
    %dma_wait3A_556 = arith.constant 0 : i32
    %dma_wait3A_557 = tpu.memref_slice %arg6[%dma_wait3A_555, %dma_wait3A_556] : memref<24x2304xf32, #tpu.memory_space<vmem>> -> memref<24x2304xf32, #tpu.memory_space<vmem>>
    %dma_wait3A_558 = arith.constant 0 : i32
    %dma_wait3A_559 = tpu.memref_slice %arg4[%add3A_488, %dma_wait3A_558] : memref<13056x2304xf32, #tpu.memory_space<hbm>> -> memref<24x2304xf32, #tpu.memory_space<hbm>>
    %dma_wait3A_560 = arith.constant 0 : i32
    %dma_wait3A_561 = tpu.memref_slice %arg4[%add3A_488, %dma_wait3A_560] : memref<13056x2304xf32, #tpu.memory_space<hbm>> -> memref<24x2304xf32, #tpu.memory_space<hbm>>
    %dma_wait3A_562 = arith.constant 0 : i32
    %dma_wait3A_563 = arith.constant 0 : i32
    %dma_wait3A_564 = tpu.memref_slice %arg6[%dma_wait3A_562, %dma_wait3A_563] : memref<24x2304xf32, #tpu.memory_space<vmem>> -> memref<24x2304xf32, #tpu.memory_space<vmem>>
    tpu.wait_dma2 semaphore(%arg10 : memref<!tpu.dma_semaphore, #tpu.memory_space<semaphore_mem>>) src(%dma_wait3A_564 : memref<24x2304xf32, #tpu.memory_space<vmem>>) dst(%dma_wait3A_561 : memref<24x2304xf32, #tpu.memory_space<hbm>>)
    %jit3A_565 = arith.constant 1 : i32
    %eq3A_566 = arith.constant 0 : i32
    %eq3A_567 = arith.cmpi eq, %jit3A_565, %eq3A_566 : i32
    %jit3A_568 = arith.constant 1 : i32
    %select_n3A_569 = arith.select %eq3A_567, %jit3A_568, %jit3A_565 : i32
    %rem3A_570 = arith.remsi %add3A, %select_n3A_569 : i32
    %ne3A_571 = arith.constant 0 : i32
    %ne3A_572 = arith.cmpi ne, %rem3A_570, %ne3A_571 : i32
    %lt3A_573 = arith.constant 0 : i32
    %lt3A_574 = arith.cmpi slt, %rem3A_570, %lt3A_573 : i32
    %lt3A_575 = arith.constant 0 : i32
    %lt3A_576 = arith.cmpi slt, %select_n3A_569, %lt3A_575 : i32
    %ne3A_577 = arith.xori %lt3A_574, %lt3A_576 : i1
    %and3A_578 = arith.andi %ne3A_577, %ne3A_572 : i1
    %add3A_579 = arith.addi %rem3A_570, %select_n3A_569 : i32
    %select_n3A_580 = arith.select %and3A_578, %add3A_579, %rem3A_570 : i32
    %mul3A_581 = arith.constant 408 : i32
    %mul3A_582 = arith.muli %select_n3A_580, %mul3A_581 : i32
    %add3A_583 = arith.constant 240 : i32
    %add3A_584 = arith.addi %mul3A_582, %add3A_583 : i32
    %dma_start3A_585 = arith.constant 0 : i32
    %dma_start3A_586 = arith.constant 0 : i32
    %dma_start3A_587 = tpu.memref_slice %arg6[%dma_start3A_585, %dma_start3A_586] : memref<24x2304xf32, #tpu.memory_space<vmem>> -> memref<24x2304xf32, #tpu.memory_space<vmem>>
    %dma_start3A_588 = tpu.memref_slice %arg5[%add3A_584] : memref<416xi32, #tpu.memory_space<vmem>> -> memref<24xi32, #tpu.memory_space<vmem>>
    %dma_start3A_589 = arith.constant 0 : i32
    %dma_start3A_590 = arith.constant 0 : i32
    %dma_start3A_591 = tpu.memref_slice %arg2[%dma_start3A_589, %dma_start3A_590] : memref<18464x2304xf32, #tpu.memory_space<hbm>> -> memref<18464x2304xf32, #tpu.memory_space<hbm>>
    tpu.enqueue_indirect_dma source(%dma_start3A_591 : memref<18464x2304xf32, #tpu.memory_space<hbm>>) target(%dma_start3A_587 : memref<24x2304xf32, #tpu.memory_space<vmem>>) offsets(%dma_start3A_588 : memref<24xi32, #tpu.memory_space<vmem>>) semaphore(%arg8 : memref<!tpu.dma_semaphore, #tpu.memory_space<semaphore_mem>>)
    %dma_wait3A_592 = arith.constant 0 : i32
    %dma_wait3A_593 = arith.constant 0 : i32
    %dma_wait3A_594 = tpu.memref_slice %arg6[%dma_wait3A_592, %dma_wait3A_593] : memref<24x2304xf32, #tpu.memory_space<vmem>> -> memref<24x2304xf32, #tpu.memory_space<vmem>>
    %dma_wait3A_595 = tpu.memref_slice %arg5[%add3A_584] : memref<416xi32, #tpu.memory_space<vmem>> -> memref<24xi32, #tpu.memory_space<vmem>>
    %dma_wait3A_596 = arith.constant 0 : i32
    %dma_wait3A_597 = arith.constant 0 : i32
    %dma_wait3A_598 = tpu.memref_slice %arg2[%dma_wait3A_596, %dma_wait3A_597] : memref<18464x2304xf32, #tpu.memory_space<hbm>> -> memref<18464x2304xf32, #tpu.memory_space<hbm>>
    tpu.wait_indirect_dma semaphore(%arg8 : memref<!tpu.dma_semaphore, #tpu.memory_space<semaphore_mem>>) src(%dma_wait3A_598 : memref<18464x2304xf32, #tpu.memory_space<hbm>>) dst(%dma_wait3A_594 : memref<24x2304xf32, #tpu.memory_space<vmem>>)
    %add3A_599 = arith.constant 240 : i32
    %add3A_600 = arith.addi %mul3A_18, %add3A_599 : i32
    %dma_start3A_601 = arith.constant 0 : i32
    %dma_start3A_602 = arith.constant 0 : i32
    %dma_start3A_603 = tpu.memref_slice %arg6[%dma_start3A_601, %dma_start3A_602] : memref<24x2304xf32, #tpu.memory_space<vmem>> -> memref<24x2304xf32, #tpu.memory_space<vmem>>
    %dma_start3A_604 = arith.constant 0 : i32
    %dma_start3A_605 = tpu.memref_slice %arg4[%add3A_600, %dma_start3A_604] : memref<13056x2304xf32, #tpu.memory_space<hbm>> -> memref<24x2304xf32, #tpu.memory_space<hbm>>
    %dma_start3A_606 = arith.constant 0 : i32
    %dma_start3A_607 = tpu.memref_slice %arg4[%add3A_600, %dma_start3A_606] : memref<13056x2304xf32, #tpu.memory_space<hbm>> -> memref<24x2304xf32, #tpu.memory_space<hbm>>
    %dma_start3A_608 = arith.constant 0 : i32
    %dma_start3A_609 = arith.constant 0 : i32
    %dma_start3A_610 = tpu.memref_slice %arg6[%dma_start3A_608, %dma_start3A_609] : memref<24x2304xf32, #tpu.memory_space<vmem>> -> memref<24x2304xf32, #tpu.memory_space<vmem>>
    tpu.enqueue_dma source(%dma_start3A_610 : memref<24x2304xf32, #tpu.memory_space<vmem>>) target(%dma_start3A_607 : memref<24x2304xf32, #tpu.memory_space<hbm>>) target_semaphore(%arg10 : memref<!tpu.dma_semaphore, #tpu.memory_space<semaphore_mem>>)
    %dma_wait3A_611 = arith.constant 0 : i32
    %dma_wait3A_612 = arith.constant 0 : i32
    %dma_wait3A_613 = tpu.memref_slice %arg7[%dma_wait3A_611, %dma_wait3A_612] : memref<24x2304xf32, #tpu.memory_space<vmem>> -> memref<24x2304xf32, #tpu.memory_space<vmem>>
    %dma_wait3A_614 = arith.constant 0 : i32
    %dma_wait3A_615 = tpu.memref_slice %arg4[%add3A_544, %dma_wait3A_614] : memref<13056x2304xf32, #tpu.memory_space<hbm>> -> memref<24x2304xf32, #tpu.memory_space<hbm>>
    %dma_wait3A_616 = arith.constant 0 : i32
    %dma_wait3A_617 = tpu.memref_slice %arg4[%add3A_544, %dma_wait3A_616] : memref<13056x2304xf32, #tpu.memory_space<hbm>> -> memref<24x2304xf32, #tpu.memory_space<hbm>>
    %dma_wait3A_618 = arith.constant 0 : i32
    %dma_wait3A_619 = arith.constant 0 : i32
    %dma_wait3A_620 = tpu.memref_slice %arg7[%dma_wait3A_618, %dma_wait3A_619] : memref<24x2304xf32, #tpu.memory_space<vmem>> -> memref<24x2304xf32, #tpu.memory_space<vmem>>
    tpu.wait_dma2 semaphore(%arg11 : memref<!tpu.dma_semaphore, #tpu.memory_space<semaphore_mem>>) src(%dma_wait3A_620 : memref<24x2304xf32, #tpu.memory_space<vmem>>) dst(%dma_wait3A_617 : memref<24x2304xf32, #tpu.memory_space<hbm>>)
    %jit3A_621 = arith.constant 1 : i32
    %eq3A_622 = arith.constant 0 : i32
    %eq3A_623 = arith.cmpi eq, %jit3A_621, %eq3A_622 : i32
    %jit3A_624 = arith.constant 1 : i32
    %select_n3A_625 = arith.select %eq3A_623, %jit3A_624, %jit3A_621 : i32
    %rem3A_626 = arith.remsi %add3A, %select_n3A_625 : i32
    %ne3A_627 = arith.constant 0 : i32
    %ne3A_628 = arith.cmpi ne, %rem3A_626, %ne3A_627 : i32
    %lt3A_629 = arith.constant 0 : i32
    %lt3A_630 = arith.cmpi slt, %rem3A_626, %lt3A_629 : i32
    %lt3A_631 = arith.constant 0 : i32
    %lt3A_632 = arith.cmpi slt, %select_n3A_625, %lt3A_631 : i32
    %ne3A_633 = arith.xori %lt3A_630, %lt3A_632 : i1
    %and3A_634 = arith.andi %ne3A_633, %ne3A_628 : i1
    %add3A_635 = arith.addi %rem3A_626, %select_n3A_625 : i32
    %select_n3A_636 = arith.select %and3A_634, %add3A_635, %rem3A_626 : i32
    %mul3A_637 = arith.constant 408 : i32
    %mul3A_638 = arith.muli %select_n3A_636, %mul3A_637 : i32
    %add3A_639 = arith.constant 264 : i32
    %add3A_640 = arith.addi %mul3A_638, %add3A_639 : i32
    %dma_start3A_641 = arith.constant 0 : i32
    %dma_start3A_642 = arith.constant 0 : i32
    %dma_start3A_643 = tpu.memref_slice %arg7[%dma_start3A_641, %dma_start3A_642] : memref<24x2304xf32, #tpu.memory_space<vmem>> -> memref<24x2304xf32, #tpu.memory_space<vmem>>
    %dma_start3A_644 = tpu.memref_slice %arg5[%add3A_640] : memref<416xi32, #tpu.memory_space<vmem>> -> memref<24xi32, #tpu.memory_space<vmem>>
    %dma_start3A_645 = arith.constant 0 : i32
    %dma_start3A_646 = arith.constant 0 : i32
    %dma_start3A_647 = tpu.memref_slice %arg2[%dma_start3A_645, %dma_start3A_646] : memref<18464x2304xf32, #tpu.memory_space<hbm>> -> memref<18464x2304xf32, #tpu.memory_space<hbm>>
    tpu.enqueue_indirect_dma source(%dma_start3A_647 : memref<18464x2304xf32, #tpu.memory_space<hbm>>) target(%dma_start3A_643 : memref<24x2304xf32, #tpu.memory_space<vmem>>) offsets(%dma_start3A_644 : memref<24xi32, #tpu.memory_space<vmem>>) semaphore(%arg9 : memref<!tpu.dma_semaphore, #tpu.memory_space<semaphore_mem>>)
    %dma_wait3A_648 = arith.constant 0 : i32
    %dma_wait3A_649 = arith.constant 0 : i32
    %dma_wait3A_650 = tpu.memref_slice %arg7[%dma_wait3A_648, %dma_wait3A_649] : memref<24x2304xf32, #tpu.memory_space<vmem>> -> memref<24x2304xf32, #tpu.memory_space<vmem>>
    %dma_wait3A_651 = tpu.memref_slice %arg5[%add3A_640] : memref<416xi32, #tpu.memory_space<vmem>> -> memref<24xi32, #tpu.memory_space<vmem>>
    %dma_wait3A_652 = arith.constant 0 : i32
    %dma_wait3A_653 = arith.constant 0 : i32
    %dma_wait3A_654 = tpu.memref_slice %arg2[%dma_wait3A_652, %dma_wait3A_653] : memref<18464x2304xf32, #tpu.memory_space<hbm>> -> memref<18464x2304xf32, #tpu.memory_space<hbm>>
    tpu.wait_indirect_dma semaphore(%arg9 : memref<!tpu.dma_semaphore, #tpu.memory_space<semaphore_mem>>) src(%dma_wait3A_654 : memref<18464x2304xf32, #tpu.memory_space<hbm>>) dst(%dma_wait3A_650 : memref<24x2304xf32, #tpu.memory_space<vmem>>)
    %add3A_655 = arith.constant 264 : i32
    %add3A_656 = arith.addi %mul3A_18, %add3A_655 : i32
    %dma_start3A_657 = arith.constant 0 : i32
    %dma_start3A_658 = arith.constant 0 : i32
    %dma_start3A_659 = tpu.memref_slice %arg7[%dma_start3A_657, %dma_start3A_658] : memref<24x2304xf32, #tpu.memory_space<vmem>> -> memref<24x2304xf32, #tpu.memory_space<vmem>>
    %dma_start3A_660 = arith.constant 0 : i32
    %dma_start3A_661 = tpu.memref_slice %arg4[%add3A_656, %dma_start3A_660] : memref<13056x2304xf32, #tpu.memory_space<hbm>> -> memref<24x2304xf32, #tpu.memory_space<hbm>>
    %dma_start3A_662 = arith.constant 0 : i32
    %dma_start3A_663 = tpu.memref_slice %arg4[%add3A_656, %dma_start3A_662] : memref<13056x2304xf32, #tpu.memory_space<hbm>> -> memref<24x2304xf32, #tpu.memory_space<hbm>>
    %dma_start3A_664 = arith.constant 0 : i32
    %dma_start3A_665 = arith.constant 0 : i32
    %dma_start3A_666 = tpu.memref_slice %arg7[%dma_start3A_664, %dma_start3A_665] : memref<24x2304xf32, #tpu.memory_space<vmem>> -> memref<24x2304xf32, #tpu.memory_space<vmem>>
    tpu.enqueue_dma source(%dma_start3A_666 : memref<24x2304xf32, #tpu.memory_space<vmem>>) target(%dma_start3A_663 : memref<24x2304xf32, #tpu.memory_space<hbm>>) target_semaphore(%arg11 : memref<!tpu.dma_semaphore, #tpu.memory_space<semaphore_mem>>)
    %dma_wait3A_667 = arith.constant 0 : i32
    %dma_wait3A_668 = arith.constant 0 : i32
    %dma_wait3A_669 = tpu.memref_slice %arg6[%dma_wait3A_667, %dma_wait3A_668] : memref<24x2304xf32, #tpu.memory_space<vmem>> -> memref<24x2304xf32, #tpu.memory_space<vmem>>
    %dma_wait3A_670 = arith.constant 0 : i32
    %dma_wait3A_671 = tpu.memref_slice %arg4[%add3A_600, %dma_wait3A_670] : memref<13056x2304xf32, #tpu.memory_space<hbm>> -> memref<24x2304xf32, #tpu.memory_space<hbm>>
    %dma_wait3A_672 = arith.constant 0 : i32
    %dma_wait3A_673 = tpu.memref_slice %arg4[%add3A_600, %dma_wait3A_672] : memref<13056x2304xf32, #tpu.memory_space<hbm>> -> memref<24x2304xf32, #tpu.memory_space<hbm>>
    %dma_wait3A_674 = arith.constant 0 : i32
    %dma_wait3A_675 = arith.constant 0 : i32
    %dma_wait3A_676 = tpu.memref_slice %arg6[%dma_wait3A_674, %dma_wait3A_675] : memref<24x2304xf32, #tpu.memory_space<vmem>> -> memref<24x2304xf32, #tpu.memory_space<vmem>>
    tpu.wait_dma2 semaphore(%arg10 : memref<!tpu.dma_semaphore, #tpu.memory_space<semaphore_mem>>) src(%dma_wait3A_676 : memref<24x2304xf32, #tpu.memory_space<vmem>>) dst(%dma_wait3A_673 : memref<24x2304xf32, #tpu.memory_space<hbm>>)
    %jit3A_677 = arith.constant 1 : i32
    %eq3A_678 = arith.constant 0 : i32
    %eq3A_679 = arith.cmpi eq, %jit3A_677, %eq3A_678 : i32
    %jit3A_680 = arith.constant 1 : i32
    %select_n3A_681 = arith.select %eq3A_679, %jit3A_680, %jit3A_677 : i32
    %rem3A_682 = arith.remsi %add3A, %select_n3A_681 : i32
    %ne3A_683 = arith.constant 0 : i32
    %ne3A_684 = arith.cmpi ne, %rem3A_682, %ne3A_683 : i32
    %lt3A_685 = arith.constant 0 : i32
    %lt3A_686 = arith.cmpi slt, %rem3A_682, %lt3A_685 : i32
    %lt3A_687 = arith.constant 0 : i32
    %lt3A_688 = arith.cmpi slt, %select_n3A_681, %lt3A_687 : i32
    %ne3A_689 = arith.xori %lt3A_686, %lt3A_688 : i1
    %and3A_690 = arith.andi %ne3A_689, %ne3A_684 : i1
    %add3A_691 = arith.addi %rem3A_682, %select_n3A_681 : i32
    %select_n3A_692 = arith.select %and3A_690, %add3A_691, %rem3A_682 : i32
    %mul3A_693 = arith.constant 408 : i32
    %mul3A_694 = arith.muli %select_n3A_692, %mul3A_693 : i32
    %add3A_695 = arith.constant 288 : i32
    %add3A_696 = arith.addi %mul3A_694, %add3A_695 : i32
    %dma_start3A_697 = arith.constant 0 : i32
    %dma_start3A_698 = arith.constant 0 : i32
    %dma_start3A_699 = tpu.memref_slice %arg6[%dma_start3A_697, %dma_start3A_698] : memref<24x2304xf32, #tpu.memory_space<vmem>> -> memref<24x2304xf32, #tpu.memory_space<vmem>>
    %dma_start3A_700 = tpu.memref_slice %arg5[%add3A_696] : memref<416xi32, #tpu.memory_space<vmem>> -> memref<24xi32, #tpu.memory_space<vmem>>
    %dma_start3A_701 = arith.constant 0 : i32
    %dma_start3A_702 = arith.constant 0 : i32
    %dma_start3A_703 = tpu.memref_slice %arg2[%dma_start3A_701, %dma_start3A_702] : memref<18464x2304xf32, #tpu.memory_space<hbm>> -> memref<18464x2304xf32, #tpu.memory_space<hbm>>
    tpu.enqueue_indirect_dma source(%dma_start3A_703 : memref<18464x2304xf32, #tpu.memory_space<hbm>>) target(%dma_start3A_699 : memref<24x2304xf32, #tpu.memory_space<vmem>>) offsets(%dma_start3A_700 : memref<24xi32, #tpu.memory_space<vmem>>) semaphore(%arg8 : memref<!tpu.dma_semaphore, #tpu.memory_space<semaphore_mem>>)
    %dma_wait3A_704 = arith.constant 0 : i32
    %dma_wait3A_705 = arith.constant 0 : i32
    %dma_wait3A_706 = tpu.memref_slice %arg6[%dma_wait3A_704, %dma_wait3A_705] : memref<24x2304xf32, #tpu.memory_space<vmem>> -> memref<24x2304xf32, #tpu.memory_space<vmem>>
    %dma_wait3A_707 = tpu.memref_slice %arg5[%add3A_696] : memref<416xi32, #tpu.memory_space<vmem>> -> memref<24xi32, #tpu.memory_space<vmem>>
    %dma_wait3A_708 = arith.constant 0 : i32
    %dma_wait3A_709 = arith.constant 0 : i32
    %dma_wait3A_710 = tpu.memref_slice %arg2[%dma_wait3A_708, %dma_wait3A_709] : memref<18464x2304xf32, #tpu.memory_space<hbm>> -> memref<18464x2304xf32, #tpu.memory_space<hbm>>
    tpu.wait_indirect_dma semaphore(%arg8 : memref<!tpu.dma_semaphore, #tpu.memory_space<semaphore_mem>>) src(%dma_wait3A_710 : memref<18464x2304xf32, #tpu.memory_space<hbm>>) dst(%dma_wait3A_706 : memref<24x2304xf32, #tpu.memory_space<vmem>>)
    %add3A_711 = arith.constant 288 : i32
    %add3A_712 = arith.addi %mul3A_18, %add3A_711 : i32
    %dma_start3A_713 = arith.constant 0 : i32
    %dma_start3A_714 = arith.constant 0 : i32
    %dma_start3A_715 = tpu.memref_slice %arg6[%dma_start3A_713, %dma_start3A_714] : memref<24x2304xf32, #tpu.memory_space<vmem>> -> memref<24x2304xf32, #tpu.memory_space<vmem>>
    %dma_start3A_716 = arith.constant 0 : i32
    %dma_start3A_717 = tpu.memref_slice %arg4[%add3A_712, %dma_start3A_716] : memref<13056x2304xf32, #tpu.memory_space<hbm>> -> memref<24x2304xf32, #tpu.memory_space<hbm>>
    %dma_start3A_718 = arith.constant 0 : i32
    %dma_start3A_719 = tpu.memref_slice %arg4[%add3A_712, %dma_start3A_718] : memref<13056x2304xf32, #tpu.memory_space<hbm>> -> memref<24x2304xf32, #tpu.memory_space<hbm>>
    %dma_start3A_720 = arith.constant 0 : i32
    %dma_start3A_721 = arith.constant 0 : i32
    %dma_start3A_722 = tpu.memref_slice %arg6[%dma_start3A_720, %dma_start3A_721] : memref<24x2304xf32, #tpu.memory_space<vmem>> -> memref<24x2304xf32, #tpu.memory_space<vmem>>
    tpu.enqueue_dma source(%dma_start3A_722 : memref<24x2304xf32, #tpu.memory_space<vmem>>) target(%dma_start3A_719 : memref<24x2304xf32, #tpu.memory_space<hbm>>) target_semaphore(%arg10 : memref<!tpu.dma_semaphore, #tpu.memory_space<semaphore_mem>>)
    %dma_wait3A_723 = arith.constant 0 : i32
    %dma_wait3A_724 = arith.constant 0 : i32
    %dma_wait3A_725 = tpu.memref_slice %arg7[%dma_wait3A_723, %dma_wait3A_724] : memref<24x2304xf32, #tpu.memory_space<vmem>> -> memref<24x2304xf32, #tpu.memory_space<vmem>>
    %dma_wait3A_726 = arith.constant 0 : i32
    %dma_wait3A_727 = tpu.memref_slice %arg4[%add3A_656, %dma_wait3A_726] : memref<13056x2304xf32, #tpu.memory_space<hbm>> -> memref<24x2304xf32, #tpu.memory_space<hbm>>
    %dma_wait3A_728 = arith.constant 0 : i32
    %dma_wait3A_729 = tpu.memref_slice %arg4[%add3A_656, %dma_wait3A_728] : memref<13056x2304xf32, #tpu.memory_space<hbm>> -> memref<24x2304xf32, #tpu.memory_space<hbm>>
    %dma_wait3A_730 = arith.constant 0 : i32
    %dma_wait3A_731 = arith.constant 0 : i32
    %dma_wait3A_732 = tpu.memref_slice %arg7[%dma_wait3A_730, %dma_wait3A_731] : memref<24x2304xf32, #tpu.memory_space<vmem>> -> memref<24x2304xf32, #tpu.memory_space<vmem>>
    tpu.wait_dma2 semaphore(%arg11 : memref<!tpu.dma_semaphore, #tpu.memory_space<semaphore_mem>>) src(%dma_wait3A_732 : memref<24x2304xf32, #tpu.memory_space<vmem>>) dst(%dma_wait3A_729 : memref<24x2304xf32, #tpu.memory_space<hbm>>)
    %jit3A_733 = arith.constant 1 : i32
    %eq3A_734 = arith.constant 0 : i32
    %eq3A_735 = arith.cmpi eq, %jit3A_733, %eq3A_734 : i32
    %jit3A_736 = arith.constant 1 : i32
    %select_n3A_737 = arith.select %eq3A_735, %jit3A_736, %jit3A_733 : i32
    %rem3A_738 = arith.remsi %add3A, %select_n3A_737 : i32
    %ne3A_739 = arith.constant 0 : i32
    %ne3A_740 = arith.cmpi ne, %rem3A_738, %ne3A_739 : i32
    %lt3A_741 = arith.constant 0 : i32
    %lt3A_742 = arith.cmpi slt, %rem3A_738, %lt3A_741 : i32
    %lt3A_743 = arith.constant 0 : i32
    %lt3A_744 = arith.cmpi slt, %select_n3A_737, %lt3A_743 : i32
    %ne3A_745 = arith.xori %lt3A_742, %lt3A_744 : i1
    %and3A_746 = arith.andi %ne3A_745, %ne3A_740 : i1
    %add3A_747 = arith.addi %rem3A_738, %select_n3A_737 : i32
    %select_n3A_748 = arith.select %and3A_746, %add3A_747, %rem3A_738 : i32
    %mul3A_749 = arith.constant 408 : i32
    %mul3A_750 = arith.muli %select_n3A_748, %mul3A_749 : i32
    %add3A_751 = arith.constant 312 : i32
    %add3A_752 = arith.addi %mul3A_750, %add3A_751 : i32
    %dma_start3A_753 = arith.constant 0 : i32
    %dma_start3A_754 = arith.constant 0 : i32
    %dma_start3A_755 = tpu.memref_slice %arg7[%dma_start3A_753, %dma_start3A_754] : memref<24x2304xf32, #tpu.memory_space<vmem>> -> memref<24x2304xf32, #tpu.memory_space<vmem>>
    %dma_start3A_756 = tpu.memref_slice %arg5[%add3A_752] : memref<416xi32, #tpu.memory_space<vmem>> -> memref<24xi32, #tpu.memory_space<vmem>>
    %dma_start3A_757 = arith.constant 0 : i32
    %dma_start3A_758 = arith.constant 0 : i32
    %dma_start3A_759 = tpu.memref_slice %arg2[%dma_start3A_757, %dma_start3A_758] : memref<18464x2304xf32, #tpu.memory_space<hbm>> -> memref<18464x2304xf32, #tpu.memory_space<hbm>>
    tpu.enqueue_indirect_dma source(%dma_start3A_759 : memref<18464x2304xf32, #tpu.memory_space<hbm>>) target(%dma_start3A_755 : memref<24x2304xf32, #tpu.memory_space<vmem>>) offsets(%dma_start3A_756 : memref<24xi32, #tpu.memory_space<vmem>>) semaphore(%arg9 : memref<!tpu.dma_semaphore, #tpu.memory_space<semaphore_mem>>)
    %dma_wait3A_760 = arith.constant 0 : i32
    %dma_wait3A_761 = arith.constant 0 : i32
    %dma_wait3A_762 = tpu.memref_slice %arg7[%dma_wait3A_760, %dma_wait3A_761] : memref<24x2304xf32, #tpu.memory_space<vmem>> -> memref<24x2304xf32, #tpu.memory_space<vmem>>
    %dma_wait3A_763 = tpu.memref_slice %arg5[%add3A_752] : memref<416xi32, #tpu.memory_space<vmem>> -> memref<24xi32, #tpu.memory_space<vmem>>
    %dma_wait3A_764 = arith.constant 0 : i32
    %dma_wait3A_765 = arith.constant 0 : i32
    %dma_wait3A_766 = tpu.memref_slice %arg2[%dma_wait3A_764, %dma_wait3A_765] : memref<18464x2304xf32, #tpu.memory_space<hbm>> -> memref<18464x2304xf32, #tpu.memory_space<hbm>>
    tpu.wait_indirect_dma semaphore(%arg9 : memref<!tpu.dma_semaphore, #tpu.memory_space<semaphore_mem>>) src(%dma_wait3A_766 : memref<18464x2304xf32, #tpu.memory_space<hbm>>) dst(%dma_wait3A_762 : memref<24x2304xf32, #tpu.memory_space<vmem>>)
    %add3A_767 = arith.constant 312 : i32
    %add3A_768 = arith.addi %mul3A_18, %add3A_767 : i32
    %dma_start3A_769 = arith.constant 0 : i32
    %dma_start3A_770 = arith.constant 0 : i32
    %dma_start3A_771 = tpu.memref_slice %arg7[%dma_start3A_769, %dma_start3A_770] : memref<24x2304xf32, #tpu.memory_space<vmem>> -> memref<24x2304xf32, #tpu.memory_space<vmem>>
    %dma_start3A_772 = arith.constant 0 : i32
    %dma_start3A_773 = tpu.memref_slice %arg4[%add3A_768, %dma_start3A_772] : memref<13056x2304xf32, #tpu.memory_space<hbm>> -> memref<24x2304xf32, #tpu.memory_space<hbm>>
    %dma_start3A_774 = arith.constant 0 : i32
    %dma_start3A_775 = tpu.memref_slice %arg4[%add3A_768, %dma_start3A_774] : memref<13056x2304xf32, #tpu.memory_space<hbm>> -> memref<24x2304xf32, #tpu.memory_space<hbm>>
    %dma_start3A_776 = arith.constant 0 : i32
    %dma_start3A_777 = arith.constant 0 : i32
    %dma_start3A_778 = tpu.memref_slice %arg7[%dma_start3A_776, %dma_start3A_777] : memref<24x2304xf32, #tpu.memory_space<vmem>> -> memref<24x2304xf32, #tpu.memory_space<vmem>>
    tpu.enqueue_dma source(%dma_start3A_778 : memref<24x2304xf32, #tpu.memory_space<vmem>>) target(%dma_start3A_775 : memref<24x2304xf32, #tpu.memory_space<hbm>>) target_semaphore(%arg11 : memref<!tpu.dma_semaphore, #tpu.memory_space<semaphore_mem>>)
    %dma_wait3A_779 = arith.constant 0 : i32
    %dma_wait3A_780 = arith.constant 0 : i32
    %dma_wait3A_781 = tpu.memref_slice %arg6[%dma_wait3A_779, %dma_wait3A_780] : memref<24x2304xf32, #tpu.memory_space<vmem>> -> memref<24x2304xf32, #tpu.memory_space<vmem>>
    %dma_wait3A_782 = arith.constant 0 : i32
    %dma_wait3A_783 = tpu.memref_slice %arg4[%add3A_712, %dma_wait3A_782] : memref<13056x2304xf32, #tpu.memory_space<hbm>> -> memref<24x2304xf32, #tpu.memory_space<hbm>>
    %dma_wait3A_784 = arith.constant 0 : i32
    %dma_wait3A_785 = tpu.memref_slice %arg4[%add3A_712, %dma_wait3A_784] : memref<13056x2304xf32, #tpu.memory_space<hbm>> -> memref<24x2304xf32, #tpu.memory_space<hbm>>
    %dma_wait3A_786 = arith.constant 0 : i32
    %dma_wait3A_787 = arith.constant 0 : i32
    %dma_wait3A_788 = tpu.memref_slice %arg6[%dma_wait3A_786, %dma_wait3A_787] : memref<24x2304xf32, #tpu.memory_space<vmem>> -> memref<24x2304xf32, #tpu.memory_space<vmem>>
    tpu.wait_dma2 semaphore(%arg10 : memref<!tpu.dma_semaphore, #tpu.memory_space<semaphore_mem>>) src(%dma_wait3A_788 : memref<24x2304xf32, #tpu.memory_space<vmem>>) dst(%dma_wait3A_785 : memref<24x2304xf32, #tpu.memory_space<hbm>>)
    %jit3A_789 = arith.constant 1 : i32
    %eq3A_790 = arith.constant 0 : i32
    %eq3A_791 = arith.cmpi eq, %jit3A_789, %eq3A_790 : i32
    %jit3A_792 = arith.constant 1 : i32
    %select_n3A_793 = arith.select %eq3A_791, %jit3A_792, %jit3A_789 : i32
    %rem3A_794 = arith.remsi %add3A, %select_n3A_793 : i32
    %ne3A_795 = arith.constant 0 : i32
    %ne3A_796 = arith.cmpi ne, %rem3A_794, %ne3A_795 : i32
    %lt3A_797 = arith.constant 0 : i32
    %lt3A_798 = arith.cmpi slt, %rem3A_794, %lt3A_797 : i32
    %lt3A_799 = arith.constant 0 : i32
    %lt3A_800 = arith.cmpi slt, %select_n3A_793, %lt3A_799 : i32
    %ne3A_801 = arith.xori %lt3A_798, %lt3A_800 : i1
    %and3A_802 = arith.andi %ne3A_801, %ne3A_796 : i1
    %add3A_803 = arith.addi %rem3A_794, %select_n3A_793 : i32
    %select_n3A_804 = arith.select %and3A_802, %add3A_803, %rem3A_794 : i32
    %mul3A_805 = arith.constant 408 : i32
    %mul3A_806 = arith.muli %select_n3A_804, %mul3A_805 : i32
    %add3A_807 = arith.constant 336 : i32
    %add3A_808 = arith.addi %mul3A_806, %add3A_807 : i32
    %dma_start3A_809 = arith.constant 0 : i32
    %dma_start3A_810 = arith.constant 0 : i32
    %dma_start3A_811 = tpu.memref_slice %arg6[%dma_start3A_809, %dma_start3A_810] : memref<24x2304xf32, #tpu.memory_space<vmem>> -> memref<24x2304xf32, #tpu.memory_space<vmem>>
    %dma_start3A_812 = tpu.memref_slice %arg5[%add3A_808] : memref<416xi32, #tpu.memory_space<vmem>> -> memref<24xi32, #tpu.memory_space<vmem>>
    %dma_start3A_813 = arith.constant 0 : i32
    %dma_start3A_814 = arith.constant 0 : i32
    %dma_start3A_815 = tpu.memref_slice %arg2[%dma_start3A_813, %dma_start3A_814] : memref<18464x2304xf32, #tpu.memory_space<hbm>> -> memref<18464x2304xf32, #tpu.memory_space<hbm>>
    tpu.enqueue_indirect_dma source(%dma_start3A_815 : memref<18464x2304xf32, #tpu.memory_space<hbm>>) target(%dma_start3A_811 : memref<24x2304xf32, #tpu.memory_space<vmem>>) offsets(%dma_start3A_812 : memref<24xi32, #tpu.memory_space<vmem>>) semaphore(%arg8 : memref<!tpu.dma_semaphore, #tpu.memory_space<semaphore_mem>>)
    %dma_wait3A_816 = arith.constant 0 : i32
    %dma_wait3A_817 = arith.constant 0 : i32
    %dma_wait3A_818 = tpu.memref_slice %arg6[%dma_wait3A_816, %dma_wait3A_817] : memref<24x2304xf32, #tpu.memory_space<vmem>> -> memref<24x2304xf32, #tpu.memory_space<vmem>>
    %dma_wait3A_819 = tpu.memref_slice %arg5[%add3A_808] : memref<416xi32, #tpu.memory_space<vmem>> -> memref<24xi32, #tpu.memory_space<vmem>>
    %dma_wait3A_820 = arith.constant 0 : i32
    %dma_wait3A_821 = arith.constant 0 : i32
    %dma_wait3A_822 = tpu.memref_slice %arg2[%dma_wait3A_820, %dma_wait3A_821] : memref<18464x2304xf32, #tpu.memory_space<hbm>> -> memref<18464x2304xf32, #tpu.memory_space<hbm>>
    tpu.wait_indirect_dma semaphore(%arg8 : memref<!tpu.dma_semaphore, #tpu.memory_space<semaphore_mem>>) src(%dma_wait3A_822 : memref<18464x2304xf32, #tpu.memory_space<hbm>>) dst(%dma_wait3A_818 : memref<24x2304xf32, #tpu.memory_space<vmem>>)
    %add3A_823 = arith.constant 336 : i32
    %add3A_824 = arith.addi %mul3A_18, %add3A_823 : i32
    %dma_start3A_825 = arith.constant 0 : i32
    %dma_start3A_826 = arith.constant 0 : i32
    %dma_start3A_827 = tpu.memref_slice %arg6[%dma_start3A_825, %dma_start3A_826] : memref<24x2304xf32, #tpu.memory_space<vmem>> -> memref<24x2304xf32, #tpu.memory_space<vmem>>
    %dma_start3A_828 = arith.constant 0 : i32
    %dma_start3A_829 = tpu.memref_slice %arg4[%add3A_824, %dma_start3A_828] : memref<13056x2304xf32, #tpu.memory_space<hbm>> -> memref<24x2304xf32, #tpu.memory_space<hbm>>
    %dma_start3A_830 = arith.constant 0 : i32
    %dma_start3A_831 = tpu.memref_slice %arg4[%add3A_824, %dma_start3A_830] : memref<13056x2304xf32, #tpu.memory_space<hbm>> -> memref<24x2304xf32, #tpu.memory_space<hbm>>
    %dma_start3A_832 = arith.constant 0 : i32
    %dma_start3A_833 = arith.constant 0 : i32
    %dma_start3A_834 = tpu.memref_slice %arg6[%dma_start3A_832, %dma_start3A_833] : memref<24x2304xf32, #tpu.memory_space<vmem>> -> memref<24x2304xf32, #tpu.memory_space<vmem>>
    tpu.enqueue_dma source(%dma_start3A_834 : memref<24x2304xf32, #tpu.memory_space<vmem>>) target(%dma_start3A_831 : memref<24x2304xf32, #tpu.memory_space<hbm>>) target_semaphore(%arg10 : memref<!tpu.dma_semaphore, #tpu.memory_space<semaphore_mem>>)
    %dma_wait3A_835 = arith.constant 0 : i32
    %dma_wait3A_836 = arith.constant 0 : i32
    %dma_wait3A_837 = tpu.memref_slice %arg7[%dma_wait3A_835, %dma_wait3A_836] : memref<24x2304xf32, #tpu.memory_space<vmem>> -> memref<24x2304xf32, #tpu.memory_space<vmem>>
    %dma_wait3A_838 = arith.constant 0 : i32
    %dma_wait3A_839 = tpu.memref_slice %arg4[%add3A_768, %dma_wait3A_838] : memref<13056x2304xf32, #tpu.memory_space<hbm>> -> memref<24x2304xf32, #tpu.memory_space<hbm>>
    %dma_wait3A_840 = arith.constant 0 : i32
    %dma_wait3A_841 = tpu.memref_slice %arg4[%add3A_768, %dma_wait3A_840] : memref<13056x2304xf32, #tpu.memory_space<hbm>> -> memref<24x2304xf32, #tpu.memory_space<hbm>>
    %dma_wait3A_842 = arith.constant 0 : i32
    %dma_wait3A_843 = arith.constant 0 : i32
    %dma_wait3A_844 = tpu.memref_slice %arg7[%dma_wait3A_842, %dma_wait3A_843] : memref<24x2304xf32, #tpu.memory_space<vmem>> -> memref<24x2304xf32, #tpu.memory_space<vmem>>
    tpu.wait_dma2 semaphore(%arg11 : memref<!tpu.dma_semaphore, #tpu.memory_space<semaphore_mem>>) src(%dma_wait3A_844 : memref<24x2304xf32, #tpu.memory_space<vmem>>) dst(%dma_wait3A_841 : memref<24x2304xf32, #tpu.memory_space<hbm>>)
    %jit3A_845 = arith.constant 1 : i32
    %eq3A_846 = arith.constant 0 : i32
    %eq3A_847 = arith.cmpi eq, %jit3A_845, %eq3A_846 : i32
    %jit3A_848 = arith.constant 1 : i32
    %select_n3A_849 = arith.select %eq3A_847, %jit3A_848, %jit3A_845 : i32
    %rem3A_850 = arith.remsi %add3A, %select_n3A_849 : i32
    %ne3A_851 = arith.constant 0 : i32
    %ne3A_852 = arith.cmpi ne, %rem3A_850, %ne3A_851 : i32
    %lt3A_853 = arith.constant 0 : i32
    %lt3A_854 = arith.cmpi slt, %rem3A_850, %lt3A_853 : i32
    %lt3A_855 = arith.constant 0 : i32
    %lt3A_856 = arith.cmpi slt, %select_n3A_849, %lt3A_855 : i32
    %ne3A_857 = arith.xori %lt3A_854, %lt3A_856 : i1
    %and3A_858 = arith.andi %ne3A_857, %ne3A_852 : i1
    %add3A_859 = arith.addi %rem3A_850, %select_n3A_849 : i32
    %select_n3A_860 = arith.select %and3A_858, %add3A_859, %rem3A_850 : i32
    %mul3A_861 = arith.constant 408 : i32
    %mul3A_862 = arith.muli %select_n3A_860, %mul3A_861 : i32
    %add3A_863 = arith.constant 360 : i32
    %add3A_864 = arith.addi %mul3A_862, %add3A_863 : i32
    %dma_start3A_865 = arith.constant 0 : i32
    %dma_start3A_866 = arith.constant 0 : i32
    %dma_start3A_867 = tpu.memref_slice %arg7[%dma_start3A_865, %dma_start3A_866] : memref<24x2304xf32, #tpu.memory_space<vmem>> -> memref<24x2304xf32, #tpu.memory_space<vmem>>
    %dma_start3A_868 = tpu.memref_slice %arg5[%add3A_864] : memref<416xi32, #tpu.memory_space<vmem>> -> memref<24xi32, #tpu.memory_space<vmem>>
    %dma_start3A_869 = arith.constant 0 : i32
    %dma_start3A_870 = arith.constant 0 : i32
    %dma_start3A_871 = tpu.memref_slice %arg2[%dma_start3A_869, %dma_start3A_870] : memref<18464x2304xf32, #tpu.memory_space<hbm>> -> memref<18464x2304xf32, #tpu.memory_space<hbm>>
    tpu.enqueue_indirect_dma source(%dma_start3A_871 : memref<18464x2304xf32, #tpu.memory_space<hbm>>) target(%dma_start3A_867 : memref<24x2304xf32, #tpu.memory_space<vmem>>) offsets(%dma_start3A_868 : memref<24xi32, #tpu.memory_space<vmem>>) semaphore(%arg9 : memref<!tpu.dma_semaphore, #tpu.memory_space<semaphore_mem>>)
    %dma_wait3A_872 = arith.constant 0 : i32
    %dma_wait3A_873 = arith.constant 0 : i32
    %dma_wait3A_874 = tpu.memref_slice %arg7[%dma_wait3A_872, %dma_wait3A_873] : memref<24x2304xf32, #tpu.memory_space<vmem>> -> memref<24x2304xf32, #tpu.memory_space<vmem>>
    %dma_wait3A_875 = tpu.memref_slice %arg5[%add3A_864] : memref<416xi32, #tpu.memory_space<vmem>> -> memref<24xi32, #tpu.memory_space<vmem>>
    %dma_wait3A_876 = arith.constant 0 : i32
    %dma_wait3A_877 = arith.constant 0 : i32
    %dma_wait3A_878 = tpu.memref_slice %arg2[%dma_wait3A_876, %dma_wait3A_877] : memref<18464x2304xf32, #tpu.memory_space<hbm>> -> memref<18464x2304xf32, #tpu.memory_space<hbm>>
    tpu.wait_indirect_dma semaphore(%arg9 : memref<!tpu.dma_semaphore, #tpu.memory_space<semaphore_mem>>) src(%dma_wait3A_878 : memref<18464x2304xf32, #tpu.memory_space<hbm>>) dst(%dma_wait3A_874 : memref<24x2304xf32, #tpu.memory_space<vmem>>)
    %add3A_879 = arith.constant 360 : i32
    %add3A_880 = arith.addi %mul3A_18, %add3A_879 : i32
    %dma_start3A_881 = arith.constant 0 : i32
    %dma_start3A_882 = arith.constant 0 : i32
    %dma_start3A_883 = tpu.memref_slice %arg7[%dma_start3A_881, %dma_start3A_882] : memref<24x2304xf32, #tpu.memory_space<vmem>> -> memref<24x2304xf32, #tpu.memory_space<vmem>>
    %dma_start3A_884 = arith.constant 0 : i32
    %dma_start3A_885 = tpu.memref_slice %arg4[%add3A_880, %dma_start3A_884] : memref<13056x2304xf32, #tpu.memory_space<hbm>> -> memref<24x2304xf32, #tpu.memory_space<hbm>>
    %dma_start3A_886 = arith.constant 0 : i32
    %dma_start3A_887 = tpu.memref_slice %arg4[%add3A_880, %dma_start3A_886] : memref<13056x2304xf32, #tpu.memory_space<hbm>> -> memref<24x2304xf32, #tpu.memory_space<hbm>>
    %dma_start3A_888 = arith.constant 0 : i32
    %dma_start3A_889 = arith.constant 0 : i32
    %dma_start3A_890 = tpu.memref_slice %arg7[%dma_start3A_888, %dma_start3A_889] : memref<24x2304xf32, #tpu.memory_space<vmem>> -> memref<24x2304xf32, #tpu.memory_space<vmem>>
    tpu.enqueue_dma source(%dma_start3A_890 : memref<24x2304xf32, #tpu.memory_space<vmem>>) target(%dma_start3A_887 : memref<24x2304xf32, #tpu.memory_space<hbm>>) target_semaphore(%arg11 : memref<!tpu.dma_semaphore, #tpu.memory_space<semaphore_mem>>)
    %dma_wait3A_891 = arith.constant 0 : i32
    %dma_wait3A_892 = arith.constant 0 : i32
    %dma_wait3A_893 = tpu.memref_slice %arg6[%dma_wait3A_891, %dma_wait3A_892] : memref<24x2304xf32, #tpu.memory_space<vmem>> -> memref<24x2304xf32, #tpu.memory_space<vmem>>
    %dma_wait3A_894 = arith.constant 0 : i32
    %dma_wait3A_895 = tpu.memref_slice %arg4[%add3A_824, %dma_wait3A_894] : memref<13056x2304xf32, #tpu.memory_space<hbm>> -> memref<24x2304xf32, #tpu.memory_space<hbm>>
    %dma_wait3A_896 = arith.constant 0 : i32
    %dma_wait3A_897 = tpu.memref_slice %arg4[%add3A_824, %dma_wait3A_896] : memref<13056x2304xf32, #tpu.memory_space<hbm>> -> memref<24x2304xf32, #tpu.memory_space<hbm>>
    %dma_wait3A_898 = arith.constant 0 : i32
    %dma_wait3A_899 = arith.constant 0 : i32
    %dma_wait3A_900 = tpu.memref_slice %arg6[%dma_wait3A_898, %dma_wait3A_899] : memref<24x2304xf32, #tpu.memory_space<vmem>> -> memref<24x2304xf32, #tpu.memory_space<vmem>>
    tpu.wait_dma2 semaphore(%arg10 : memref<!tpu.dma_semaphore, #tpu.memory_space<semaphore_mem>>) src(%dma_wait3A_900 : memref<24x2304xf32, #tpu.memory_space<vmem>>) dst(%dma_wait3A_897 : memref<24x2304xf32, #tpu.memory_space<hbm>>)
    %jit3A_901 = arith.constant 1 : i32
    %eq3A_902 = arith.constant 0 : i32
    %eq3A_903 = arith.cmpi eq, %jit3A_901, %eq3A_902 : i32
    %jit3A_904 = arith.constant 1 : i32
    %select_n3A_905 = arith.select %eq3A_903, %jit3A_904, %jit3A_901 : i32
    %rem3A_906 = arith.remsi %add3A, %select_n3A_905 : i32
    %ne3A_907 = arith.constant 0 : i32
    %ne3A_908 = arith.cmpi ne, %rem3A_906, %ne3A_907 : i32
    %lt3A_909 = arith.constant 0 : i32
    %lt3A_910 = arith.cmpi slt, %rem3A_906, %lt3A_909 : i32
    %lt3A_911 = arith.constant 0 : i32
    %lt3A_912 = arith.cmpi slt, %select_n3A_905, %lt3A_911 : i32
    %ne3A_913 = arith.xori %lt3A_910, %lt3A_912 : i1
    %and3A_914 = arith.andi %ne3A_913, %ne3A_908 : i1
    %add3A_915 = arith.addi %rem3A_906, %select_n3A_905 : i32
    %select_n3A_916 = arith.select %and3A_914, %add3A_915, %rem3A_906 : i32
    %mul3A_917 = arith.constant 408 : i32
    %mul3A_918 = arith.muli %select_n3A_916, %mul3A_917 : i32
    %add3A_919 = arith.constant 384 : i32
    %add3A_920 = arith.addi %mul3A_918, %add3A_919 : i32
    %dma_start3A_921 = arith.constant 0 : i32
    %dma_start3A_922 = arith.constant 0 : i32
    %dma_start3A_923 = tpu.memref_slice %arg6[%dma_start3A_921, %dma_start3A_922] : memref<24x2304xf32, #tpu.memory_space<vmem>> -> memref<24x2304xf32, #tpu.memory_space<vmem>>
    %dma_start3A_924 = tpu.memref_slice %arg5[%add3A_920] : memref<416xi32, #tpu.memory_space<vmem>> -> memref<24xi32, #tpu.memory_space<vmem>>
    %dma_start3A_925 = arith.constant 0 : i32
    %dma_start3A_926 = arith.constant 0 : i32
    %dma_start3A_927 = tpu.memref_slice %arg2[%dma_start3A_925, %dma_start3A_926] : memref<18464x2304xf32, #tpu.memory_space<hbm>> -> memref<18464x2304xf32, #tpu.memory_space<hbm>>
    tpu.enqueue_indirect_dma source(%dma_start3A_927 : memref<18464x2304xf32, #tpu.memory_space<hbm>>) target(%dma_start3A_923 : memref<24x2304xf32, #tpu.memory_space<vmem>>) offsets(%dma_start3A_924 : memref<24xi32, #tpu.memory_space<vmem>>) semaphore(%arg8 : memref<!tpu.dma_semaphore, #tpu.memory_space<semaphore_mem>>)
    %dma_wait3A_928 = arith.constant 0 : i32
    %dma_wait3A_929 = arith.constant 0 : i32
    %dma_wait3A_930 = tpu.memref_slice %arg6[%dma_wait3A_928, %dma_wait3A_929] : memref<24x2304xf32, #tpu.memory_space<vmem>> -> memref<24x2304xf32, #tpu.memory_space<vmem>>
    %dma_wait3A_931 = tpu.memref_slice %arg5[%add3A_920] : memref<416xi32, #tpu.memory_space<vmem>> -> memref<24xi32, #tpu.memory_space<vmem>>
    %dma_wait3A_932 = arith.constant 0 : i32
    %dma_wait3A_933 = arith.constant 0 : i32
    %dma_wait3A_934 = tpu.memref_slice %arg2[%dma_wait3A_932, %dma_wait3A_933] : memref<18464x2304xf32, #tpu.memory_space<hbm>> -> memref<18464x2304xf32, #tpu.memory_space<hbm>>
    tpu.wait_indirect_dma semaphore(%arg8 : memref<!tpu.dma_semaphore, #tpu.memory_space<semaphore_mem>>) src(%dma_wait3A_934 : memref<18464x2304xf32, #tpu.memory_space<hbm>>) dst(%dma_wait3A_930 : memref<24x2304xf32, #tpu.memory_space<vmem>>)
    %add3A_935 = arith.constant 384 : i32
    %add3A_936 = arith.addi %mul3A_18, %add3A_935 : i32
    %dma_start3A_937 = arith.constant 0 : i32
    %dma_start3A_938 = arith.constant 0 : i32
    %dma_start3A_939 = tpu.memref_slice %arg6[%dma_start3A_937, %dma_start3A_938] : memref<24x2304xf32, #tpu.memory_space<vmem>> -> memref<24x2304xf32, #tpu.memory_space<vmem>>
    %dma_start3A_940 = arith.constant 0 : i32
    %dma_start3A_941 = tpu.memref_slice %arg4[%add3A_936, %dma_start3A_940] : memref<13056x2304xf32, #tpu.memory_space<hbm>> -> memref<24x2304xf32, #tpu.memory_space<hbm>>
    %dma_start3A_942 = arith.constant 0 : i32
    %dma_start3A_943 = tpu.memref_slice %arg4[%add3A_936, %dma_start3A_942] : memref<13056x2304xf32, #tpu.memory_space<hbm>> -> memref<24x2304xf32, #tpu.memory_space<hbm>>
    %dma_start3A_944 = arith.constant 0 : i32
    %dma_start3A_945 = arith.constant 0 : i32
    %dma_start3A_946 = tpu.memref_slice %arg6[%dma_start3A_944, %dma_start3A_945] : memref<24x2304xf32, #tpu.memory_space<vmem>> -> memref<24x2304xf32, #tpu.memory_space<vmem>>
    tpu.enqueue_dma source(%dma_start3A_946 : memref<24x2304xf32, #tpu.memory_space<vmem>>) target(%dma_start3A_943 : memref<24x2304xf32, #tpu.memory_space<hbm>>) target_semaphore(%arg10 : memref<!tpu.dma_semaphore, #tpu.memory_space<semaphore_mem>>)
    %dma_wait3A_947 = arith.constant 0 : i32
    %dma_wait3A_948 = arith.constant 0 : i32
    %dma_wait3A_949 = tpu.memref_slice %arg6[%dma_wait3A_947, %dma_wait3A_948] : memref<24x2304xf32, #tpu.memory_space<vmem>> -> memref<24x2304xf32, #tpu.memory_space<vmem>>
    %dma_wait3A_950 = arith.constant 0 : i32
    %dma_wait3A_951 = tpu.memref_slice %arg4[%add3A_936, %dma_wait3A_950] : memref<13056x2304xf32, #tpu.memory_space<hbm>> -> memref<24x2304xf32, #tpu.memory_space<hbm>>
    %dma_wait3A_952 = arith.constant 0 : i32
    %dma_wait3A_953 = tpu.memref_slice %arg4[%add3A_936, %dma_wait3A_952] : memref<13056x2304xf32, #tpu.memory_space<hbm>> -> memref<24x2304xf32, #tpu.memory_space<hbm>>
    %dma_wait3A_954 = arith.constant 0 : i32
    %dma_wait3A_955 = arith.constant 0 : i32
    %dma_wait3A_956 = tpu.memref_slice %arg6[%dma_wait3A_954, %dma_wait3A_955] : memref<24x2304xf32, #tpu.memory_space<vmem>> -> memref<24x2304xf32, #tpu.memory_space<vmem>>
    tpu.wait_dma2 semaphore(%arg10 : memref<!tpu.dma_semaphore, #tpu.memory_space<semaphore_mem>>) src(%dma_wait3A_956 : memref<24x2304xf32, #tpu.memory_space<vmem>>) dst(%dma_wait3A_953 : memref<24x2304xf32, #tpu.memory_space<hbm>>)
    %dma_wait3A_957 = arith.constant 0 : i32
    %dma_wait3A_958 = arith.constant 0 : i32
    %dma_wait3A_959 = tpu.memref_slice %arg7[%dma_wait3A_957, %dma_wait3A_958] : memref<24x2304xf32, #tpu.memory_space<vmem>> -> memref<24x2304xf32, #tpu.memory_space<vmem>>
    %dma_wait3A_960 = arith.constant 0 : i32
    %dma_wait3A_961 = tpu.memref_slice %arg4[%add3A_880, %dma_wait3A_960] : memref<13056x2304xf32, #tpu.memory_space<hbm>> -> memref<24x2304xf32, #tpu.memory_space<hbm>>
    %dma_wait3A_962 = arith.constant 0 : i32
    %dma_wait3A_963 = tpu.memref_slice %arg4[%add3A_880, %dma_wait3A_962] : memref<13056x2304xf32, #tpu.memory_space<hbm>> -> memref<24x2304xf32, #tpu.memory_space<hbm>>
    %dma_wait3A_964 = arith.constant 0 : i32
    %dma_wait3A_965 = arith.constant 0 : i32
    %dma_wait3A_966 = tpu.memref_slice %arg7[%dma_wait3A_964, %dma_wait3A_965] : memref<24x2304xf32, #tpu.memory_space<vmem>> -> memref<24x2304xf32, #tpu.memory_space<vmem>>
    tpu.wait_dma2 semaphore(%arg11 : memref<!tpu.dma_semaphore, #tpu.memory_space<semaphore_mem>>) src(%dma_wait3A_966 : memref<24x2304xf32, #tpu.memory_space<vmem>>) dst(%dma_wait3A_963 : memref<24x2304xf32, #tpu.memory_space<hbm>>)
    return
  }
}

module attributes {stable_mosaic.version = 14 : i64} {
  func.func @_stage_a_body(%arg0: i32, %arg1: memref<1x577x768xbf16, #tpu.memory_space<vmem>>, %arg2: memref<768x2304xbf16, #tpu.memory_space<vmem>>, %arg3: memref<1x2304xf32, #tpu.memory_space<vmem>>, %arg4: memref<1x577x2304xf32, #tpu.memory_space<vmem>>, %arg5: memref<1x404x1xi32, #tpu.memory_space<vmem>>, %arg6: memref<1x404x1xf32, #tpu.memory_space<vmem>>, %arg7: memref<1x1x416xi32, #tpu.memory_space<vmem>>) attributes {dimension_semantics = [#tpu.dimension_semantics<arbitrary>], iteration_bounds = array<i64: 32>, scalar_prefetch = 0 : i64, scratch_operands = 0 : i64, tpu.core_type = #tpu.core_type<tc>, window_params = [{transform_indices = @transform_0, window_bounds = array<i64: 1, 577, 768>}, {pipeline_mode = #tpu.pipeline_mode<synchronous>, transform_indices = @transform_1, window_bounds = array<i64: 768, 2304>}, {pipeline_mode = #tpu.pipeline_mode<synchronous>, transform_indices = @transform_2, window_bounds = array<i64: 1, 2304>}, {transform_indices = @transform_3, window_bounds = array<i64: 1, 577, 2304>}, {transform_indices = @transform_4, window_bounds = array<i64: 1, 404, 1>}, {transform_indices = @transform_5, window_bounds = array<i64: 1, 404, 1>}, {transform_indices = @transform_6, window_bounds = array<i64: 1, 1, 416>}]} {
    %get3A = arith.constant 0 : index
    %get3A_0 = arith.constant 0 : index
    %get3A_1 = arith.constant 0 : index
    %get3A_2 = vector.load %arg1[%get3A, %get3A_0, %get3A_1] : memref<1x577x768xbf16, #tpu.memory_space<vmem>>, vector<1x577x768xbf16>
    %get3A_3 = vector.shape_cast %get3A_2 : vector<1x577x768xbf16> to vector<577x768xbf16>
    %get3A_4 = arith.constant 0 : index
    %get3A_5 = arith.constant 0 : index
    %get3A_6 = vector.load %arg2[%get3A_4, %get3A_5] : memref<768x2304xbf16, #tpu.memory_space<vmem>>, vector<768x2304xbf16>
    %dot_general3A = arith.constant dense<0.000000e+00> : vector<577x2304xf32>
    %dot_general3A_7 = tpu.matmul %get3A_3, %get3A_6, %dot_general3A {dimension_numbers = #tpu.dot_dimension_numbers<[1], [0], [0], [1], [0, 0, 1, 1], [], []>, transpose_lhs_hint = false} : vector<577x768xbf16>, vector<768x2304xbf16>, vector<577x2304xf32> -> vector<577x2304xf32>
    %get3A_8 = arith.constant 0 : index
    %get3A_9 = arith.constant 0 : index
    %get3A_10 = vector.load %arg3[%get3A_8, %get3A_9] : memref<1x2304xf32, #tpu.memory_space<vmem>>, vector<1x2304xf32>
    %add3A = vector.broadcast %get3A_10 : vector<1x2304xf32> to vector<577x2304xf32>
    %add3A_11 = arith.addf %dot_general3A_7, %add3A : vector<577x2304xf32>
    %swap3A = arith.constant 0 : index
    %swap3A_12 = arith.constant 0 : index
    %swap3A_13 = arith.constant 0 : index
    %swap3A_14 = vector.load %arg4[%swap3A, %swap3A_12, %swap3A_13] : memref<1x577x2304xf32, #tpu.memory_space<vmem>>, vector<1x577x2304xf32>
    %swap3A_15 = vector.shape_cast %swap3A_14 : vector<1x577x2304xf32> to vector<577x2304xf32>
    %swap3A_16 = vector.shape_cast %add3A_11 : vector<577x2304xf32> to vector<1x577x2304xf32>
    tpu.vector_store %arg4[%swap3A, %swap3A_12, %swap3A_13], %swap3A_16 {strides = array<i32>} : memref<1x577x2304xf32, #tpu.memory_space<vmem>>, vector<1x577x2304xf32>,
    %convert_element_type3A = arith.truncf %add3A_11 : vector<577x2304xf32> to vector<577x2304xbf16>
    %slice3A = vector.extract_strided_slice %convert_element_type3A {offsets = [0, 768], sizes = [577, 768], strides = [1, 1]} : vector<577x2304xbf16> to vector<577x768xbf16>
    %slice3A_17 = vector.extract_strided_slice %convert_element_type3A {offsets = [0, 0], sizes = [1, 768], strides = [1, 1]} : vector<577x2304xbf16> to vector<1x768xbf16>
    %convert_element_type3A_18 = arith.extf %slice3A_17 : vector<1x768xbf16> to vector<1x768xf32>
    %mul3A = arith.constant 1.250000e-01 : f32
    %mul3A_19 = vector.broadcast %mul3A : f32 to vector<1x768xf32>
    %mul3A_20 = arith.mulf %convert_element_type3A_18, %mul3A_19 : vector<1x768xf32>
    %iota3A = tpu.iota {dimensions = array<i32: 0>} : vector<768x768xi32>
    %iota3A_21 = tpu.iota {dimensions = array<i32: 1>} : vector<768x768xi32>
    %eq3A = arith.cmpi eq, %iota3A, %iota3A_21 : vector<768x768xi32>
    %jit3A = arith.constant 0.000000e+00 : f32
    %broadcast_in_dim3A = vector.shape_cast %mul3A_20 : vector<1x768xf32> to vector<1x768xf32>
    %broadcast_in_dim3A_22 = vector.broadcast %broadcast_in_dim3A : vector<1x768xf32> to vector<768x768xf32>
    %broadcast_in_dim3A_23 = vector.broadcast %jit3A : f32 to vector<768x768xf32>
    %select_n3A = arith.select %eq3A, %broadcast_in_dim3A_22, %broadcast_in_dim3A_23 : vector<768x768xi1>, vector<768x768xf32>
    %reduce_sum3A = arith.constant dense<0.000000e+00> : vector<768xf32>
    %reduce_sum3A_24 = vector.multi_reduction <add>, %select_n3A, %reduce_sum3A [1] : vector<768x768xf32> to vector<768xf32>
    %broadcast_in_dim3A_25 = vector.shape_cast %reduce_sum3A_24 : vector<768xf32> to vector<768x1xf32>
    %iota3A_26 = tpu.iota {dimensions = array<i32: 0>} : vector<768x128xi32>
    %iota3A_27 = tpu.iota {dimensions = array<i32: 1>} : vector<768x128xi32>
    %jit3A_28 = arith.constant 64 : i32
    %div3A = vector.broadcast %jit3A_28 : i32 to vector<768x128xi32>
    %div3A_29 = arith.divsi %iota3A_26, %div3A : vector<768x128xi32>
    %sign3A = arith.constant 0 : i32
    %sign3A_30 = vector.broadcast %sign3A : i32 to vector<768x128xi32>
    %sign3A_31 = arith.cmpi sgt, %iota3A_26, %sign3A_30 : vector<768x128xi32>
    %sign3A_32 = arith.extui %sign3A_31 : vector<768x128xi1> to vector<768x128xi32>
    %sign3A_33 = arith.constant 0 : i32
    %sign3A_34 = vector.broadcast %sign3A_33 : i32 to vector<768x128xi32>
    %sign3A_35 = arith.cmpi slt, %iota3A_26, %sign3A_34 : vector<768x128xi32>
    %sign3A_36 = arith.extui %sign3A_35 : vector<768x128xi1> to vector<768x128xi32>
    %sign3A_37 = arith.subi %sign3A_32, %sign3A_36 : vector<768x128xi32>
    %sign3A_38 = arith.constant 0 : i32
    %sign3A_39 = arith.cmpi sgt, %jit3A_28, %sign3A_38 : i32
    %sign3A_40 = arith.extui %sign3A_39 : i1 to i32
    %sign3A_41 = arith.constant 0 : i32
    %sign3A_42 = arith.cmpi slt, %jit3A_28, %sign3A_41 : i32
    %sign3A_43 = arith.extui %sign3A_42 : i1 to i32
    %sign3A_44 = arith.subi %sign3A_40, %sign3A_43 : i32
    %ne3A = vector.broadcast %sign3A_44 : i32 to vector<768x128xi32>
    %ne3A_45 = arith.cmpi ne, %sign3A_37, %ne3A : vector<768x128xi32>
    %rem3A = vector.broadcast %jit3A_28 : i32 to vector<768x128xi32>
    %rem3A_46 = arith.remsi %iota3A_26, %rem3A : vector<768x128xi32>
    %ne3A_47 = arith.constant 0 : i32
    %ne3A_48 = vector.broadcast %ne3A_47 : i32 to vector<768x128xi32>
    %ne3A_49 = arith.cmpi ne, %rem3A_46, %ne3A_48 : vector<768x128xi32>
    %and3A = arith.andi %ne3A_45, %ne3A_49 : vector<768x128xi1>
    %sub3A = arith.constant 1 : i32
    %sub3A_50 = vector.broadcast %sub3A : i32 to vector<768x128xi32>
    %sub3A_51 = arith.subi %div3A_29, %sub3A_50 : vector<768x128xi32>
    %select_n3A_52 = arith.select %and3A, %sub3A_51, %div3A_29 : vector<768x128xi1>, vector<768x128xi32>
    %eq3A_53 = arith.cmpi eq, %iota3A_27, %select_n3A_52 : vector<768x128xi32>
    %jit3A_54 = arith.constant 0.000000e+00 : f32
    %broadcast_in_dim3A_55 = vector.shape_cast %broadcast_in_dim3A_25 : vector<768x1xf32> to vector<768x1xf32>
    %broadcast_in_dim3A_56 = vector.broadcast %broadcast_in_dim3A_55 : vector<768x1xf32> to vector<768x128xf32>
    %broadcast_in_dim3A_57 = vector.broadcast %jit3A_54 : f32 to vector<768x128xf32>
    %select_n3A_58 = arith.select %eq3A_53, %broadcast_in_dim3A_56, %broadcast_in_dim3A_57 : vector<768x128xi1>, vector<768x128xf32>
    %convert_element_type3A_59 = arith.truncf %select_n3A_58 : vector<768x128xf32> to vector<768x128xbf16>
    %dot_general3A_60 = arith.constant dense<0.000000e+00> : vector<577x128xf32>
    %dot_general3A_61 = tpu.matmul %slice3A, %convert_element_type3A_59, %dot_general3A_60 {dimension_numbers = #tpu.dot_dimension_numbers<[1], [0], [0], [1], [0, 0, 1, 1], [], []>, transpose_lhs_hint = false} : vector<577x768xbf16>, vector<768x128xbf16>, vector<577x128xf32> -> vector<577x128xf32>
    %reduce_max3A = arith.constant dense<0xFF800000> : vector<128xf32>
    %reduce_max3A_62 = vector.multi_reduction <maximumf>, %dot_general3A_61, %reduce_max3A [0] : vector<577x128xf32> to vector<128xf32>
    %broadcast_in_dim3A_63 = vector.shape_cast %reduce_max3A_62 : vector<128xf32> to vector<1x128xf32>
    %sub3A_64 = vector.broadcast %broadcast_in_dim3A_63 : vector<1x128xf32> to vector<577x128xf32>
    %sub3A_65 = arith.subf %dot_general3A_61, %sub3A_64 : vector<577x128xf32>
    %exp3A = math.exp %sub3A_65 : vector<577x128xf32>
    %reduce_sum3A_66 = arith.constant dense<0.000000e+00> : vector<128xf32>
    %reduce_sum3A_67 = vector.multi_reduction <add>, %exp3A, %reduce_sum3A_66 [0] : vector<577x128xf32> to vector<128xf32>
    %broadcast_in_dim3A_68 = vector.shape_cast %reduce_sum3A_67 : vector<128xf32> to vector<1x128xf32>
    %div3A_69 = vector.broadcast %broadcast_in_dim3A_68 : vector<1x128xf32> to vector<577x128xf32>
    %div3A_70 = arith.divf %exp3A, %div3A_69 : vector<577x128xf32>
    %iota3A_71 = tpu.iota {dimensions = array<i32: 1>} : vector<577x128xi32>
    %lt3A = arith.constant 12 : i32
    %lt3A_72 = vector.broadcast %lt3A : i32 to vector<577x128xi32>
    %lt3A_73 = arith.cmpi slt, %iota3A_71, %lt3A_72 : vector<577x128xi32>
    %jit3A_74 = arith.constant 0.000000e+00 : f32
    %broadcast_in_dim3A_75 = vector.broadcast %jit3A_74 : f32 to vector<577x128xf32>
    %select_n3A_76 = arith.select %lt3A_73, %div3A_70, %broadcast_in_dim3A_75 : vector<577x128xi1>, vector<577x128xf32>
    %reduce_sum3A_77 = arith.constant dense<0.000000e+00> : vector<577xf32>
    %reduce_sum3A_78 = vector.multi_reduction <add>, %select_n3A_76, %reduce_sum3A_77 [1] : vector<577x128xf32> to vector<577xf32>
    %broadcast_in_dim3A_79 = vector.shape_cast %reduce_sum3A_78 : vector<577xf32> to vector<577x1xf32>
    %div3A_80 = arith.constant 1.200000e+01 : f32
    %div3A_81 = vector.broadcast %div3A_80 : f32 to vector<577x1xf32>
    %div3A_82 = arith.divf %broadcast_in_dim3A_79, %div3A_81 : vector<577x1xf32>
    %iota3A_83 = tpu.iota {dimensions = array<i32: 0>} : vector<577x577xi32>
    %iota3A_84 = tpu.iota {dimensions = array<i32: 1>} : vector<577x577xi32>
    %eq3A_85 = arith.cmpi eq, %iota3A_83, %iota3A_84 : vector<577x577xi32>
    %jit3A_86 = arith.constant 0.000000e+00 : f32
    %broadcast_in_dim3A_87 = vector.shape_cast %div3A_82 : vector<577x1xf32> to vector<577x1xf32>
    %broadcast_in_dim3A_88 = vector.broadcast %broadcast_in_dim3A_87 : vector<577x1xf32> to vector<577x577xf32>
    %broadcast_in_dim3A_89 = vector.broadcast %jit3A_86 : f32 to vector<577x577xf32>
    %select_n3A_90 = arith.select %eq3A_85, %broadcast_in_dim3A_88, %broadcast_in_dim3A_89 : vector<577x577xi1>, vector<577x577xf32>
    %reduce_sum3A_91 = arith.constant dense<0.000000e+00> : vector<577xf32>
    %reduce_sum3A_92 = vector.multi_reduction <add>, %select_n3A_90, %reduce_sum3A_91 [0] : vector<577x577xf32> to vector<577xf32>
    %broadcast_in_dim3A_93 = vector.shape_cast %reduce_sum3A_92 : vector<577xf32> to vector<1x577xf32>
    %ge3A = arith.constant 1 : i32
    %ge3A_94 = vector.broadcast %ge3A : i32 to vector<577x577xi32>
    %ge3A_95 = arith.cmpi sge, %iota3A_83, %ge3A_94 : vector<577x577xi32>
    %ge3A_96 = arith.constant 1 : i32
    %ge3A_97 = vector.broadcast %ge3A_96 : i32 to vector<577x577xi32>
    %ge3A_98 = arith.cmpi sge, %iota3A_84, %ge3A_97 : vector<577x577xi32>
    %and3A_99 = arith.andi %ge3A_95, %ge3A_98 : vector<577x577xi1>
    %gt3A = vector.broadcast %div3A_82 : vector<577x1xf32> to vector<577x577xf32>
    %gt3A_100 = vector.broadcast %broadcast_in_dim3A_93 : vector<1x577xf32> to vector<577x577xf32>
    %gt3A_101 = arith.cmpf ogt, %gt3A, %gt3A_100 : vector<577x577xf32>
    %eq3A_102 = vector.broadcast %div3A_82 : vector<577x1xf32> to vector<577x577xf32>
    %eq3A_103 = vector.broadcast %broadcast_in_dim3A_93 : vector<1x577xf32> to vector<577x577xf32>
    %eq3A_104 = arith.cmpf oeq, %eq3A_102, %eq3A_103 : vector<577x577xf32>
    %lt3A_105 = arith.cmpi slt, %iota3A_83, %iota3A_84 : vector<577x577xi32>
    %and3A_106 = arith.andi %eq3A_104, %lt3A_105 : vector<577x577xi1>
    %or3A = arith.ori %gt3A_101, %and3A_106 : vector<577x577xi1>
    %and3A_107 = arith.andi %and3A_99, %or3A : vector<577x577xi1>
    %convert_element_type3A_108 = arith.extui %and3A_107 : vector<577x577xi1> to vector<577x577xi32>
    %convert_element_type3A_109 = arith.sitofp %convert_element_type3A_108 : vector<577x577xi32> to vector<577x577xf32>
    %reduce_sum3A_110 = arith.constant dense<0.000000e+00> : vector<577xf32>
    %reduce_sum3A_111 = vector.multi_reduction <add>, %convert_element_type3A_109, %reduce_sum3A_110 [0] : vector<577x577xf32> to vector<577xf32>
    %broadcast_in_dim3A_112 = vector.shape_cast %reduce_sum3A_111 : vector<577xf32> to vector<1x577xf32>
    %lt3A_113 = arith.constant 4.030000e+02 : f32
    %lt3A_114 = vector.broadcast %lt3A_113 : f32 to vector<1x577xf32>
    %lt3A_115 = arith.cmpf olt, %broadcast_in_dim3A_112, %lt3A_114 : vector<1x577xf32>
    %convert_element_type3A_116 = arith.extui %lt3A_115 : vector<1x577xi1> to vector<1x577xi32>
    %convert_element_type3A_117 = arith.sitofp %convert_element_type3A_116 : vector<1x577xi32> to vector<1x577xf32>
    %eq3A_118 = arith.cmpi eq, %iota3A_83, %iota3A_84 : vector<577x577xi32>
    %jit3A_119 = arith.constant 0.000000e+00 : f32
    %broadcast_in_dim3A_120 = vector.shape_cast %convert_element_type3A_117 : vector<1x577xf32> to vector<1x577xf32>
    %broadcast_in_dim3A_121 = vector.broadcast %broadcast_in_dim3A_120 : vector<1x577xf32> to vector<577x577xf32>
    %broadcast_in_dim3A_122 = vector.broadcast %jit3A_119 : f32 to vector<577x577xf32>
    %select_n3A_123 = arith.select %eq3A_118, %broadcast_in_dim3A_121, %broadcast_in_dim3A_122 : vector<577x577xi1>, vector<577x577xf32>
    %reduce_sum3A_124 = arith.constant dense<0.000000e+00> : vector<577xf32>
    %reduce_sum3A_125 = vector.multi_reduction <add>, %select_n3A_123, %reduce_sum3A_124 [1] : vector<577x577xf32> to vector<577xf32>
    %broadcast_in_dim3A_126 = vector.shape_cast %reduce_sum3A_125 : vector<577xf32> to vector<577x1xf32>
    %lt3A_127 = arith.cmpi slt, %iota3A_83, %iota3A_84 : vector<577x577xi32>
    %convert_element_type3A_128 = arith.extui %lt3A_127 : vector<577x577xi1> to vector<577x577xi32>
    %convert_element_type3A_129 = arith.sitofp %convert_element_type3A_128 : vector<577x577xi32> to vector<577x577xf32>
    %mul3A_130 = vector.broadcast %broadcast_in_dim3A_126 : vector<577x1xf32> to vector<577x577xf32>
    %mul3A_131 = arith.mulf %mul3A_130, %convert_element_type3A_129 : vector<577x577xf32>
    %reduce_sum3A_132 = arith.constant dense<0.000000e+00> : vector<577xf32>
    %reduce_sum3A_133 = vector.multi_reduction <add>, %mul3A_131, %reduce_sum3A_132 [0] : vector<577x577xf32> to vector<577xf32>
    %broadcast_in_dim3A_134 = vector.shape_cast %reduce_sum3A_133 : vector<577xf32> to vector<1x577xf32>
    %iota3A_135 = tpu.iota {dimensions = array<i32: 0>} : vector<404x577xi32>
    %convert_element_type3A_136 = arith.sitofp %iota3A_135 : vector<404x577xi32> to vector<404x577xf32>
    %eq3A_137 = vector.broadcast %broadcast_in_dim3A_134 : vector<1x577xf32> to vector<404x577xf32>
    %eq3A_138 = arith.cmpf oeq, %eq3A_137, %convert_element_type3A_136 : vector<404x577xf32>
    %and3A_139 = vector.broadcast %lt3A_115 : vector<1x577xi1> to vector<404x577xi1>
    %and3A_140 = arith.andi %and3A_139, %eq3A_138 : vector<404x577xi1>
    %jit3A_141 = arith.constant 1.000000e+00 : f32
    %jit3A_142 = arith.constant 0.000000e+00 : f32
    %broadcast_in_dim3A_143 = vector.broadcast %jit3A_141 : f32 to vector<404x577xf32>
    %broadcast_in_dim3A_144 = vector.broadcast %jit3A_142 : f32 to vector<404x577xf32>
    %select_n3A_145 = arith.select %and3A_140, %broadcast_in_dim3A_143, %broadcast_in_dim3A_144 : vector<404x577xi1>, vector<404x577xf32>
    %iota3A_146 = tpu.iota {dimensions = array<i32: 1>} : vector<1x577xi32>
    %convert_element_type3A_147 = arith.sitofp %iota3A_146 : vector<1x577xi32> to vector<1x577xf32>
    %mul3A_148 = vector.broadcast %convert_element_type3A_147 : vector<1x577xf32> to vector<404x577xf32>
    %mul3A_149 = arith.mulf %select_n3A_145, %mul3A_148 : vector<404x577xf32>
    %reduce_sum3A_150 = arith.constant dense<0.000000e+00> : vector<404xf32>
    %reduce_sum3A_151 = vector.multi_reduction <add>, %mul3A_149, %reduce_sum3A_150 [1] : vector<404x577xf32> to vector<404xf32>
    %broadcast_in_dim3A_152 = vector.shape_cast %reduce_sum3A_151 : vector<404xf32> to vector<404x1xf32>
    %mul3A_153 = vector.broadcast %broadcast_in_dim3A_93 : vector<1x577xf32> to vector<404x577xf32>
    %mul3A_154 = arith.mulf %select_n3A_145, %mul3A_153 : vector<404x577xf32>
    %reduce_sum3A_155 = arith.constant dense<0.000000e+00> : vector<404xf32>
    %reduce_sum3A_156 = vector.multi_reduction <add>, %mul3A_154, %reduce_sum3A_155 [1] : vector<404x577xf32> to vector<404xf32>
    %broadcast_in_dim3A_157 = vector.shape_cast %reduce_sum3A_156 : vector<404xf32> to vector<404x1xf32>
    %convert_element_type3A_158 = arith.fptosi %broadcast_in_dim3A_152 : vector<404x1xf32> to vector<404x1xi32>
    %swap3A_159 = arith.constant 0 : index
    %swap3A_160 = arith.constant 0 : index
    %swap3A_161 = arith.constant 0 : index
    %swap3A_162 = vector.load %arg5[%swap3A_159, %swap3A_160, %swap3A_161] : memref<1x404x1xi32, #tpu.memory_space<vmem>>, vector<1x404x1xi32>
    %swap3A_163 = vector.shape_cast %swap3A_162 : vector<1x404x1xi32> to vector<404x1xi32>
    %swap3A_164 = vector.shape_cast %convert_element_type3A_158 : vector<404x1xi32> to vector<1x404x1xi32>
    tpu.vector_store %arg5[%swap3A_159, %swap3A_160, %swap3A_161], %swap3A_164 {strides = array<i32>} : memref<1x404x1xi32, #tpu.memory_space<vmem>>, vector<1x404x1xi32>,
    %swap3A_165 = arith.constant 0 : index
    %swap3A_166 = arith.constant 0 : index
    %swap3A_167 = arith.constant 0 : index
    %swap3A_168 = vector.load %arg6[%swap3A_165, %swap3A_166, %swap3A_167] : memref<1x404x1xf32, #tpu.memory_space<vmem>>, vector<1x404x1xf32>
    %swap3A_169 = vector.shape_cast %swap3A_168 : vector<1x404x1xf32> to vector<404x1xf32>
    %swap3A_170 = vector.shape_cast %broadcast_in_dim3A_157 : vector<404x1xf32> to vector<1x404x1xf32>
    tpu.vector_store %arg6[%swap3A_165, %swap3A_166, %swap3A_167], %swap3A_170 {strides = array<i32>} : memref<1x404x1xf32, #tpu.memory_space<vmem>>, vector<1x404x1xf32>,
    %iota3A_171 = tpu.iota {dimensions = array<i32: 0>} : vector<404x416xi32>
    %iota3A_172 = tpu.iota {dimensions = array<i32: 1>} : vector<404x416xi32>
    %eq3A_173 = arith.cmpi eq, %iota3A_171, %iota3A_172 : vector<404x416xi32>
    %jit3A_174 = arith.constant 0.000000e+00 : f32
    %broadcast_in_dim3A_175 = vector.shape_cast %broadcast_in_dim3A_152 : vector<404x1xf32> to vector<404x1xf32>
    %broadcast_in_dim3A_176 = vector.broadcast %broadcast_in_dim3A_175 : vector<404x1xf32> to vector<404x416xf32>
    %broadcast_in_dim3A_177 = vector.broadcast %jit3A_174 : f32 to vector<404x416xf32>
    %select_n3A_178 = arith.select %eq3A_173, %broadcast_in_dim3A_176, %broadcast_in_dim3A_177 : vector<404x416xi1>, vector<404x416xf32>
    %reduce_sum3A_179 = arith.constant dense<0.000000e+00> : vector<416xf32>
    %reduce_sum3A_180 = vector.multi_reduction <add>, %select_n3A_178, %reduce_sum3A_179 [0] : vector<404x416xf32> to vector<416xf32>
    %broadcast_in_dim3A_181 = vector.shape_cast %reduce_sum3A_180 : vector<416xf32> to vector<1x416xf32>
    %mul3A_182 = arith.constant 577 : i32
    %mul3A_183 = arith.muli %arg0, %mul3A_182 : i32
    %convert_element_type3A_184 = arith.sitofp %mul3A_183 : i32 to f32
    %iota3A_185 = tpu.iota {dimensions = array<i32: 1>} : vector<1x416xi32>
    %lt3A_186 = arith.constant 404 : i32
    %lt3A_187 = vector.broadcast %lt3A_186 : i32 to vector<1x416xi32>
    %lt3A_188 = arith.cmpi slt, %iota3A_185, %lt3A_187 : vector<1x416xi32>
    %convert_element_type3A_189 = arith.extui %lt3A_188 : vector<1x416xi1> to vector<1x416xi32>
    %convert_element_type3A_190 = arith.sitofp %convert_element_type3A_189 : vector<1x416xi32> to vector<1x416xf32>
    %mul3A_191 = vector.broadcast %convert_element_type3A_184 : f32 to vector<1x416xf32>
    %mul3A_192 = arith.mulf %mul3A_191, %convert_element_type3A_190 : vector<1x416xf32>
    %add3A_193 = arith.addf %broadcast_in_dim3A_181, %mul3A_192 : vector<1x416xf32>
    %convert_element_type3A_194 = arith.fptosi %add3A_193 : vector<1x416xf32> to vector<1x416xi32>
    %swap3A_195 = arith.constant 0 : index
    %swap3A_196 = arith.constant 0 : index
    %swap3A_197 = arith.constant 0 : index
    %swap3A_198 = vector.load %arg7[%swap3A_195, %swap3A_196, %swap3A_197] : memref<1x1x416xi32, #tpu.memory_space<vmem>>, vector<1x1x416xi32>
    %swap3A_199 = vector.shape_cast %swap3A_198 : vector<1x1x416xi32> to vector<1x416xi32>
    %swap3A_200 = vector.shape_cast %convert_element_type3A_194 : vector<1x416xi32> to vector<1x1x416xi32>
    tpu.vector_store %arg7[%swap3A_195, %swap3A_196, %swap3A_197], %swap3A_200 {strides = array<i32>} : memref<1x1x416xi32, #tpu.memory_space<vmem>>, vector<1x1x416xi32>,
    return
  }
  func.func @transform_0(%arg0: i32) -> (i32, i32, i32) {
    %c0_i32 = arith.constant 0 : i32
    %c0_i32_0 = arith.constant 0 : i32
    %c0_i32_1 = arith.constant 0 : i32
    return %arg0, %c0_i32, %c0_i32_0 : i32, i32, i32
  }
  func.func @transform_1(%arg0: i32) -> (i32, i32) {
    %c0_i32 = arith.constant 0 : i32
    %c0_i32_0 = arith.constant 0 : i32
    %c0_i32_1 = arith.constant 0 : i32
    return %c0_i32, %c0_i32_0 : i32, i32
  }
  func.func @transform_2(%arg0: i32) -> (i32, i32) {
    %c0_i32 = arith.constant 0 : i32
    %c0_i32_0 = arith.constant 0 : i32
    %c0_i32_1 = arith.constant 0 : i32
    return %c0_i32, %c0_i32_0 : i32, i32
  }
  func.func @transform_3(%arg0: i32) -> (i32, i32, i32) {
    %c0_i32 = arith.constant 0 : i32
    %c0_i32_0 = arith.constant 0 : i32
    %c0_i32_1 = arith.constant 0 : i32
    return %arg0, %c0_i32, %c0_i32_0 : i32, i32, i32
  }
  func.func @transform_4(%arg0: i32) -> (i32, i32, i32) {
    %c0_i32 = arith.constant 0 : i32
    %c0_i32_0 = arith.constant 0 : i32
    %c0_i32_1 = arith.constant 0 : i32
    return %arg0, %c0_i32, %c0_i32_0 : i32, i32, i32
  }
  func.func @transform_5(%arg0: i32) -> (i32, i32, i32) {
    %c0_i32 = arith.constant 0 : i32
    %c0_i32_0 = arith.constant 0 : i32
    %c0_i32_1 = arith.constant 0 : i32
    return %arg0, %c0_i32, %c0_i32_0 : i32, i32, i32
  }
  func.func @transform_6(%arg0: i32) -> (i32, i32, i32) {
    %c0_i32 = arith.constant 0 : i32
    %c0_i32_0 = arith.constant 0 : i32
    %c0_i32_1 = arith.constant 0 : i32
    return %arg0, %c0_i32, %c0_i32_0 : i32, i32, i32
  }
}

module attributes {stable_mosaic.version = 14 : i64} {
  func.func @_stage_c_body(%arg0: i32, %arg1: memref<1x408x2304xf32, #tpu.memory_space<vmem>>, %arg2: memref<768x768xbf16, #tpu.memory_space<vmem>>, %arg3: memref<1x768xf32, #tpu.memory_space<vmem>>, %arg4: memref<1x404x768xf32, #tpu.memory_space<vmem>>) attributes {dimension_semantics = [#tpu.dimension_semantics<arbitrary>], iteration_bounds = array<i64: 32>, scalar_prefetch = 0 : i64, scratch_operands = 0 : i64, tpu.core_type = #tpu.core_type<tc>, window_params = [{transform_indices = @transform_0, window_bounds = array<i64: 1, 408, 2304>}, {pipeline_mode = #tpu.pipeline_mode<synchronous>, transform_indices = @transform_1, window_bounds = array<i64: 768, 768>}, {pipeline_mode = #tpu.pipeline_mode<synchronous>, transform_indices = @transform_2, window_bounds = array<i64: 1, 768>}, {transform_indices = @transform_3, window_bounds = array<i64: 1, 404, 768>}]} {
    %get3A = arith.constant 0 : index
    %get3A_0 = arith.constant 0 : index
    %get3A_1 = arith.constant 0 : index
    %get3A_2 = vector.load %arg1[%get3A, %get3A_0, %get3A_1] : memref<1x408x2304xf32, #tpu.memory_space<vmem>>, vector<1x408x2304xf32>
    %get3A_3 = vector.shape_cast %get3A_2 : vector<1x408x2304xf32> to vector<408x2304xf32>
    %slice3A = vector.extract_strided_slice %get3A_3 {offsets = [0, 0], sizes = [404, 2304], strides = [1, 1]} : vector<408x2304xf32> to vector<404x2304xf32>
    %convert_element_type3A = arith.truncf %slice3A : vector<404x2304xf32> to vector<404x2304xbf16>
    %iota3A = tpu.iota {dimensions = array<i32: 1>} : vector<404x64xi32>
    %eq3A = arith.constant 0 : i32
    %eq3A_4 = vector.broadcast %eq3A : i32 to vector<404x64xi32>
    %eq3A_5 = arith.cmpi eq, %iota3A, %eq3A_4 : vector<404x64xi32>
    %convert_element_type3A_6 = arith.extui %eq3A_5 : vector<404x64xi1> to vector<404x64xi32>
    %convert_element_type3A_7 = arith.sitofp %convert_element_type3A_6 : vector<404x64xi32> to vector<404x64xf32>
    %convert_element_type3A_8 = arith.truncf %convert_element_type3A_7 : vector<404x64xf32> to vector<404x64xbf16>
    %slice3A_9 = vector.extract_strided_slice %convert_element_type3A {offsets = [0, 0], sizes = [404, 64], strides = [1, 1]} : vector<404x2304xbf16> to vector<404x64xbf16>
    %mul3A = arith.constant 1.250000e-01 : bf16
    %mul3A_10 = vector.broadcast %mul3A : bf16 to vector<404x64xbf16>
    %mul3A_11 = arith.mulf %slice3A_9, %mul3A_10 : vector<404x64xbf16>
    %slice3A_12 = vector.extract_strided_slice %convert_element_type3A {offsets = [0, 768], sizes = [404, 64], strides = [1, 1]} : vector<404x2304xbf16> to vector<404x64xbf16>
    %slice3A_13 = vector.extract_strided_slice %convert_element_type3A {offsets = [0, 1536], sizes = [404, 64], strides = [1, 1]} : vector<404x2304xbf16> to vector<404x64xbf16>
    %dot_general3A = arith.constant dense<0.000000e+00> : vector<404x404xf32>
    %dot_general3A_14 = tpu.matmul %mul3A_11, %slice3A_12, %dot_general3A {dimension_numbers = #tpu.dot_dimension_numbers<[1], [1], [0], [0], [0, 0, 1, 0], [], []>, transpose_lhs_hint = false} : vector<404x64xbf16>, vector<404x64xbf16>, vector<404x404xf32> -> vector<404x404xf32>
    %exp3A = math.exp %dot_general3A_14 : vector<404x404xf32>
    %convert_element_type3A_15 = arith.truncf %exp3A : vector<404x404xf32> to vector<404x404xbf16>
    %concatenate3A = tpu.concatenate %slice3A_13, %convert_element_type3A_8 in 1 : vector<404x64xbf16>, vector<404x64xbf16> -> vector<404x128xbf16>
    %dot_general3A_16 = arith.constant dense<0.000000e+00> : vector<404x128xf32>
    %dot_general3A_17 = tpu.matmul %convert_element_type3A_15, %concatenate3A, %dot_general3A_16 {dimension_numbers = #tpu.dot_dimension_numbers<[1], [0], [0], [1], [0, 0, 1, 1], [], []>, transpose_lhs_hint = false} : vector<404x404xbf16>, vector<404x128xbf16>, vector<404x128xf32> -> vector<404x128xf32>
    %slice3A_18 = vector.extract_strided_slice %dot_general3A_17 {offsets = [0, 64], sizes = [404, 1], strides = [1, 1]} : vector<404x128xf32> to vector<404x1xf32>
    %div3A = arith.constant 1.000000e+00 : f32
    %div3A_19 = vector.broadcast %div3A : f32 to vector<404x1xf32>
    %div3A_20 = arith.divf %div3A_19, %slice3A_18 : vector<404x1xf32>
    %slice3A_21 = vector.extract_strided_slice %dot_general3A_17 {offsets = [0, 0], sizes = [404, 64], strides = [1, 1]} : vector<404x128xf32> to vector<404x64xf32>
    %mul3A_22 = vector.broadcast %div3A_20 : vector<404x1xf32> to vector<404x64xf32>
    %mul3A_23 = arith.mulf %slice3A_21, %mul3A_22 : vector<404x64xf32>
    %slice3A_24 = vector.extract_strided_slice %convert_element_type3A {offsets = [0, 64], sizes = [404, 64], strides = [1, 1]} : vector<404x2304xbf16> to vector<404x64xbf16>
    %mul3A_25 = arith.constant 1.250000e-01 : bf16
    %mul3A_26 = vector.broadcast %mul3A_25 : bf16 to vector<404x64xbf16>
    %mul3A_27 = arith.mulf %slice3A_24, %mul3A_26 : vector<404x64xbf16>
    %slice3A_28 = vector.extract_strided_slice %convert_element_type3A {offsets = [0, 832], sizes = [404, 64], strides = [1, 1]} : vector<404x2304xbf16> to vector<404x64xbf16>
    %slice3A_29 = vector.extract_strided_slice %convert_element_type3A {offsets = [0, 1600], sizes = [404, 64], strides = [1, 1]} : vector<404x2304xbf16> to vector<404x64xbf16>
    %dot_general3A_30 = arith.constant dense<0.000000e+00> : vector<404x404xf32>
    %dot_general3A_31 = tpu.matmul %mul3A_27, %slice3A_28, %dot_general3A_30 {dimension_numbers = #tpu.dot_dimension_numbers<[1], [1], [0], [0], [0, 0, 1, 0], [], []>, transpose_lhs_hint = false} : vector<404x64xbf16>, vector<404x64xbf16>, vector<404x404xf32> -> vector<404x404xf32>
    %exp3A_32 = math.exp %dot_general3A_31 : vector<404x404xf32>
    %convert_element_type3A_33 = arith.truncf %exp3A_32 : vector<404x404xf32> to vector<404x404xbf16>
    %concatenate3A_34 = tpu.concatenate %slice3A_29, %convert_element_type3A_8 in 1 : vector<404x64xbf16>, vector<404x64xbf16> -> vector<404x128xbf16>
    %dot_general3A_35 = arith.constant dense<0.000000e+00> : vector<404x128xf32>
    %dot_general3A_36 = tpu.matmul %convert_element_type3A_33, %concatenate3A_34, %dot_general3A_35 {dimension_numbers = #tpu.dot_dimension_numbers<[1], [0], [0], [1], [0, 0, 1, 1], [], []>, transpose_lhs_hint = false} : vector<404x404xbf16>, vector<404x128xbf16>, vector<404x128xf32> -> vector<404x128xf32>
    %slice3A_37 = vector.extract_strided_slice %dot_general3A_36 {offsets = [0, 64], sizes = [404, 1], strides = [1, 1]} : vector<404x128xf32> to vector<404x1xf32>
    %div3A_38 = arith.constant 1.000000e+00 : f32
    %div3A_39 = vector.broadcast %div3A_38 : f32 to vector<404x1xf32>
    %div3A_40 = arith.divf %div3A_39, %slice3A_37 : vector<404x1xf32>
    %slice3A_41 = vector.extract_strided_slice %dot_general3A_36 {offsets = [0, 0], sizes = [404, 64], strides = [1, 1]} : vector<404x128xf32> to vector<404x64xf32>
    %mul3A_42 = vector.broadcast %div3A_40 : vector<404x1xf32> to vector<404x64xf32>
    %mul3A_43 = arith.mulf %slice3A_41, %mul3A_42 : vector<404x64xf32>
    %slice3A_44 = vector.extract_strided_slice %convert_element_type3A {offsets = [0, 128], sizes = [404, 64], strides = [1, 1]} : vector<404x2304xbf16> to vector<404x64xbf16>
    %mul3A_45 = arith.constant 1.250000e-01 : bf16
    %mul3A_46 = vector.broadcast %mul3A_45 : bf16 to vector<404x64xbf16>
    %mul3A_47 = arith.mulf %slice3A_44, %mul3A_46 : vector<404x64xbf16>
    %slice3A_48 = vector.extract_strided_slice %convert_element_type3A {offsets = [0, 896], sizes = [404, 64], strides = [1, 1]} : vector<404x2304xbf16> to vector<404x64xbf16>
    %slice3A_49 = vector.extract_strided_slice %convert_element_type3A {offsets = [0, 1664], sizes = [404, 64], strides = [1, 1]} : vector<404x2304xbf16> to vector<404x64xbf16>
    %dot_general3A_50 = arith.constant dense<0.000000e+00> : vector<404x404xf32>
    %dot_general3A_51 = tpu.matmul %mul3A_47, %slice3A_48, %dot_general3A_50 {dimension_numbers = #tpu.dot_dimension_numbers<[1], [1], [0], [0], [0, 0, 1, 0], [], []>, transpose_lhs_hint = false} : vector<404x64xbf16>, vector<404x64xbf16>, vector<404x404xf32> -> vector<404x404xf32>
    %exp3A_52 = math.exp %dot_general3A_51 : vector<404x404xf32>
    %convert_element_type3A_53 = arith.truncf %exp3A_52 : vector<404x404xf32> to vector<404x404xbf16>
    %concatenate3A_54 = tpu.concatenate %slice3A_49, %convert_element_type3A_8 in 1 : vector<404x64xbf16>, vector<404x64xbf16> -> vector<404x128xbf16>
    %dot_general3A_55 = arith.constant dense<0.000000e+00> : vector<404x128xf32>
    %dot_general3A_56 = tpu.matmul %convert_element_type3A_53, %concatenate3A_54, %dot_general3A_55 {dimension_numbers = #tpu.dot_dimension_numbers<[1], [0], [0], [1], [0, 0, 1, 1], [], []>, transpose_lhs_hint = false} : vector<404x404xbf16>, vector<404x128xbf16>, vector<404x128xf32> -> vector<404x128xf32>
    %slice3A_57 = vector.extract_strided_slice %dot_general3A_56 {offsets = [0, 64], sizes = [404, 1], strides = [1, 1]} : vector<404x128xf32> to vector<404x1xf32>
    %div3A_58 = arith.constant 1.000000e+00 : f32
    %div3A_59 = vector.broadcast %div3A_58 : f32 to vector<404x1xf32>
    %div3A_60 = arith.divf %div3A_59, %slice3A_57 : vector<404x1xf32>
    %slice3A_61 = vector.extract_strided_slice %dot_general3A_56 {offsets = [0, 0], sizes = [404, 64], strides = [1, 1]} : vector<404x128xf32> to vector<404x64xf32>
    %mul3A_62 = vector.broadcast %div3A_60 : vector<404x1xf32> to vector<404x64xf32>
    %mul3A_63 = arith.mulf %slice3A_61, %mul3A_62 : vector<404x64xf32>
    %slice3A_64 = vector.extract_strided_slice %convert_element_type3A {offsets = [0, 192], sizes = [404, 64], strides = [1, 1]} : vector<404x2304xbf16> to vector<404x64xbf16>
    %mul3A_65 = arith.constant 1.250000e-01 : bf16
    %mul3A_66 = vector.broadcast %mul3A_65 : bf16 to vector<404x64xbf16>
    %mul3A_67 = arith.mulf %slice3A_64, %mul3A_66 : vector<404x64xbf16>
    %slice3A_68 = vector.extract_strided_slice %convert_element_type3A {offsets = [0, 960], sizes = [404, 64], strides = [1, 1]} : vector<404x2304xbf16> to vector<404x64xbf16>
    %slice3A_69 = vector.extract_strided_slice %convert_element_type3A {offsets = [0, 1728], sizes = [404, 64], strides = [1, 1]} : vector<404x2304xbf16> to vector<404x64xbf16>
    %dot_general3A_70 = arith.constant dense<0.000000e+00> : vector<404x404xf32>
    %dot_general3A_71 = tpu.matmul %mul3A_67, %slice3A_68, %dot_general3A_70 {dimension_numbers = #tpu.dot_dimension_numbers<[1], [1], [0], [0], [0, 0, 1, 0], [], []>, transpose_lhs_hint = false} : vector<404x64xbf16>, vector<404x64xbf16>, vector<404x404xf32> -> vector<404x404xf32>
    %exp3A_72 = math.exp %dot_general3A_71 : vector<404x404xf32>
    %convert_element_type3A_73 = arith.truncf %exp3A_72 : vector<404x404xf32> to vector<404x404xbf16>
    %concatenate3A_74 = tpu.concatenate %slice3A_69, %convert_element_type3A_8 in 1 : vector<404x64xbf16>, vector<404x64xbf16> -> vector<404x128xbf16>
    %dot_general3A_75 = arith.constant dense<0.000000e+00> : vector<404x128xf32>
    %dot_general3A_76 = tpu.matmul %convert_element_type3A_73, %concatenate3A_74, %dot_general3A_75 {dimension_numbers = #tpu.dot_dimension_numbers<[1], [0], [0], [1], [0, 0, 1, 1], [], []>, transpose_lhs_hint = false} : vector<404x404xbf16>, vector<404x128xbf16>, vector<404x128xf32> -> vector<404x128xf32>
    %slice3A_77 = vector.extract_strided_slice %dot_general3A_76 {offsets = [0, 64], sizes = [404, 1], strides = [1, 1]} : vector<404x128xf32> to vector<404x1xf32>
    %div3A_78 = arith.constant 1.000000e+00 : f32
    %div3A_79 = vector.broadcast %div3A_78 : f32 to vector<404x1xf32>
    %div3A_80 = arith.divf %div3A_79, %slice3A_77 : vector<404x1xf32>
    %slice3A_81 = vector.extract_strided_slice %dot_general3A_76 {offsets = [0, 0], sizes = [404, 64], strides = [1, 1]} : vector<404x128xf32> to vector<404x64xf32>
    %mul3A_82 = vector.broadcast %div3A_80 : vector<404x1xf32> to vector<404x64xf32>
    %mul3A_83 = arith.mulf %slice3A_81, %mul3A_82 : vector<404x64xf32>
    %slice3A_84 = vector.extract_strided_slice %convert_element_type3A {offsets = [0, 256], sizes = [404, 64], strides = [1, 1]} : vector<404x2304xbf16> to vector<404x64xbf16>
    %mul3A_85 = arith.constant 1.250000e-01 : bf16
    %mul3A_86 = vector.broadcast %mul3A_85 : bf16 to vector<404x64xbf16>
    %mul3A_87 = arith.mulf %slice3A_84, %mul3A_86 : vector<404x64xbf16>
    %slice3A_88 = vector.extract_strided_slice %convert_element_type3A {offsets = [0, 1024], sizes = [404, 64], strides = [1, 1]} : vector<404x2304xbf16> to vector<404x64xbf16>
    %slice3A_89 = vector.extract_strided_slice %convert_element_type3A {offsets = [0, 1792], sizes = [404, 64], strides = [1, 1]} : vector<404x2304xbf16> to vector<404x64xbf16>
    %dot_general3A_90 = arith.constant dense<0.000000e+00> : vector<404x404xf32>
    %dot_general3A_91 = tpu.matmul %mul3A_87, %slice3A_88, %dot_general3A_90 {dimension_numbers = #tpu.dot_dimension_numbers<[1], [1], [0], [0], [0, 0, 1, 0], [], []>, transpose_lhs_hint = false} : vector<404x64xbf16>, vector<404x64xbf16>, vector<404x404xf32> -> vector<404x404xf32>
    %exp3A_92 = math.exp %dot_general3A_91 : vector<404x404xf32>
    %convert_element_type3A_93 = arith.truncf %exp3A_92 : vector<404x404xf32> to vector<404x404xbf16>
    %concatenate3A_94 = tpu.concatenate %slice3A_89, %convert_element_type3A_8 in 1 : vector<404x64xbf16>, vector<404x64xbf16> -> vector<404x128xbf16>
    %dot_general3A_95 = arith.constant dense<0.000000e+00> : vector<404x128xf32>
    %dot_general3A_96 = tpu.matmul %convert_element_type3A_93, %concatenate3A_94, %dot_general3A_95 {dimension_numbers = #tpu.dot_dimension_numbers<[1], [0], [0], [1], [0, 0, 1, 1], [], []>, transpose_lhs_hint = false} : vector<404x404xbf16>, vector<404x128xbf16>, vector<404x128xf32> -> vector<404x128xf32>
    %slice3A_97 = vector.extract_strided_slice %dot_general3A_96 {offsets = [0, 64], sizes = [404, 1], strides = [1, 1]} : vector<404x128xf32> to vector<404x1xf32>
    %div3A_98 = arith.constant 1.000000e+00 : f32
    %div3A_99 = vector.broadcast %div3A_98 : f32 to vector<404x1xf32>
    %div3A_100 = arith.divf %div3A_99, %slice3A_97 : vector<404x1xf32>
    %slice3A_101 = vector.extract_strided_slice %dot_general3A_96 {offsets = [0, 0], sizes = [404, 64], strides = [1, 1]} : vector<404x128xf32> to vector<404x64xf32>
    %mul3A_102 = vector.broadcast %div3A_100 : vector<404x1xf32> to vector<404x64xf32>
    %mul3A_103 = arith.mulf %slice3A_101, %mul3A_102 : vector<404x64xf32>
    %slice3A_104 = vector.extract_strided_slice %convert_element_type3A {offsets = [0, 320], sizes = [404, 64], strides = [1, 1]} : vector<404x2304xbf16> to vector<404x64xbf16>
    %mul3A_105 = arith.constant 1.250000e-01 : bf16
    %mul3A_106 = vector.broadcast %mul3A_105 : bf16 to vector<404x64xbf16>
    %mul3A_107 = arith.mulf %slice3A_104, %mul3A_106 : vector<404x64xbf16>
    %slice3A_108 = vector.extract_strided_slice %convert_element_type3A {offsets = [0, 1088], sizes = [404, 64], strides = [1, 1]} : vector<404x2304xbf16> to vector<404x64xbf16>
    %slice3A_109 = vector.extract_strided_slice %convert_element_type3A {offsets = [0, 1856], sizes = [404, 64], strides = [1, 1]} : vector<404x2304xbf16> to vector<404x64xbf16>
    %dot_general3A_110 = arith.constant dense<0.000000e+00> : vector<404x404xf32>
    %dot_general3A_111 = tpu.matmul %mul3A_107, %slice3A_108, %dot_general3A_110 {dimension_numbers = #tpu.dot_dimension_numbers<[1], [1], [0], [0], [0, 0, 1, 0], [], []>, transpose_lhs_hint = false} : vector<404x64xbf16>, vector<404x64xbf16>, vector<404x404xf32> -> vector<404x404xf32>
    %exp3A_112 = math.exp %dot_general3A_111 : vector<404x404xf32>
    %convert_element_type3A_113 = arith.truncf %exp3A_112 : vector<404x404xf32> to vector<404x404xbf16>
    %concatenate3A_114 = tpu.concatenate %slice3A_109, %convert_element_type3A_8 in 1 : vector<404x64xbf16>, vector<404x64xbf16> -> vector<404x128xbf16>
    %dot_general3A_115 = arith.constant dense<0.000000e+00> : vector<404x128xf32>
    %dot_general3A_116 = tpu.matmul %convert_element_type3A_113, %concatenate3A_114, %dot_general3A_115 {dimension_numbers = #tpu.dot_dimension_numbers<[1], [0], [0], [1], [0, 0, 1, 1], [], []>, transpose_lhs_hint = false} : vector<404x404xbf16>, vector<404x128xbf16>, vector<404x128xf32> -> vector<404x128xf32>
    %slice3A_117 = vector.extract_strided_slice %dot_general3A_116 {offsets = [0, 64], sizes = [404, 1], strides = [1, 1]} : vector<404x128xf32> to vector<404x1xf32>
    %div3A_118 = arith.constant 1.000000e+00 : f32
    %div3A_119 = vector.broadcast %div3A_118 : f32 to vector<404x1xf32>
    %div3A_120 = arith.divf %div3A_119, %slice3A_117 : vector<404x1xf32>
    %slice3A_121 = vector.extract_strided_slice %dot_general3A_116 {offsets = [0, 0], sizes = [404, 64], strides = [1, 1]} : vector<404x128xf32> to vector<404x64xf32>
    %mul3A_122 = vector.broadcast %div3A_120 : vector<404x1xf32> to vector<404x64xf32>
    %mul3A_123 = arith.mulf %slice3A_121, %mul3A_122 : vector<404x64xf32>
    %slice3A_124 = vector.extract_strided_slice %convert_element_type3A {offsets = [0, 384], sizes = [404, 64], strides = [1, 1]} : vector<404x2304xbf16> to vector<404x64xbf16>
    %mul3A_125 = arith.constant 1.250000e-01 : bf16
    %mul3A_126 = vector.broadcast %mul3A_125 : bf16 to vector<404x64xbf16>
    %mul3A_127 = arith.mulf %slice3A_124, %mul3A_126 : vector<404x64xbf16>
    %slice3A_128 = vector.extract_strided_slice %convert_element_type3A {offsets = [0, 1152], sizes = [404, 64], strides = [1, 1]} : vector<404x2304xbf16> to vector<404x64xbf16>
    %slice3A_129 = vector.extract_strided_slice %convert_element_type3A {offsets = [0, 1920], sizes = [404, 64], strides = [1, 1]} : vector<404x2304xbf16> to vector<404x64xbf16>
    %dot_general3A_130 = arith.constant dense<0.000000e+00> : vector<404x404xf32>
    %dot_general3A_131 = tpu.matmul %mul3A_127, %slice3A_128, %dot_general3A_130 {dimension_numbers = #tpu.dot_dimension_numbers<[1], [1], [0], [0], [0, 0, 1, 0], [], []>, transpose_lhs_hint = false} : vector<404x64xbf16>, vector<404x64xbf16>, vector<404x404xf32> -> vector<404x404xf32>
    %exp3A_132 = math.exp %dot_general3A_131 : vector<404x404xf32>
    %convert_element_type3A_133 = arith.truncf %exp3A_132 : vector<404x404xf32> to vector<404x404xbf16>
    %concatenate3A_134 = tpu.concatenate %slice3A_129, %convert_element_type3A_8 in 1 : vector<404x64xbf16>, vector<404x64xbf16> -> vector<404x128xbf16>
    %dot_general3A_135 = arith.constant dense<0.000000e+00> : vector<404x128xf32>
    %dot_general3A_136 = tpu.matmul %convert_element_type3A_133, %concatenate3A_134, %dot_general3A_135 {dimension_numbers = #tpu.dot_dimension_numbers<[1], [0], [0], [1], [0, 0, 1, 1], [], []>, transpose_lhs_hint = false} : vector<404x404xbf16>, vector<404x128xbf16>, vector<404x128xf32> -> vector<404x128xf32>
    %slice3A_137 = vector.extract_strided_slice %dot_general3A_136 {offsets = [0, 64], sizes = [404, 1], strides = [1, 1]} : vector<404x128xf32> to vector<404x1xf32>
    %div3A_138 = arith.constant 1.000000e+00 : f32
    %div3A_139 = vector.broadcast %div3A_138 : f32 to vector<404x1xf32>
    %div3A_140 = arith.divf %div3A_139, %slice3A_137 : vector<404x1xf32>
    %slice3A_141 = vector.extract_strided_slice %dot_general3A_136 {offsets = [0, 0], sizes = [404, 64], strides = [1, 1]} : vector<404x128xf32> to vector<404x64xf32>
    %mul3A_142 = vector.broadcast %div3A_140 : vector<404x1xf32> to vector<404x64xf32>
    %mul3A_143 = arith.mulf %slice3A_141, %mul3A_142 : vector<404x64xf32>
    %slice3A_144 = vector.extract_strided_slice %convert_element_type3A {offsets = [0, 448], sizes = [404, 64], strides = [1, 1]} : vector<404x2304xbf16> to vector<404x64xbf16>
    %mul3A_145 = arith.constant 1.250000e-01 : bf16
    %mul3A_146 = vector.broadcast %mul3A_145 : bf16 to vector<404x64xbf16>
    %mul3A_147 = arith.mulf %slice3A_144, %mul3A_146 : vector<404x64xbf16>
    %slice3A_148 = vector.extract_strided_slice %convert_element_type3A {offsets = [0, 1216], sizes = [404, 64], strides = [1, 1]} : vector<404x2304xbf16> to vector<404x64xbf16>
    %slice3A_149 = vector.extract_strided_slice %convert_element_type3A {offsets = [0, 1984], sizes = [404, 64], strides = [1, 1]} : vector<404x2304xbf16> to vector<404x64xbf16>
    %dot_general3A_150 = arith.constant dense<0.000000e+00> : vector<404x404xf32>
    %dot_general3A_151 = tpu.matmul %mul3A_147, %slice3A_148, %dot_general3A_150 {dimension_numbers = #tpu.dot_dimension_numbers<[1], [1], [0], [0], [0, 0, 1, 0], [], []>, transpose_lhs_hint = false} : vector<404x64xbf16>, vector<404x64xbf16>, vector<404x404xf32> -> vector<404x404xf32>
    %exp3A_152 = math.exp %dot_general3A_151 : vector<404x404xf32>
    %convert_element_type3A_153 = arith.truncf %exp3A_152 : vector<404x404xf32> to vector<404x404xbf16>
    %concatenate3A_154 = tpu.concatenate %slice3A_149, %convert_element_type3A_8 in 1 : vector<404x64xbf16>, vector<404x64xbf16> -> vector<404x128xbf16>
    %dot_general3A_155 = arith.constant dense<0.000000e+00> : vector<404x128xf32>
    %dot_general3A_156 = tpu.matmul %convert_element_type3A_153, %concatenate3A_154, %dot_general3A_155 {dimension_numbers = #tpu.dot_dimension_numbers<[1], [0], [0], [1], [0, 0, 1, 1], [], []>, transpose_lhs_hint = false} : vector<404x404xbf16>, vector<404x128xbf16>, vector<404x128xf32> -> vector<404x128xf32>
    %slice3A_157 = vector.extract_strided_slice %dot_general3A_156 {offsets = [0, 64], sizes = [404, 1], strides = [1, 1]} : vector<404x128xf32> to vector<404x1xf32>
    %div3A_158 = arith.constant 1.000000e+00 : f32
    %div3A_159 = vector.broadcast %div3A_158 : f32 to vector<404x1xf32>
    %div3A_160 = arith.divf %div3A_159, %slice3A_157 : vector<404x1xf32>
    %slice3A_161 = vector.extract_strided_slice %dot_general3A_156 {offsets = [0, 0], sizes = [404, 64], strides = [1, 1]} : vector<404x128xf32> to vector<404x64xf32>
    %mul3A_162 = vector.broadcast %div3A_160 : vector<404x1xf32> to vector<404x64xf32>
    %mul3A_163 = arith.mulf %slice3A_161, %mul3A_162 : vector<404x64xf32>
    %slice3A_164 = vector.extract_strided_slice %convert_element_type3A {offsets = [0, 512], sizes = [404, 64], strides = [1, 1]} : vector<404x2304xbf16> to vector<404x64xbf16>
    %mul3A_165 = arith.constant 1.250000e-01 : bf16
    %mul3A_166 = vector.broadcast %mul3A_165 : bf16 to vector<404x64xbf16>
    %mul3A_167 = arith.mulf %slice3A_164, %mul3A_166 : vector<404x64xbf16>
    %slice3A_168 = vector.extract_strided_slice %convert_element_type3A {offsets = [0, 1280], sizes = [404, 64], strides = [1, 1]} : vector<404x2304xbf16> to vector<404x64xbf16>
    %slice3A_169 = vector.extract_strided_slice %convert_element_type3A {offsets = [0, 2048], sizes = [404, 64], strides = [1, 1]} : vector<404x2304xbf16> to vector<404x64xbf16>
    %dot_general3A_170 = arith.constant dense<0.000000e+00> : vector<404x404xf32>
    %dot_general3A_171 = tpu.matmul %mul3A_167, %slice3A_168, %dot_general3A_170 {dimension_numbers = #tpu.dot_dimension_numbers<[1], [1], [0], [0], [0, 0, 1, 0], [], []>, transpose_lhs_hint = false} : vector<404x64xbf16>, vector<404x64xbf16>, vector<404x404xf32> -> vector<404x404xf32>
    %exp3A_172 = math.exp %dot_general3A_171 : vector<404x404xf32>
    %convert_element_type3A_173 = arith.truncf %exp3A_172 : vector<404x404xf32> to vector<404x404xbf16>
    %concatenate3A_174 = tpu.concatenate %slice3A_169, %convert_element_type3A_8 in 1 : vector<404x64xbf16>, vector<404x64xbf16> -> vector<404x128xbf16>
    %dot_general3A_175 = arith.constant dense<0.000000e+00> : vector<404x128xf32>
    %dot_general3A_176 = tpu.matmul %convert_element_type3A_173, %concatenate3A_174, %dot_general3A_175 {dimension_numbers = #tpu.dot_dimension_numbers<[1], [0], [0], [1], [0, 0, 1, 1], [], []>, transpose_lhs_hint = false} : vector<404x404xbf16>, vector<404x128xbf16>, vector<404x128xf32> -> vector<404x128xf32>
    %slice3A_177 = vector.extract_strided_slice %dot_general3A_176 {offsets = [0, 64], sizes = [404, 1], strides = [1, 1]} : vector<404x128xf32> to vector<404x1xf32>
    %div3A_178 = arith.constant 1.000000e+00 : f32
    %div3A_179 = vector.broadcast %div3A_178 : f32 to vector<404x1xf32>
    %div3A_180 = arith.divf %div3A_179, %slice3A_177 : vector<404x1xf32>
    %slice3A_181 = vector.extract_strided_slice %dot_general3A_176 {offsets = [0, 0], sizes = [404, 64], strides = [1, 1]} : vector<404x128xf32> to vector<404x64xf32>
    %mul3A_182 = vector.broadcast %div3A_180 : vector<404x1xf32> to vector<404x64xf32>
    %mul3A_183 = arith.mulf %slice3A_181, %mul3A_182 : vector<404x64xf32>
    %slice3A_184 = vector.extract_strided_slice %convert_element_type3A {offsets = [0, 576], sizes = [404, 64], strides = [1, 1]} : vector<404x2304xbf16> to vector<404x64xbf16>
    %mul3A_185 = arith.constant 1.250000e-01 : bf16
    %mul3A_186 = vector.broadcast %mul3A_185 : bf16 to vector<404x64xbf16>
    %mul3A_187 = arith.mulf %slice3A_184, %mul3A_186 : vector<404x64xbf16>
    %slice3A_188 = vector.extract_strided_slice %convert_element_type3A {offsets = [0, 1344], sizes = [404, 64], strides = [1, 1]} : vector<404x2304xbf16> to vector<404x64xbf16>
    %slice3A_189 = vector.extract_strided_slice %convert_element_type3A {offsets = [0, 2112], sizes = [404, 64], strides = [1, 1]} : vector<404x2304xbf16> to vector<404x64xbf16>
    %dot_general3A_190 = arith.constant dense<0.000000e+00> : vector<404x404xf32>
    %dot_general3A_191 = tpu.matmul %mul3A_187, %slice3A_188, %dot_general3A_190 {dimension_numbers = #tpu.dot_dimension_numbers<[1], [1], [0], [0], [0, 0, 1, 0], [], []>, transpose_lhs_hint = false} : vector<404x64xbf16>, vector<404x64xbf16>, vector<404x404xf32> -> vector<404x404xf32>
    %exp3A_192 = math.exp %dot_general3A_191 : vector<404x404xf32>
    %convert_element_type3A_193 = arith.truncf %exp3A_192 : vector<404x404xf32> to vector<404x404xbf16>
    %concatenate3A_194 = tpu.concatenate %slice3A_189, %convert_element_type3A_8 in 1 : vector<404x64xbf16>, vector<404x64xbf16> -> vector<404x128xbf16>
    %dot_general3A_195 = arith.constant dense<0.000000e+00> : vector<404x128xf32>
    %dot_general3A_196 = tpu.matmul %convert_element_type3A_193, %concatenate3A_194, %dot_general3A_195 {dimension_numbers = #tpu.dot_dimension_numbers<[1], [0], [0], [1], [0, 0, 1, 1], [], []>, transpose_lhs_hint = false} : vector<404x404xbf16>, vector<404x128xbf16>, vector<404x128xf32> -> vector<404x128xf32>
    %slice3A_197 = vector.extract_strided_slice %dot_general3A_196 {offsets = [0, 64], sizes = [404, 1], strides = [1, 1]} : vector<404x128xf32> to vector<404x1xf32>
    %div3A_198 = arith.constant 1.000000e+00 : f32
    %div3A_199 = vector.broadcast %div3A_198 : f32 to vector<404x1xf32>
    %div3A_200 = arith.divf %div3A_199, %slice3A_197 : vector<404x1xf32>
    %slice3A_201 = vector.extract_strided_slice %dot_general3A_196 {offsets = [0, 0], sizes = [404, 64], strides = [1, 1]} : vector<404x128xf32> to vector<404x64xf32>
    %mul3A_202 = vector.broadcast %div3A_200 : vector<404x1xf32> to vector<404x64xf32>
    %mul3A_203 = arith.mulf %slice3A_201, %mul3A_202 : vector<404x64xf32>
    %slice3A_204 = vector.extract_strided_slice %convert_element_type3A {offsets = [0, 640], sizes = [404, 64], strides = [1, 1]} : vector<404x2304xbf16> to vector<404x64xbf16>
    %mul3A_205 = arith.constant 1.250000e-01 : bf16
    %mul3A_206 = vector.broadcast %mul3A_205 : bf16 to vector<404x64xbf16>
    %mul3A_207 = arith.mulf %slice3A_204, %mul3A_206 : vector<404x64xbf16>
    %slice3A_208 = vector.extract_strided_slice %convert_element_type3A {offsets = [0, 1408], sizes = [404, 64], strides = [1, 1]} : vector<404x2304xbf16> to vector<404x64xbf16>
    %slice3A_209 = vector.extract_strided_slice %convert_element_type3A {offsets = [0, 2176], sizes = [404, 64], strides = [1, 1]} : vector<404x2304xbf16> to vector<404x64xbf16>
    %dot_general3A_210 = arith.constant dense<0.000000e+00> : vector<404x404xf32>
    %dot_general3A_211 = tpu.matmul %mul3A_207, %slice3A_208, %dot_general3A_210 {dimension_numbers = #tpu.dot_dimension_numbers<[1], [1], [0], [0], [0, 0, 1, 0], [], []>, transpose_lhs_hint = false} : vector<404x64xbf16>, vector<404x64xbf16>, vector<404x404xf32> -> vector<404x404xf32>
    %exp3A_212 = math.exp %dot_general3A_211 : vector<404x404xf32>
    %convert_element_type3A_213 = arith.truncf %exp3A_212 : vector<404x404xf32> to vector<404x404xbf16>
    %concatenate3A_214 = tpu.concatenate %slice3A_209, %convert_element_type3A_8 in 1 : vector<404x64xbf16>, vector<404x64xbf16> -> vector<404x128xbf16>
    %dot_general3A_215 = arith.constant dense<0.000000e+00> : vector<404x128xf32>
    %dot_general3A_216 = tpu.matmul %convert_element_type3A_213, %concatenate3A_214, %dot_general3A_215 {dimension_numbers = #tpu.dot_dimension_numbers<[1], [0], [0], [1], [0, 0, 1, 1], [], []>, transpose_lhs_hint = false} : vector<404x404xbf16>, vector<404x128xbf16>, vector<404x128xf32> -> vector<404x128xf32>
    %slice3A_217 = vector.extract_strided_slice %dot_general3A_216 {offsets = [0, 64], sizes = [404, 1], strides = [1, 1]} : vector<404x128xf32> to vector<404x1xf32>
    %div3A_218 = arith.constant 1.000000e+00 : f32
    %div3A_219 = vector.broadcast %div3A_218 : f32 to vector<404x1xf32>
    %div3A_220 = arith.divf %div3A_219, %slice3A_217 : vector<404x1xf32>
    %slice3A_221 = vector.extract_strided_slice %dot_general3A_216 {offsets = [0, 0], sizes = [404, 64], strides = [1, 1]} : vector<404x128xf32> to vector<404x64xf32>
    %mul3A_222 = vector.broadcast %div3A_220 : vector<404x1xf32> to vector<404x64xf32>
    %mul3A_223 = arith.mulf %slice3A_221, %mul3A_222 : vector<404x64xf32>
    %slice3A_224 = vector.extract_strided_slice %convert_element_type3A {offsets = [0, 704], sizes = [404, 64], strides = [1, 1]} : vector<404x2304xbf16> to vector<404x64xbf16>
    %mul3A_225 = arith.constant 1.250000e-01 : bf16
    %mul3A_226 = vector.broadcast %mul3A_225 : bf16 to vector<404x64xbf16>
    %mul3A_227 = arith.mulf %slice3A_224, %mul3A_226 : vector<404x64xbf16>
    %slice3A_228 = vector.extract_strided_slice %convert_element_type3A {offsets = [0, 1472], sizes = [404, 64], strides = [1, 1]} : vector<404x2304xbf16> to vector<404x64xbf16>
    %slice3A_229 = vector.extract_strided_slice %convert_element_type3A {offsets = [0, 2240], sizes = [404, 64], strides = [1, 1]} : vector<404x2304xbf16> to vector<404x64xbf16>
    %dot_general3A_230 = arith.constant dense<0.000000e+00> : vector<404x404xf32>
    %dot_general3A_231 = tpu.matmul %mul3A_227, %slice3A_228, %dot_general3A_230 {dimension_numbers = #tpu.dot_dimension_numbers<[1], [1], [0], [0], [0, 0, 1, 0], [], []>, transpose_lhs_hint = false} : vector<404x64xbf16>, vector<404x64xbf16>, vector<404x404xf32> -> vector<404x404xf32>
    %exp3A_232 = math.exp %dot_general3A_231 : vector<404x404xf32>
    %convert_element_type3A_233 = arith.truncf %exp3A_232 : vector<404x404xf32> to vector<404x404xbf16>
    %concatenate3A_234 = tpu.concatenate %slice3A_229, %convert_element_type3A_8 in 1 : vector<404x64xbf16>, vector<404x64xbf16> -> vector<404x128xbf16>
    %dot_general3A_235 = arith.constant dense<0.000000e+00> : vector<404x128xf32>
    %dot_general3A_236 = tpu.matmul %convert_element_type3A_233, %concatenate3A_234, %dot_general3A_235 {dimension_numbers = #tpu.dot_dimension_numbers<[1], [0], [0], [1], [0, 0, 1, 1], [], []>, transpose_lhs_hint = false} : vector<404x404xbf16>, vector<404x128xbf16>, vector<404x128xf32> -> vector<404x128xf32>
    %slice3A_237 = vector.extract_strided_slice %dot_general3A_236 {offsets = [0, 64], sizes = [404, 1], strides = [1, 1]} : vector<404x128xf32> to vector<404x1xf32>
    %div3A_238 = arith.constant 1.000000e+00 : f32
    %div3A_239 = vector.broadcast %div3A_238 : f32 to vector<404x1xf32>
    %div3A_240 = arith.divf %div3A_239, %slice3A_237 : vector<404x1xf32>
    %slice3A_241 = vector.extract_strided_slice %dot_general3A_236 {offsets = [0, 0], sizes = [404, 64], strides = [1, 1]} : vector<404x128xf32> to vector<404x64xf32>
    %mul3A_242 = vector.broadcast %div3A_240 : vector<404x1xf32> to vector<404x64xf32>
    %mul3A_243 = arith.mulf %slice3A_241, %mul3A_242 : vector<404x64xf32>
    %concatenate3A_244 = tpu.concatenate %mul3A_23, %mul3A_43, %mul3A_63, %mul3A_83, %mul3A_103, %mul3A_123, %mul3A_143, %mul3A_163, %mul3A_183, %mul3A_203, %mul3A_223, %mul3A_243 in 1 : vector<404x64xf32>, vector<404x64xf32>, vector<404x64xf32>, vector<404x64xf32>, vector<404x64xf32>, vector<404x64xf32>, vector<404x64xf32>, vector<404x64xf32>, vector<404x64xf32>, vector<404x64xf32>, vector<404x64xf32>, vector<404x64xf32> -> vector<404x768xf32>
    %convert_element_type3A_245 = arith.truncf %concatenate3A_244 : vector<404x768xf32> to vector<404x768xbf16>
    %get3A_246 = arith.constant 0 : index
    %get3A_247 = arith.constant 0 : index
    %get3A_248 = vector.load %arg2[%get3A_246, %get3A_247] : memref<768x768xbf16, #tpu.memory_space<vmem>>, vector<768x768xbf16>
    %dot_general3A_249 = arith.constant dense<0.000000e+00> : vector<404x768xf32>
    %dot_general3A_250 = tpu.matmul %convert_element_type3A_245, %get3A_248, %dot_general3A_249 {dimension_numbers = #tpu.dot_dimension_numbers<[1], [0], [0], [1], [0, 0, 1, 1], [], []>, transpose_lhs_hint = false} : vector<404x768xbf16>, vector<768x768xbf16>, vector<404x768xf32> -> vector<404x768xf32>
    %get3A_251 = arith.constant 0 : index
    %get3A_252 = arith.constant 0 : index
    %get3A_253 = vector.load %arg3[%get3A_251, %get3A_252] : memref<1x768xf32, #tpu.memory_space<vmem>>, vector<1x768xf32>
    %add3A = vector.broadcast %get3A_253 : vector<1x768xf32> to vector<404x768xf32>
    %add3A_254 = arith.addf %dot_general3A_250, %add3A : vector<404x768xf32>
    %swap3A = arith.constant 0 : index
    %swap3A_255 = arith.constant 0 : index
    %swap3A_256 = arith.constant 0 : index
    %swap3A_257 = vector.load %arg4[%swap3A, %swap3A_255, %swap3A_256] : memref<1x404x768xf32, #tpu.memory_space<vmem>>, vector<1x404x768xf32>
    %swap3A_258 = vector.shape_cast %swap3A_257 : vector<1x404x768xf32> to vector<404x768xf32>
    %swap3A_259 = vector.shape_cast %add3A_254 : vector<404x768xf32> to vector<1x404x768xf32>
    tpu.vector_store %arg4[%swap3A, %swap3A_255, %swap3A_256], %swap3A_259 {strides = array<i32>} : memref<1x404x768xf32, #tpu.memory_space<vmem>>, vector<1x404x768xf32>,
    return
  }
  func.func @transform_0(%arg0: i32) -> (i32, i32, i32) {
    %c0_i32 = arith.constant 0 : i32
    %c0_i32_0 = arith.constant 0 : i32
    %c0_i32_1 = arith.constant 0 : i32
    return %arg0, %c0_i32, %c0_i32_0 : i32, i32, i32
  }
  func.func @transform_1(%arg0: i32) -> (i32, i32) {
    %c0_i32 = arith.constant 0 : i32
    %c0_i32_0 = arith.constant 0 : i32
    %c0_i32_1 = arith.constant 0 : i32
    return %c0_i32, %c0_i32_0 : i32, i32
  }
  func.func @transform_2(%arg0: i32) -> (i32, i32) {
    %c0_i32 = arith.constant 0 : i32
    %c0_i32_0 = arith.constant 0 : i32
    %c0_i32_1 = arith.constant 0 : i32
    return %c0_i32, %c0_i32_0 : i32, i32
  }
  func.func @transform_3(%arg0: i32) -> (i32, i32, i32) {
    %c0_i32 = arith.constant 0 : i32
    %c0_i32_0 = arith.constant 0 : i32
    %c0_i32_1 = arith.constant 0 : i32
    return %arg0, %c0_i32, %c0_i32_0 : i32, i32, i32
  }
}

</mosaic_0001>

<sc_bundles>
// kernel: kernel.5.cloned.1.call-start
scs
__scs_entry_jumppad:
0x0: {  	(pc) =	sbr.rel $0x88, $3  }
0x1: {  	(tag) =	ssettag $0x0;
	lr =	simm.s32 $0x1  }
0x2: {  	[smem:$0x3F9C] =	sst lr;
	_ =	strace $0xD0000000  }
0x3: {  	_ = 	snop  }
0x4: {  	_ = 	snop  }
0x5: {  	_ = 	snop  }
0x6: {  	_ = 	snop  }
0x7: {  	_ = 	snop  }
__scs_overlays_trampoline_lowered:
0x8: {  	[smem:$0x3FAB] =	sst s0  }
0x9: {  	[smem:$0x3FAC] =	sst s1  }
0xa: {  	[smem:$0x3FAD] =	sst s2  }
0xb: {  	[smem:$0x3FAE] =	sst s3  }
0xc: {  	[smem:$0x3FAF] =	sst s4  }
0xd: {  	[smem:$0x3FB0] =	sst s5  }
0xe: {  	[smem:$0x3FB1] =	sst s6  }
0xf: {  	[smem:$0x3FB2] =	sst s7  }
0x10: {  	[smem:$0x3FB3] =	sst s8  }
0x11: {  	[smem:$0x3FB4] =	sst s9;
	s0 =	simm.s32 @!p0 $0x0  }
0x12: {  	s1 =	sld [smem:$0x3F9A];
	s0 =	simm.s32 @p0 $0x1  }
0x13: {  	[smem:$0x3FB5] =	sst s0;
	s0 =	simm.s32 @!p1 $0x0  }
0x14: {  	s2 =	sld [smem:$0x3F99];
	s0 =	simm.s32 @p1 $0x1  }
0x15: {  	[smem:$0x3FB6] =	sst s0;
	s0 =	simm.s32 @!p2 $0x0  }
0x16: {  	s3 =	sld [smem:$0x3FDB];
	s0 =	simm.s32 @p2 $0x1  }
0x17: {  	s4 =	simm.s32 $0x1BF5;
	[smem:$0x3FB8] =	sst s0  }
0x18: {  	s0 =	sld [smem:$0x3F9B];
	_ =	swait.ge [sflag:s4], $0x0  }
0x19: {  	s7 =	sld [smem:$0x3F9C]  }
0x1a: {  	s8 =	sadd.s32 $0xFFFFE003, lr  }
0x1b: {  	s9 =	sadd.s32 $0xFFFFFEF7, lr;
	s5 =	simm.s32 $0xFFFFFFFF;
	p2 =	slt.u32 s8, $0xFFFFF086  }
0x1c: {  	p1 =	slt.u32 s9, $0xF7A;
	s5 =	simm.s32 @!p2 $0x0  }
0x1d: {  	s5 =	simm.s32 @p1 $0x1;
	p0 =	seq.s32 s7, s2  }
0x1e: {  	s7 =	smul.u32 @!p0 $0xF7A, s2;
	p2 =	seq.s32 @!p0 s5, $0x0  }
0x1f: {  	s9 =	smul.u32 $0xF7A, s1;
	s8 =	simm.s32 @!p0 $0x1BF5;
	p2 =	por !p2, p0  }
0x20: {  	[sflag:s8] =	ssyncset.s32 @!p0 $0xFFFFF086;
	s6 =	sadd.s32 @!p0 s3, s7;
	s7 =	simm.s32 @!p0 $0x108  }
0x21: {  	s3 =	sadd.s32 s3, s9;
	s6 =	sadd.s32 @!p0 $0x88, s6;
	s7 =	simm.s32 @p2 $0x1082  }
0x22: {  	[simem:s7], [sflag:s8] =	dma.local @!p0 [hbm:s6], $0xF7A  }
0x23: {  	s9 =	sor.u32 $0xD0000000, s2;
	s6 =	simm.s32 $0x108;
	_ =	swait.ge @!p0 [sflag:s8], $0x0  }
0x24: {  	s3 =	sadd.s32 $0x88, s3;
	s6 =	simm.s32 @!p1 $0x1082;
	[sflag:s4] =	ssyncset.s32 $0xFFFFF086  }
0x25: {  	[simem:s6], [sflag:s4] =	dma.local [hbm:s3], $0xF7A  }
0x26: {  	[smem:$0x3F9C] =	sst s1;
	(tag) =	ssettag s2;
	_ =	strace s9  }
0x27: {  	s1 =	sld [smem:$0x3FAC]  }
0x28: {  	s2 =	sld [smem:$0x3FAD]  }
0x29: {  	s4 =	sld [smem:$0x3FAF]  }
0x2a: {  	p0 =	seq.s32 s5, $0x0;
	s5 =	sld [smem:$0x3FB0]  }
0x2b: {  	s6 =	sld [smem:$0x3FB1]  }
0x2c: {  	s7 =	sld [smem:$0x3FB2]  }
0x2d: {  	s3 =	simm.s32 $0x108;
	s8 =	sld [smem:$0x3FB3]  }
0x2e: {  	s3 =	simm.s32 @!p0 $0x1082;
	s9 =	sld [smem:$0x3FB4]  }
0x2f: {  	lr =	sadd.s32 s0, s3;
	s0 =	sld [smem:$0x3FAB]  }
0x30: {  	s3 =	sld [smem:$0x3FAE]  }
0x31: {  	[smem:$0x3FB7] =	sst s10  }
0x32: {  	s10 =	sld [smem:$0x3FB5];
	_ =	sdelay $0x3  }
0x33: {  	p0 =	seq.s32 s10, $0x1;
	s10 =	sld [smem:$0x3FB7];
	_ =	sdelay $0x3  }
0x34: {  	[smem:$0x3FB7] =	sst s10  }
0x35: {  	s10 =	sld [smem:$0x3FB6];
	_ =	sdelay $0x3  }
0x36: {  	p1 =	seq.s32 s10, $0x1;
	s10 =	sld [smem:$0x3FB7];
	_ =	sdelay $0x3  }
0x37: {  	[smem:$0x3FB7] =	sst s10  }
0x38: {  	s10 =	sld [smem:$0x3FB8]  }
0x39: {  	_ = 	snop;
	(pc) =	sbr.ind lr, $3  }
0x3a: {  	_ = 	snop  }
0x3b: {  	_ = 	snop  }
0x3c: {  	p2 =	seq.s32 s10, $0x1;
	s10 =	sld [smem:$0x3FB7]  }
0x3d: {  	_ =	shalt  }
0x3e: {  	_ =	shalt  }
0x3f: {  	_ =	shalt  }
0x40: {  	_ =	shalt  }
0x41: {  	_ =	shalt  }
0x42: {  	_ =	shalt  }
0x43: {  	_ =	shalt  }
0x44: {  	_ =	shalt  }
0x45: {  	_ =	shalt  }
0x46: {  	_ =	shalt  }
0x47: {  	_ =	shalt  }
0x48: {  	_ =	shalt  }
0x49: {  	_ =	shalt  }
0x4a: {  	_ =	shalt  }
0x4b: {  	_ =	shalt  }
0x4c: {  	_ =	shalt  }
0x4d: {  	_ =	shalt  }
0x4e: {  	_ =	shalt  }
0x4f: {  	_ =	shalt  }
0x50: {  	_ =	shalt  }
0x51: {  	_ =	shalt  }
0x52: {  	_ =	shalt  }
0x53: {  	_ =	shalt  }
0x54: {  	_ =	shalt  }
0x55: {  	_ =	shalt  }
0x56: {  	_ =	shalt  }
0x57: {  	_ =	shalt  }
0x58: {  	_ =	shalt  }
0x59: {  	_ =	shalt  }
0x5a: {  	_ =	shalt  }
0x5b: {  	_ =	shalt  }
0x5c: {  	_ =	shalt  }
0x5d: {  	_ =	shalt  }
0x5e: {  	_ =	shalt  }
0x5f: {  	_ =	shalt  }
0x60: {  	_ =	shalt  }
0x61: {  	_ =	shalt  }
0x62: {  	_ =	shalt  }
0x63: {  	_ =	shalt  }
0x64: {  	_ =	shalt  }
0x65: {  	_ =	shalt  }
0x66: {  	_ =	shalt  }
0x67: {  	_ =	shalt  }
0x68: {  	_ =	shalt  }
0x69: {  	_ =	shalt  }
0x6a: {  	_ =	shalt  }
0x6b: {  	_ =	shalt  }
0x6c: {  	_ =	shalt  }
0x6d: {  	_ =	shalt  }
0x6e: {  	_ =	shalt  }
0x6f: {  	_ =	shalt  }
0x70: {  	_ =	shalt  }
0x71: {  	_ =	shalt  }
0x72: {  	_ =	shalt  }
0x73: {  	_ =	shalt  }
0x74: {  	_ =	shalt  }
0x75: {  	_ =	shalt  }
0x76: {  	_ =	shalt  }
0x77: {  	_ =	shalt  }
0x78: {  	_ =	shalt  }
0x79: {  	_ =	shalt  }
0x7a: {  	_ =	shalt  }
0x7b: {  	_ =	shalt  }
0x7c: {  	_ =	shalt  }
0x7d: {  	_ =	shalt  }
0x7e: {  	_ =	shalt  }
0x7f: {  	_ =	shalt  }
0x80: {  	_ =	shalt  }
0x81: {  	_ =	shalt  }
0x82: {  	_ =	shalt  }
0x83: {  	_ =	shalt  }
0x84: {  	_ =	shalt  }
0x85: {  	_ =	shalt  }
0x86: {  	_ =	shalt  }
0x87: {  	_ =	shalt  }
.Lfunc_end0:
.L_simem_size_0:
called_computation_lowered:
.L_overlay_start_0:
0x88: {  	s2 =	sld [smem:$0x3FD9]  }
0x89: {  	s3 =	sld [smem:$0x3FFE];
	_ =	sdelay $0x1  }
0x8a: {  	s1 =	srdreg.scid  }
0x8b: {  	s0 =	sand.u32 $0x1, s1  }
0x8c: {  	s16 =	sshll.u32 s0, $0xA;
	s2 =	sadd.s32 s3, s2  }
0x8d: {  	s2 =	sadd.s32 s2, s16  }
0x8e: {  	[smem:$0x3FC3] =	sst s2  }
0x8f: {  	_ = 	snop  }
0x90: {  	(tm) =	ssettm $0x1  }
0x91: {  	s17 =	sld [smem:$0x3FFB];
	_ =	sdelay $0x3  }
0x92: {  	_ =	strace s17  }
0x93: {  	s2 =	sld [smem:$0x3FFC];
	_ =	sdelay $0x3  }
0x94: {  	_ =	strace s2  }
0x95: {  	s2 =	sld [smem:$0x3FFD];
	_ =	sdelay $0x3  }
0x96: {  	_ =	strace s2  }
0x97: {  	_ =	strace $0x8FFFFFFF  }
0x98: {  	s18 =	sld [smem:$0x3FDB];
	_ =	sdelay $0x1  }
0x99: {  	s19 =	simm.s32 $_scs_section_size  }
0x9a: {  	s4 =	simm.s32 $_size__tile_overlayer_lowered;
	s5 =	simm.s32 $_tile_overlayer_lowered  }
0x9b: {  	s22 =	simm.s32 $0x1BFF;
	s21 =	sshll.u32 s5, $0x1;
	s2 =	sadd.s32 s19, s18  }
0x9c: {  	s6 =	simm.s32 $0x0;
	s20 =	sshll.u32 s4, $0x1;
	s4 =	sadd.s32 s21, s2  }
0x9d: {  	[timem:s6], [sflag:s22] =	dma.local [hbm:s4], s20  }
0x9e: {  	_ =	swait.ge [sflag:s22], s20  }
0x9f: {  	s3 =	ssub.s32 $0x0, s20;
	[sflag:s22] =	ssyncset.done $0x0  }
0xa0: {  	[sflag:s22] =	ssyncadd.s32 s3;
	_ =	sdelay $0x1  }
0xa1: {  	s23 =	simm.s32 $0x1B8B  }
0xa2: {  	_ =	swait.ge [sflag:s23], $0x1  }
0xa3: {  	[sflag:s23] =	ssyncset.done $0x0  }
0xa4: {  	s25 =	simm.s32 $0x1B8E;
	s24 =	sld [smem:$0x3FFE];
	[sflag:s23] =	ssyncadd.s32 $0xFFFFFFFF  }
0xa5: {  	s26 =	simm.s32 $execute0_lowered;
	[smem:$0x3FD2] =	sst s25  }
0xa6: {  	s4 =	sshll.u32 s26, $0x1;
	_ =	strace $0x80000046;
	[dreg:$0x1] =	wrdreg $0xFFFFFFFF  }
0xa7: {  	s28 =	simm.s32 $_size_execute0_lowered;
	s2 =	sadd.s32 s2, s4;
	[dreg:$0x0] =	wrdreg $0x0  }
0xa8: {  	s4 =	sshll.u32 s28, $0x1;
	[dreg:$0x2] =	wrdreg s2  }
0xa9: {  	[dreg:$0x3] =	wrdreg s4  }
0xaa: {  	[dreg:$0x4] =	wrdreg $0xC0  }
0xab: {  	_ =	task [dreg:s6], $0x5FFFF  }
0xac: {  	[dreg:$0x1] =	wrdreg $0xFFFFFFFF  }
0xad: {  	[dreg:$0x0] =	wrdreg $0x60  }
0xae: {  	[dreg:$0x2] =	wrdreg s24  }
0xaf: {  	[dreg:$0x3] =	wrdreg $0x9  }
0xb0: {  	_ =	task.clear_ibuf [dreg:s6], $0x4FFFF;
	_ =	strace $0x90000046  }
0xb1: {  	s29 =	simm.s32 $0x9;
	_ =	strace $0x80000048  }
0xb2: {  	_ =	swait.ge [sflag:s29], $0x1  }
0xb3: {  	[sflag:s29] =	ssyncadd.s32 $0xFFFFFFFF  }
0xb4: {  	_ =	strace $0x90000048  }
0xb5: {  	_ =	sfence  }
0xb6: {  	s30 =	sld [smem:$0x0];
	_ =	sdelay $0x2  }
0xb7: {  	s31 =	sshll.u32 s1, $0xD;
	s1 =	sshrl.u32 s1, $0x2  }
0xb8: {  	s3 =	sand.u32 $0x4000, s31;
	s1 =	sadd.s32 s1, s30  }
0xb9: {  	s0 =	sor.u32 s3, s0;
	s1 =	sshll.u32 s1, $0x11  }
0xba: {  	s0 =	sor.u32 s1, s0  }
0xbb: {  	s0 =	sadd.s32 $0x8F2B, s0  }
0xbc: {  	[sflag:s0] =	ssyncadd.remote.s32 $0x1  }
0xbd: {  	_ =	sfence.sel $0xFFFF  }
0xbe: {  	[dreg:$0x0] =	wrdreg $0xFFFFFFFF;
	(pc) =	sbr.abs _section_cstart, $3  }
0xbf: {  	[dreg:$0x1] =	wrdreg $0xFFFFFFFF  }
0xc0: {  	_ =	task.clear_ibuf [dreg:s6], $0x2FFFF;
	_ =	strace $0x9FFFFFFF  }
0xc1: {  	(tm) =	ssettm $0x7FFFFFFF  }
tec
execute0_lowered:
.L_overlay_start_1:
0x0: {  	(tag) =	ssettag $0x1  }
0x1: {  	s0 =	rddreg [dreg:$0x0]  }
0x2: {  	s2 =	simm.s32 $0x0;
	s3 =	stileid.u32;
	s1 =	srdreg.scid  }
0x3: {  	s28 =	simm.s32 $0x4;
	[smem:$0x7FF] =	sst s2;
	s4 =	sand.u32 $0x1, s1  }
0x4: {  	s22 =	sshll.u32 s3, $0x1;
	s5 =	sshll.u32 s3, $0x7;
	s3 =	sadd.s32 $0x555C00, s0  }
0x5: {  	s1 =	sadd.s32 $0x1400, s0;
	_ =	strace $0x80000047;
	s6 =	sor.u32 s4, s22  }
0x6: {  	s23 =	sand.u32 $0x600, s5;
	s4 =	ssub.s32 $0x2, s4;
	s9 =	smul.u32 $0x198, s6  }
0x7: {  	s5 =	sadd.s32 s23, s0;
	s6 =	sshll.u32 s6, $0x4;
	s31 =	sshrl.u32 s4, $0x1  }
0x8: {  	s6 =	sand.u32 $0x70, s6;
	s4 =	ssub.s32 s4, s31;
	s31 =	simm.s32 $0x400  }
0x9: {  	s7 =	sshrl.u32 s9, $0x3;
	s8 =	sadd.s32 $0x18, s9;
	s5 =	sadd.s32 s6, s5  }
0xa: {  	s26 =	sadd.s32 $0x48, s9;
	s10 =	sadd.s32 $0x78, s9;
	s15 =	sadd.s32 $0xA8, s9  }
0xb: {  	s17 =	sadd.s32 $0xD8, s9;
	[dreg:$0x14] =	wrdreg s31;
	s24 =	smul.u32 $0x900, s7  }
0xc: {  	s25 =	sshrl.u32 s8, $0x3;
	s5 =	sadd.s32 $0xC00, s5;
	s29 =	sshrl.u32 s26, $0x3  }
0xd: {  	s11 =	sshrl.u32 s10, $0x3;
	s16 =	sshrl.u32 s15, $0x3;
	s7 =	smul.u32 $0x900, s25  }
0xe: {  	s10 =	sadd.s32 $0x108, s9;
	[dreg:$0x2] =	wrdreg s5;
	s13 =	sadd.s32 s1, s24  }
0xf: {  	s5 =	smul.u32 $0x900, s29;
	s30 =	sadd.s32 s1, s7;
	[dreg:$0x15] =	wrdreg s13  }
0x10: {  	s14 =	smul.u32 $0x900, s11;
	s8 =	sadd.s32 $0x3600, s13;
	[dreg:$0x3] =	wrdreg s30  }
0x11: {  	s6 =	smul.u32 $0x900, s16;
	s5 =	sadd.s32 s1, s5;
	[dreg:$0x4] =	wrdreg s8  }
0x12: {  	s21 =	sshrl.u32 s10, $0x3;
	s12 =	sadd.s32 $0x6C00, s13;
	[dreg:$0x5] =	wrdreg s5  }
0x13: {  	s11 =	smul.u32 $0x900, s21;
	s7 =	sadd.s32 s1, s14;
	[dreg:$0x6] =	wrdreg s12  }
0x14: {  	s18 =	sadd.s32 $0xA200, s13;
	s19 =	sadd.s32 s1, s6;
	[dreg:$0x7] =	wrdreg s7  }
0x15: {  	s6 =	sadd.s32 $0x555E00, s0;
	s20 =	sadd.s32 $0xD800, s13;
	[dreg:$0x8] =	wrdreg s18  }
0x16: {  	s22 =	sadd.s32 $0x10E00, s13;
	s24 =	sadd.s32 $0x14400, s13;
	[dreg:$0x9] =	wrdreg s19  }
0x17: {  	s26 =	sadd.s32 $0x17A00, s13;
	s29 =	sadd.s32 $0x1B000, s13;
	[dreg:$0xa] =	wrdreg s20  }
0x18: {  	s5 =	sadd.s32 $0x555D00, s0;
	s8 =	sshrl.u32 s17, $0x3;
	[dreg:$0xc] =	wrdreg s22  }
0x19: {  	s7 =	sadd.s32 $0x555F00, s0;
	s12 =	sadd.s32 $0x138, s9;
	[dreg:$0xe] =	wrdreg s24  }
0x1a: {  	s11 =	sadd.s32 s1, s11;
	s9 =	sadd.s32 $0x168, s9;
	[dreg:$0x10] =	wrdreg s26  }
0x1b: {  	[dreg:$0x12] =	wrdreg s29;
	s30 =	simm.s32 $0x80;
	s26 =	simm.s32 $0x3  }
0x1c: {  	s8 =	smul.u32 $0x900, s8;
	s23 =	sshrl.u32 s12, $0x3;
	[dreg:$0xd] =	wrdreg s11  }
0x1d: {  	s9 =	sshrl.u32 s9, $0x3;
	s11 =	sadd.s32 $0x556300, s0;
	s10 =	smul.u32 $0x900, s23  }
0x1e: {  	s12 =	sadd.s32 $0x556400, s0;
	[dreg:$0x13] =	wrdreg s30;
	s25 =	smul.u32 $0x900, s9  }
0x1f: {  	s9 =	sadd.s32 $0x556100, s0;
	s23 =	simm.s32 $0x1;
	s8 =	sadd.s32 s1, s8  }
0x20: {  	v2 =	vlaneseq.u32;
	[dreg:$0xb] =	wrdreg s8;
	s8 =	sadd.s32 $0x556000, s0;
	s10 =	sadd.s32 s1, s10  }
0x21: {  	vm0 =	vmmov $0xffff;
	v1 =	vshrl.u32 v2, $0x3;
	s1 =	sadd.s32 s1, s25;
	s25 =	simm.s32 $0x2;
	[dreg:$0xf] =	wrdreg s10  }
0x22: {  	v0 =	vand.u32 $0x7, v2;
	v2 =	vor.u32 $0x8, v2;
	v1 =	vmul.u32 $0x8, v1;
	s10 =	sadd.s32 $0x556200, s0;
	[dreg:$0x11] =	wrdreg s1;
	s1 =	smax.u32 s4, $0x1  }
.LBB2_1:
0x23: {  	[dreg:$0x16] =	wrdreg s1  }
0x24: {  	s29 =	rddreg [dreg:$0x2]  }
0x25: {  	s30 =	rddreg [dreg:$0x13]  }
0x26: {  	s31 =	rddreg [dreg:$0x14];
	s15 =	simm.s32 $0x5  }
0x27: {  	[tilespmem:s2], [sflag:$0x5] =	stream.strided.gather [hbm4b:s29+s30], $0x200, s31, s30, $0x38;
	[tilespmem:$0x1B200] =	vst v63  }
0x28: {  	_ =	swait.ge [sflag:s15], $0x200  }
0x29: {  	[sflag:s15] =	ssyncset.done $0x0  }
0x2a: {  	[sflag:s15] =	ssyncadd.s32 $0xFFFFFE00  }
0x2b: {  	v3 =	vld [tilespmem:$0x0];
	_ =	sdelay $0x4  }
0x2c: {  	v4 =	vshrl.u32 v3, $0x3  }
0x2d: {  	v4 =	vmul.u32 $0x90, v4  }
0x2e: {  	v3 =	vand.u32 $0x7, v3  }
0x2f: {  	v3 =	vor.u32 v3, v4  }
0x30: {  	v4 =	vperm.xlane v3, v0;
	_ =	sdelay $0x1  }
0x31: {  	v4 =	vadd.s32 v1, v4;
	_ =	sdelay $0x3  }
0x32: {  	s0 =	simm.s32 $0x200  }
0x33: {  	[tilespmem:s0], [sflag:$0x1] =	stream.indirect_vreg.gather [hbm4b:s3+s2], $0x80, v4, vm0, $0xb8;
	[tilespmem:$0x1B200] =	vst v63  }
0x34: {  	s16 =	simm.s32 $0xA00  }
0x35: {  	[tilespmem:s16], [sflag:$0x1] =	stream.indirect_vreg.gather [hbm4b:s5+s2], $0x80, v4, vm0, $0xb8;
	[tilespmem:$0x1B200] =	vst v63  }
0x36: {  	s17 =	simm.s32 $0x1200  }
0x37: {  	[tilespmem:s17], [sflag:$0x1] =	stream.indirect_vreg.gather [hbm4b:s6+s2], $0x80, v4, vm0, $0xb8;
	[tilespmem:$0x1B200] =	vst v63  }
0x38: {  	s18 =	simm.s32 $0x1A00  }
0x39: {  	[tilespmem:s18], [sflag:$0x1] =	stream.indirect_vreg.gather [hbm4b:s7+s2], $0x80, v4, vm0, $0xb8;
	[tilespmem:$0x1B200] =	vst v63  }
0x3a: {  	s19 =	simm.s32 $0x2200  }
0x3b: {  	[tilespmem:s19], [sflag:$0x1] =	stream.indirect_vreg.gather [hbm4b:s8+s2], $0x80, v4, vm0, $0xb8;
	[tilespmem:$0x1B200] =	vst v63  }
0x3c: {  	s20 =	simm.s32 $0x2A00  }
0x3d: {  	[tilespmem:s20], [sflag:$0x1] =	stream.indirect_vreg.gather [hbm4b:s9+s2], $0x80, v4, vm0, $0xb8;
	[tilespmem:$0x1B200] =	vst v63  }
0x3e: {  	s21 =	simm.s32 $0x3200;
	v3 =	vperm.xlane v3, v2  }
0x3f: {  	[tilespmem:s21], [sflag:$0x1] =	stream.indirect_vreg.gather [hbm4b:s10+s2], $0x80, v4, vm0, $0xb8;
	[tilespmem:$0x1B200] =	vst v63  }
0x40: {  	s22 =	simm.s32 $0x3A00;
	v3 =	vadd.s32 v1, v3  }
0x41: {  	[tilespmem:s22], [sflag:$0x1] =	stream.indirect_vreg.gather [hbm4b:s11+s2], $0x80, v4, vm0, $0xb8;
	[tilespmem:$0x1B200] =	vst v63  }
0x42: {  	s24 =	simm.s32 $0x4200  }
0x43: {  	[tilespmem:s24], [sflag:$0x1] =	stream.indirect_vreg.gather [hbm4b:s12+s2], $0x80, v4, vm0, $0xb8;
	[tilespmem:$0x1B200] =	vst v63  }
0x44: {  	s29 =	simm.s32 $0x4A00  }
0x45: {  	[tilespmem:s29], [sflag:$0x1] =	stream.indirect_vreg.gather [hbm4b:s3+s2], $0x80, v3, vm0, $0xb8;
	[tilespmem:$0x1B200] =	vst v63  }
0x46: {  	s30 =	simm.s32 $0x5200  }
0x47: {  	[tilespmem:s30], [sflag:$0x1] =	stream.indirect_vreg.gather [hbm4b:s5+s2], $0x80, v3, vm0, $0xb8;
	[tilespmem:$0x1B200] =	vst v63  }
0x48: {  	s31 =	simm.s32 $0x5A00  }
0x49: {  	[tilespmem:s31], [sflag:$0x1] =	stream.indirect_vreg.gather [hbm4b:s6+s2], $0x80, v3, vm0, $0xb8;
	[tilespmem:$0x1B200] =	vst v63  }
0x4a: {  	s4 =	simm.s32 $0x6200  }
0x4b: {  	[tilespmem:s4], [sflag:$0x1] =	stream.indirect_vreg.gather [hbm4b:s7+s2], $0x80, v3, vm0, $0xb8;
	[tilespmem:$0x1B200] =	vst v63  }
0x4c: {  	s13 =	simm.s32 $0x6A00  }
0x4d: {  	[tilespmem:s13], [sflag:$0x1] =	stream.indirect_vreg.gather [hbm4b:s8+s2], $0x80, v3, vm0, $0xb8;
	[tilespmem:$0x1B200] =	vst v63  }
0x4e: {  	s16 =	simm.s32 $0x7200  }
0x4f: {  	[tilespmem:s16], [sflag:$0x1] =	stream.indirect_vreg.gather [hbm4b:s9+s2], $0x80, v3, vm0, $0xb8;
	[tilespmem:$0x1B200] =	vst v63  }
0x50: {  	s17 =	simm.s32 $0x7A00  }
0x51: {  	[tilespmem:s17], [sflag:$0x1] =	stream.indirect_vreg.gather [hbm4b:s10+s2], $0x80, v3, vm0, $0xb8;
	[tilespmem:$0x1B200] =	vst v63  }
0x52: {  	s18 =	simm.s32 $0x8200  }
0x53: {  	[tilespmem:s18], [sflag:$0x1] =	stream.indirect_vreg.gather [hbm4b:s11+s2], $0x80, v3, vm0, $0xb8;
	[tilespmem:$0x1B200] =	vst v63  }
0x54: {  	s19 =	simm.s32 $0x8A00  }
0x55: {  	[tilespmem:s19], [sflag:$0x1] =	stream.indirect_vreg.gather [hbm4b:s12+s2], $0x80, v3, vm0, $0xb8;
	[tilespmem:$0x1B200] =	vst v63  }
0x56: {  	v3 =	vld.msk [tilespmem:$0x10], $0xff;
	_ =	sdelay $0x4  }
0x57: {  	v31 =	vshrl.u32 v3, $0x3  }
0x58: {  	v4 =	vmul.u32 $0x90, v31  }
0x59: {  	v3 =	vand.u32 $0x7, v3  }
0x5a: {  	v3 =	vor.u32 v3, v4  }
0x5b: {  	v3 =	vperm.xlane v3, v0;
	_ =	sdelay $0x1  }
0x5c: {  	v3 =	vadd.s32 v1, v3;
	_ =	sdelay $0x3  }
0x5d: {  	s20 =	simm.s32 $0x9200  }
0x5e: {  	[tilespmem:s20], [sflag:$0x1] =	stream.indirect_vreg.gather [hbm4b:s3+s2], $0x80, v3, vm0, $0xb8;
	[tilespmem:$0x1B200] =	vst v63  }
0x5f: {  	s21 =	simm.s32 $0x9A00  }
0x60: {  	[tilespmem:s21], [sflag:$0x1] =	stream.indirect_vreg.gather [hbm4b:s5+s2], $0x80, v3, vm0, $0xb8;
	[tilespmem:$0x1B200] =	vst v63  }
0x61: {  	s22 =	simm.s32 $0xA200  }
0x62: {  	[tilespmem:s22], [sflag:$0x1] =	stream.indirect_vreg.gather [hbm4b:s6+s2], $0x80, v3, vm0, $0xb8;
	[tilespmem:$0x1B200] =	vst v63  }
0x63: {  	s24 =	simm.s32 $0xAA00  }
0x64: {  	[tilespmem:s24], [sflag:$0x1] =	stream.indirect_vreg.gather [hbm4b:s7+s2], $0x80, v3, vm0, $0xb8;
	[tilespmem:$0x1B200] =	vst v63  }
0x65: {  	s29 =	simm.s32 $0xB200  }
0x66: {  	[tilespmem:s29], [sflag:$0x1] =	stream.indirect_vreg.gather [hbm4b:s8+s2], $0x80, v3, vm0, $0xb8;
	[tilespmem:$0x1B200] =	vst v63  }
0x67: {  	s31 =	simm.s32 $0xBA00  }
0x68: {  	[tilespmem:s31], [sflag:$0x1] =	stream.indirect_vreg.gather [hbm4b:s9+s2], $0x80, v3, vm0, $0xb8;
	[tilespmem:$0x1B200] =	vst v63  }
0x69: {  	s4 =	simm.s32 $0xC200  }
0x6a: {  	[tilespmem:s4], [sflag:$0x1] =	stream.indirect_vreg.gather [hbm4b:s10+s2], $0x80, v3, vm0, $0xb8;
	[tilespmem:$0x1B200] =	vst v63  }
0x6b: {  	s13 =	simm.s32 $0xCA00  }
0x6c: {  	[tilespmem:s13], [sflag:$0x1] =	stream.indirect_vreg.gather [hbm4b:s11+s2], $0x80, v3, vm0, $0xb8;
	[tilespmem:$0x1B200] =	vst v63  }
0x6d: {  	s16 =	simm.s32 $0xD200  }
0x6e: {  	[tilespmem:s16], [sflag:$0x1] =	stream.indirect_vreg.gather [hbm4b:s12+s2], $0x80, v3, vm0, $0xb8;
	[tilespmem:$0x1B200] =	vst v63  }
0x6f: {  	_ =	swait.ge [sflag:s23], $0xD800  }
0x70: {  	[sflag:s23] =	ssyncset.done $0x0  }
0x71: {  	s1 =	simm.s32 $0x200;
	s17 =	rddreg [dreg:$0x15];
	[sflag:s23] =	ssyncadd.s32 $0xFFFF2800  }
0x72: {  	[hbm4b:s17+s2] =	stream.linear.scatter [tilespmem:s1], [sflag:$0x3], $0xD800, $0x38;
	[tilespmem:$0x1B200] =	vst v63  }
0x73: {  	v3 =	vld [tilespmem:$0x18];
	_ =	sdelay $0x4  }
0x74: {  	v32 =	vshrl.u32 v3, $0x3  }
0x75: {  	v4 =	vmul.u32 $0x90, v32  }
0x76: {  	v3 =	vand.u32 $0x7, v3  }
0x77: {  	v3 =	vor.u32 v3, v4  }
0x78: {  	v4 =	vperm.xlane v3, v0;
	_ =	sdelay $0x1  }
0x79: {  	v4 =	vadd.s32 v1, v4;
	_ =	sdelay $0x3  }
0x7a: {  	s18 =	simm.s32 $0xDA00  }
0x7b: {  	[tilespmem:s18], [sflag:$0x2] =	stream.indirect_vreg.gather [hbm4b:s3+s2], $0x80, v4, vm0, $0xb8;
	[tilespmem:$0x1B200] =	vst v63  }
0x7c: {  	s4 =	simm.s32 $0xE200  }
0x7d: {  	[tilespmem:s4], [sflag:$0x2] =	stream.indirect_vreg.gather [hbm4b:s5+s2], $0x80, v4, vm0, $0xb8;
	[tilespmem:$0x1B200] =	vst v63  }
0x7e: {  	s19 =	simm.s32 $0xEA00  }
0x7f: {  	[tilespmem:s19], [sflag:$0x2] =	stream.indirect_vreg.gather [hbm4b:s6+s2], $0x80, v4, vm0, $0xb8;
	[tilespmem:$0x1B200] =	vst v63  }
0x80: {  	s20 =	simm.s32 $0xF200  }
0x81: {  	[tilespmem:s20], [sflag:$0x2] =	stream.indirect_vreg.gather [hbm4b:s7+s2], $0x80, v4, vm0, $0xb8;
	[tilespmem:$0x1B200] =	vst v63  }
0x82: {  	s21 =	simm.s32 $0xFA00  }
0x83: {  	[tilespmem:s21], [sflag:$0x2] =	stream.indirect_vreg.gather [hbm4b:s8+s2], $0x80, v4, vm0, $0xb8;
	[tilespmem:$0x1B200] =	vst v63  }
0x84: {  	s22 =	simm.s32 $0x10200  }
0x85: {  	[tilespmem:s22], [sflag:$0x2] =	stream.indirect_vreg.gather [hbm4b:s9+s2], $0x80, v4, vm0, $0xb8;
	[tilespmem:$0x1B200] =	vst v63  }
0x86: {  	s24 =	simm.s32 $0x10A00;
	v3 =	vperm.xlane v3, v2  }
0x87: {  	[tilespmem:s24], [sflag:$0x2] =	stream.indirect_vreg.gather [hbm4b:s10+s2], $0x80, v4, vm0, $0xb8;
	[tilespmem:$0x1B200] =	vst v63  }
0x88: {  	s29 =	simm.s32 $0x11200;
	v3 =	vadd.s32 v1, v3  }
0x89: {  	[tilespmem:s29], [sflag:$0x2] =	stream.indirect_vreg.gather [hbm4b:s11+s2], $0x80, v4, vm0, $0xb8;
	[tilespmem:$0x1B200] =	vst v63  }
0x8a: {  	s31 =	simm.s32 $0x11A00  }
0x8b: {  	[tilespmem:s31], [sflag:$0x2] =	stream.indirect_vreg.gather [hbm4b:s12+s2], $0x80, v4, vm0, $0xb8;
	[tilespmem:$0x1B200] =	vst v63  }
0x8c: {  	s13 =	simm.s32 $0x12200  }
0x8d: {  	[tilespmem:s13], [sflag:$0x2] =	stream.indirect_vreg.gather [hbm4b:s3+s2], $0x80, v3, vm0, $0xb8;
	[tilespmem:$0x1B200] =	vst v63  }
0x8e: {  	s16 =	simm.s32 $0x12A00  }
0x8f: {  	[tilespmem:s16], [sflag:$0x2] =	stream.indirect_vreg.gather [hbm4b:s5+s2], $0x80, v3, vm0, $0xb8;
	[tilespmem:$0x1B200] =	vst v63  }
0x90: {  	s17 =	simm.s32 $0x13200  }
0x91: {  	[tilespmem:s17], [sflag:$0x2] =	stream.indirect_vreg.gather [hbm4b:s6+s2], $0x80, v3, vm0, $0xb8;
	[tilespmem:$0x1B200] =	vst v63  }
0x92: {  	s18 =	simm.s32 $0x13A00  }
0x93: {  	[tilespmem:s18], [sflag:$0x2] =	stream.indirect_vreg.gather [hbm4b:s7+s2], $0x80, v3, vm0, $0xb8;
	[tilespmem:$0x1B200] =	vst v63  }
0x94: {  	s19 =	simm.s32 $0x14200  }
0x95: {  	[tilespmem:s19], [sflag:$0x2] =	stream.indirect_vreg.gather [hbm4b:s8+s2], $0x80, v3, vm0, $0xb8;
	[tilespmem:$0x1B200] =	vst v63  }
0x96: {  	s20 =	simm.s32 $0x14A00  }
0x97: {  	[tilespmem:s20], [sflag:$0x2] =	stream.indirect_vreg.gather [hbm4b:s9+s2], $0x80, v3, vm0, $0xb8;
	[tilespmem:$0x1B200] =	vst v63  }
0x98: {  	s21 =	simm.s32 $0x15200  }
0x99: {  	[tilespmem:s21], [sflag:$0x2] =	stream.indirect_vreg.gather [hbm4b:s10+s2], $0x80, v3, vm0, $0xb8;
	[tilespmem:$0x1B200] =	vst v63  }
0x9a: {  	s22 =	simm.s32 $0x15A00  }
0x9b: {  	[tilespmem:s22], [sflag:$0x2] =	stream.indirect_vreg.gather [hbm4b:s11+s2], $0x80, v3, vm0, $0xb8;
	[tilespmem:$0x1B200] =	vst v63  }
0x9c: {  	s24 =	simm.s32 $0x16200  }
0x9d: {  	[tilespmem:s24], [sflag:$0x2] =	stream.indirect_vreg.gather [hbm4b:s12+s2], $0x80, v3, vm0, $0xb8;
	[tilespmem:$0x1B200] =	vst v63  }
0x9e: {  	v3 =	vld.msk [tilespmem:$0x28], $0xff;
	_ =	sdelay $0x4  }
0x9f: {  	v33 =	vshrl.u32 v3, $0x3  }
0xa0: {  	v4 =	vmul.u32 $0x90, v33  }
0xa1: {  	v3 =	vand.u32 $0x7, v3  }
0xa2: {  	v3 =	vor.u32 v3, v4  }
0xa3: {  	v3 =	vperm.xlane v3, v0;
	_ =	sdelay $0x1  }
0xa4: {  	v3 =	vadd.s32 v1, v3;
	_ =	sdelay $0x3  }
0xa5: {  	s29 =	simm.s32 $0x16A00  }
0xa6: {  	[tilespmem:s29], [sflag:$0x2] =	stream.indirect_vreg.gather [hbm4b:s3+s2], $0x80, v3, vm0, $0xb8;
	[tilespmem:$0x1B200] =	vst v63  }
0xa7: {  	s31 =	simm.s32 $0x17200  }
0xa8: {  	[tilespmem:s31], [sflag:$0x2] =	stream.indirect_vreg.gather [hbm4b:s5+s2], $0x80, v3, vm0, $0xb8;
	[tilespmem:$0x1B200] =	vst v63  }
0xa9: {  	s13 =	simm.s32 $0x17A00  }
0xaa: {  	[tilespmem:s13], [sflag:$0x2] =	stream.indirect_vreg.gather [hbm4b:s6+s2], $0x80, v3, vm0, $0xb8;
	[tilespmem:$0x1B200] =	vst v63  }
0xab: {  	s16 =	simm.s32 $0x18200  }
0xac: {  	[tilespmem:s16], [sflag:$0x2] =	stream.indirect_vreg.gather [hbm4b:s7+s2], $0x80, v3, vm0, $0xb8;
	[tilespmem:$0x1B200] =	vst v63  }
0xad: {  	s17 =	simm.s32 $0x18A00  }
0xae: {  	[tilespmem:s17], [sflag:$0x2] =	stream.indirect_vreg.gather [hbm4b:s8+s2], $0x80, v3, vm0, $0xb8;
	[tilespmem:$0x1B200] =	vst v63  }
0xaf: {  	s18 =	simm.s32 $0x19200  }
0xb0: {  	[tilespmem:s18], [sflag:$0x2] =	stream.indirect_vreg.gather [hbm4b:s9+s2], $0x80, v3, vm0, $0xb8;
	[tilespmem:$0x1B200] =	vst v63  }
0xb1: {  	s19 =	simm.s32 $0x19A00  }
0xb2: {  	[tilespmem:s19], [sflag:$0x2] =	stream.indirect_vreg.gather [hbm4b:s10+s2], $0x80, v3, vm0, $0xb8;
	[tilespmem:$0x1B200] =	vst v63  }
0xb3: {  	s20 =	simm.s32 $0x1A200  }
0xb4: {  	[tilespmem:s20], [sflag:$0x2] =	stream.indirect_vreg.gather [hbm4b:s11+s2], $0x80, v3, vm0, $0xb8;
	[tilespmem:$0x1B200] =	vst v63  }
0xb5: {  	s21 =	simm.s32 $0x1AA00  }
0xb6: {  	[tilespmem:s21], [sflag:$0x2] =	stream.indirect_vreg.gather [hbm4b:s12+s2], $0x80, v3, vm0, $0xb8;
	[tilespmem:$0x1B200] =	vst v63  }
0xb7: {  	_ =	swait.ge [sflag:s25], $0xD800  }
0xb8: {  	[sflag:s25] =	ssyncset.done $0x0  }
0xb9: {  	s1 =	simm.s32 $0xDA00;
	s22 =	rddreg [dreg:$0x3];
	[sflag:s25] =	ssyncadd.s32 $0xFFFF2800  }
0xba: {  	[hbm4b:s22+s2] =	stream.linear.scatter [tilespmem:s1], [sflag:$0x4], $0xD800, $0x38;
	[tilespmem:$0x1B200] =	vst v63  }
0xbb: {  	_ =	swait.ge [sflag:s26], $0xD800  }
0xbc: {  	[sflag:s26] =	ssyncset.done $0x0  }
0xbd: {  	[sflag:s26] =	ssyncadd.s32 $0xFFFF2800  }
0xbe: {  	v3 =	vld [tilespmem:$0x30];
	_ =	sdelay $0x4  }
0xbf: {  	v34 =	vshrl.u32 v3, $0x3  }
0xc0: {  	v4 =	vmul.u32 $0x90, v34  }
0xc1: {  	v3 =	vand.u32 $0x7, v3  }
0xc2: {  	v3 =	vor.u32 v3, v4  }
0xc3: {  	v4 =	vperm.xlane v3, v0;
	_ =	sdelay $0x1  }
0xc4: {  	v4 =	vadd.s32 v1, v4;
	_ =	sdelay $0x3  }
0xc5: {  	s0 =	simm.s32 $0x200  }
0xc6: {  	[tilespmem:s0], [sflag:$0x1] =	stream.indirect_vreg.gather [hbm4b:s3+s2], $0x80, v4, vm0, $0xb8;
	[tilespmem:$0x1B200] =	vst v63  }
0xc7: {  	s24 =	simm.s32 $0xA00  }
0xc8: {  	[tilespmem:s24], [sflag:$0x1] =	stream.indirect_vreg.gather [hbm4b:s5+s2], $0x80, v4, vm0, $0xb8;
	[tilespmem:$0x1B200] =	vst v63  }
0xc9: {  	s1 =	simm.s32 $0x1200  }
0xca: {  	[tilespmem:s1], [sflag:$0x1] =	stream.indirect_vreg.gather [hbm4b:s6+s2], $0x80, v4, vm0, $0xb8;
	[tilespmem:$0x1B200] =	vst v63  }
0xcb: {  	s4 =	simm.s32 $0x1A00  }
0xcc: {  	[tilespmem:s4], [sflag:$0x1] =	stream.indirect_vreg.gather [hbm4b:s7+s2], $0x80, v4, vm0, $0xb8;
	[tilespmem:$0x1B200] =	vst v63  }
0xcd: {  	s13 =	simm.s32 $0x2200  }
0xce: {  	[tilespmem:s13], [sflag:$0x1] =	stream.indirect_vreg.gather [hbm4b:s8+s2], $0x80, v4, vm0, $0xb8;
	[tilespmem:$0x1B200] =	vst v63  }
0xcf: {  	s14 =	simm.s32 $0x2A00  }
0xd0: {  	[tilespmem:s14], [sflag:$0x1] =	stream.indirect_vreg.gather [hbm4b:s9+s2], $0x80, v4, vm0, $0xb8;
	[tilespmem:$0x1B200] =	vst v63  }
0xd1: {  	s15 =	simm.s32 $0x3200;
	v3 =	vperm.xlane v3, v2  }
0xd2: {  	[tilespmem:s15], [sflag:$0x1] =	stream.indirect_vreg.gather [hbm4b:s10+s2], $0x80, v4, vm0, $0xb8;
	[tilespmem:$0x1B200] =	vst v63  }
0xd3: {  	v3 =	vadd.s32 v1, v3;
	s14 =	simm.s32 $0x3A00  }
0xd4: {  	[tilespmem:s14], [sflag:$0x1] =	stream.indirect_vreg.gather [hbm4b:s11+s2], $0x80, v4, vm0, $0xb8;
	[tilespmem:$0x1B200] =	vst v63  }
0xd5: {  	s16 =	simm.s32 $0x4200  }
0xd6: {  	[tilespmem:s16], [sflag:$0x1] =	stream.indirect_vreg.gather [hbm4b:s12+s2], $0x80, v4, vm0, $0xb8;
	[tilespmem:$0x1B200] =	vst v63  }
0xd7: {  	s17 =	simm.s32 $0x4A00  }
0xd8: {  	[tilespmem:s17], [sflag:$0x1] =	stream.indirect_vreg.gather [hbm4b:s3+s2], $0x80, v3, vm0, $0xb8;
	[tilespmem:$0x1B200] =	vst v63  }
0xd9: {  	s18 =	simm.s32 $0x5200  }
0xda: {  	[tilespmem:s18], [sflag:$0x1] =	stream.indirect_vreg.gather [hbm4b:s5+s2], $0x80, v3, vm0, $0xb8;
	[tilespmem:$0x1B200] =	vst v63  }
0xdb: {  	s19 =	simm.s32 $0x5A00  }
0xdc: {  	[tilespmem:s19], [sflag:$0x1] =	stream.indirect_vreg.gather [hbm4b:s6+s2], $0x80, v3, vm0, $0xb8;
	[tilespmem:$0x1B200] =	vst v63  }
0xdd: {  	s20 =	simm.s32 $0x6200  }
0xde: {  	[tilespmem:s20], [sflag:$0x1] =	stream.indirect_vreg.gather [hbm4b:s7+s2], $0x80, v3, vm0, $0xb8;
	[tilespmem:$0x1B200] =	vst v63  }
0xdf: {  	s21 =	simm.s32 $0x6A00  }
0xe0: {  	[tilespmem:s21], [sflag:$0x1] =	stream.indirect_vreg.gather [hbm4b:s8+s2], $0x80, v3, vm0, $0xb8;
	[tilespmem:$0x1B200] =	vst v63  }
0xe1: {  	s22 =	simm.s32 $0x7200  }
0xe2: {  	[tilespmem:s22], [sflag:$0x1] =	stream.indirect_vreg.gather [hbm4b:s9+s2], $0x80, v3, vm0, $0xb8;
	[tilespmem:$0x1B200] =	vst v63  }
0xe3: {  	s24 =	simm.s32 $0x7A00  }
0xe4: {  	[tilespmem:s24], [sflag:$0x1] =	stream.indirect_vreg.gather [hbm4b:s10+s2], $0x80, v3, vm0, $0xb8;
	[tilespmem:$0x1B200] =	vst v63  }
0xe5: {  	s15 =	simm.s32 $0x8200  }
0xe6: {  	[tilespmem:s15], [sflag:$0x1] =	stream.indirect_vreg.gather [hbm4b:s11+s2], $0x80, v3, vm0, $0xb8;
	[tilespmem:$0x1B200] =	vst v63  }
0xe7: {  	s30 =	simm.s32 $0x8A00  }
0xe8: {  	[tilespmem:s30], [sflag:$0x1] =	stream.indirect_vreg.gather [hbm4b:s12+s2], $0x80, v3, vm0, $0xb8;
	[tilespmem:$0x1B200] =	vst v63  }
0xe9: {  	v3 =	vld.msk [tilespmem:$0x40], $0xff;
	_ =	sdelay $0x4  }
0xea: {  	v35 =	vshrl.u32 v3, $0x3  }
0xeb: {  	v4 =	vmul.u32 $0x90, v35  }
0xec: {  	v3 =	vand.u32 $0x7, v3  }
0xed: {  	v3 =	vor.u32 v3, v4  }
0xee: {  	v3 =	vperm.xlane v3, v0;
	_ =	sdelay $0x1  }
0xef: {  	v3 =	vadd.s32 v1, v3;
	_ =	sdelay $0x3  }
0xf0: {  	s30 =	simm.s32 $0x9200  }
0xf1: {  	[tilespmem:s30], [sflag:$0x1] =	stream.indirect_vreg.gather [hbm4b:s3+s2], $0x80, v3, vm0, $0xb8;
	[tilespmem:$0x1B200] =	vst v63  }
0xf2: {  	s31 =	simm.s32 $0x9A00  }
0xf3: {  	[tilespmem:s31], [sflag:$0x1] =	stream.indirect_vreg.gather [hbm4b:s5+s2], $0x80, v3, vm0, $0xb8;
	[tilespmem:$0x1B200] =	vst v63  }
0xf4: {  	s29 =	simm.s32 $0xA200  }
0xf5: {  	[tilespmem:s29], [sflag:$0x1] =	stream.indirect_vreg.gather [hbm4b:s6+s2], $0x80, v3, vm0, $0xb8;
	[tilespmem:$0x1B200] =	vst v63  }
0xf6: {  	s29 =	simm.s32 $0xAA00  }
0xf7: {  	[tilespmem:s29], [sflag:$0x1] =	stream.indirect_vreg.gather [hbm4b:s7+s2], $0x80, v3, vm0, $0xb8;
	[tilespmem:$0x1B200] =	vst v63  }
0xf8: {  	s29 =	simm.s32 $0xB200  }
0xf9: {  	[tilespmem:s29], [sflag:$0x1] =	stream.indirect_vreg.gather [hbm4b:s8+s2], $0x80, v3, vm0, $0xb8;
	[tilespmem:$0x1B200] =	vst v63  }
0xfa: {  	s29 =	simm.s32 $0xBA00  }
0xfb: {  	[tilespmem:s29], [sflag:$0x1] =	stream.indirect_vreg.gather [hbm4b:s9+s2], $0x80, v3, vm0, $0xb8;
	[tilespmem:$0x1B200] =	vst v63  }
0xfc: {  	s29 =	simm.s32 $0xC200  }
0xfd: {  	[tilespmem:s29], [sflag:$0x1] =	stream.indirect_vreg.gather [hbm4b:s10+s2], $0x80, v3, vm0, $0xb8;
	[tilespmem:$0x1B200] =	vst v63  }
0xfe: {  	s29 =	simm.s32 $0xCA00  }
0xff: {  	[tilespmem:s29], [sflag:$0x1] =	stream.indirect_vreg.gather [hbm4b:s11+s2], $0x80, v3, vm0, $0xb8;
	[tilespmem:$0x1B200] =	vst v63  }
0x100: {  	s29 =	simm.s32 $0xD200  }
0x101: {  	[tilespmem:s29], [sflag:$0x1] =	stream.indirect_vreg.gather [hbm4b:s12+s2], $0x80, v3, vm0, $0xb8;
	[tilespmem:$0x1B200] =	vst v63  }
0x102: {  	_ =	swait.ge [sflag:s23], $0xD800  }
0x103: {  	[sflag:s23] =	ssyncset.done $0x0  }
0x104: {  	s0 =	simm.s32 $0x200;
	s29 =	rddreg [dreg:$0x4];
	[sflag:s23] =	ssyncadd.s32 $0xFFFF2800  }
0x105: {  	[hbm4b:s29+s2] =	stream.linear.scatter [tilespmem:s0], [sflag:$0x3], $0xD800, $0x38;
	[tilespmem:$0x1B200] =	vst v63  }
0x106: {  	_ =	swait.ge [sflag:s28], $0xD800  }
0x107: {  	[sflag:s28] =	ssyncset.done $0x0  }
0x108: {  	[sflag:s28] =	ssyncadd.s32 $0xFFFF2800  }
0x109: {  	v3 =	vld [tilespmem:$0x48];
	_ =	sdelay $0x4  }
0x10a: {  	v36 =	vshrl.u32 v3, $0x3  }
0x10b: {  	v4 =	vmul.u32 $0x90, v36  }
0x10c: {  	v3 =	vand.u32 $0x7, v3  }
0x10d: {  	v3 =	vor.u32 v3, v4  }
0x10e: {  	v4 =	vperm.xlane v3, v0;
	_ =	sdelay $0x1  }
0x10f: {  	v4 =	vadd.s32 v1, v4;
	_ =	sdelay $0x3  }
0x110: {  	s29 =	simm.s32 $0xDA00  }
0x111: {  	[tilespmem:s29], [sflag:$0x2] =	stream.indirect_vreg.gather [hbm4b:s3+s2], $0x80, v4, vm0, $0xb8;
	[tilespmem:$0x1B200] =	vst v63  }
0x112: {  	s29 =	simm.s32 $0xE200  }
0x113: {  	[tilespmem:s29], [sflag:$0x2] =	stream.indirect_vreg.gather [hbm4b:s5+s2], $0x80, v4, vm0, $0xb8;
	[tilespmem:$0x1B200] =	vst v63  }
0x114: {  	s29 =	simm.s32 $0xEA00  }
0x115: {  	[tilespmem:s29], [sflag:$0x2] =	stream.indirect_vreg.gather [hbm4b:s6+s2], $0x80, v4, vm0, $0xb8;
	[tilespmem:$0x1B200] =	vst v63  }
0x116: {  	s29 =	simm.s32 $0xF200  }
0x117: {  	[tilespmem:s29], [sflag:$0x2] =	stream.indirect_vreg.gather [hbm4b:s7+s2], $0x80, v4, vm0, $0xb8;
	[tilespmem:$0x1B200] =	vst v63  }
0x118: {  	s29 =	simm.s32 $0xFA00  }
0x119: {  	[tilespmem:s29], [sflag:$0x2] =	stream.indirect_vreg.gather [hbm4b:s8+s2], $0x80, v4, vm0, $0xb8;
	[tilespmem:$0x1B200] =	vst v63  }
0x11a: {  	s29 =	simm.s32 $0x10200  }
0x11b: {  	[tilespmem:s29], [sflag:$0x2] =	stream.indirect_vreg.gather [hbm4b:s9+s2], $0x80, v4, vm0, $0xb8;
	[tilespmem:$0x1B200] =	vst v63  }
0x11c: {  	v3 =	vperm.xlane v3, v2;
	s29 =	simm.s32 $0x10A00  }
0x11d: {  	[tilespmem:s29], [sflag:$0x2] =	stream.indirect_vreg.gather [hbm4b:s10+s2], $0x80, v4, vm0, $0xb8;
	[tilespmem:$0x1B200] =	vst v63  }
0x11e: {  	v3 =	vadd.s32 v1, v3;
	s29 =	simm.s32 $0x11200  }
0x11f: {  	[tilespmem:s29], [sflag:$0x2] =	stream.indirect_vreg.gather [hbm4b:s11+s2], $0x80, v4, vm0, $0xb8;
	[tilespmem:$0x1B200] =	vst v63  }
0x120: {  	s29 =	simm.s32 $0x11A00  }
0x121: {  	[tilespmem:s29], [sflag:$0x2] =	stream.indirect_vreg.gather [hbm4b:s12+s2], $0x80, v4, vm0, $0xb8;
	[tilespmem:$0x1B200] =	vst v63  }
0x122: {  	s29 =	simm.s32 $0x12200  }
0x123: {  	[tilespmem:s29], [sflag:$0x2] =	stream.indirect_vreg.gather [hbm4b:s3+s2], $0x80, v3, vm0, $0xb8;
	[tilespmem:$0x1B200] =	vst v63  }
0x124: {  	s29 =	simm.s32 $0x12A00  }
0x125: {  	[tilespmem:s29], [sflag:$0x2] =	stream.indirect_vreg.gather [hbm4b:s5+s2], $0x80, v3, vm0, $0xb8;
	[tilespmem:$0x1B200] =	vst v63  }
0x126: {  	s29 =	simm.s32 $0x13200  }
0x127: {  	[tilespmem:s29], [sflag:$0x2] =	stream.indirect_vreg.gather [hbm4b:s6+s2], $0x80, v3, vm0, $0xb8;
	[tilespmem:$0x1B200] =	vst v63  }
0x128: {  	s29 =	simm.s32 $0x13A00  }
0x129: {  	[tilespmem:s29], [sflag:$0x2] =	stream.indirect_vreg.gather [hbm4b:s7+s2], $0x80, v3, vm0, $0xb8;
	[tilespmem:$0x1B200] =	vst v63  }
0x12a: {  	s29 =	simm.s32 $0x14200  }
0x12b: {  	[tilespmem:s29], [sflag:$0x2] =	stream.indirect_vreg.gather [hbm4b:s8+s2], $0x80, v3, vm0, $0xb8;
	[tilespmem:$0x1B200] =	vst v63  }
0x12c: {  	s29 =	simm.s32 $0x14A00  }
0x12d: {  	[tilespmem:s29], [sflag:$0x2] =	stream.indirect_vreg.gather [hbm4b:s9+s2], $0x80, v3, vm0, $0xb8;
	[tilespmem:$0x1B200] =	vst v63  }
0x12e: {  	s29 =	simm.s32 $0x15200  }
0x12f: {  	[tilespmem:s29], [sflag:$0x2] =	stream.indirect_vreg.gather [hbm4b:s10+s2], $0x80, v3, vm0, $0xb8;
	[tilespmem:$0x1B200] =	vst v63  }
0x130: {  	s29 =	simm.s32 $0x15A00  }
0x131: {  	[tilespmem:s29], [sflag:$0x2] =	stream.indirect_vreg.gather [hbm4b:s11+s2], $0x80, v3, vm0, $0xb8;
	[tilespmem:$0x1B200] =	vst v63  }
0x132: {  	s29 =	simm.s32 $0x16200  }
0x133: {  	[tilespmem:s29], [sflag:$0x2] =	stream.indirect_vreg.gather [hbm4b:s12+s2], $0x80, v3, vm0, $0xb8;
	[tilespmem:$0x1B200] =	vst v63  }
0x134: {  	v3 =	vld.msk [tilespmem:$0x58], $0xff;
	_ =	sdelay $0x4  }
0x135: {  	v37 =	vshrl.u32 v3, $0x3  }
0x136: {  	v4 =	vmul.u32 $0x90, v37  }
0x137: {  	v3 =	vand.u32 $0x7, v3  }
0x138: {  	v3 =	vor.u32 v3, v4  }
0x139: {  	v3 =	vperm.xlane v3, v0;
	_ =	sdelay $0x1  }
0x13a: {  	v3 =	vadd.s32 v1, v3;
	_ =	sdelay $0x3  }
0x13b: {  	s29 =	simm.s32 $0x16A00  }
0x13c: {  	[tilespmem:s29], [sflag:$0x2] =	stream.indirect_vreg.gather [hbm4b:s3+s2], $0x80, v3, vm0, $0xb8;
	[tilespmem:$0x1B200] =	vst v63  }
0x13d: {  	s29 =	simm.s32 $0x17200  }
0x13e: {  	[tilespmem:s29], [sflag:$0x2] =	stream.indirect_vreg.gather [hbm4b:s5+s2], $0x80, v3, vm0, $0xb8;
	[tilespmem:$0x1B200] =	vst v63  }
0x13f: {  	s29 =	simm.s32 $0x17A00  }
0x140: {  	[tilespmem:s29], [sflag:$0x2] =	stream.indirect_vreg.gather [hbm4b:s6+s2], $0x80, v3, vm0, $0xb8;
	[tilespmem:$0x1B200] =	vst v63  }
0x141: {  	s29 =	simm.s32 $0x18200  }
0x142: {  	[tilespmem:s29], [sflag:$0x2] =	stream.indirect_vreg.gather [hbm4b:s7+s2], $0x80, v3, vm0, $0xb8;
	[tilespmem:$0x1B200] =	vst v63  }
0x143: {  	s29 =	simm.s32 $0x18A00  }
0x144: {  	[tilespmem:s29], [sflag:$0x2] =	stream.indirect_vreg.gather [hbm4b:s8+s2], $0x80, v3, vm0, $0xb8;
	[tilespmem:$0x1B200] =	vst v63  }
0x145: {  	s29 =	simm.s32 $0x19200  }
0x146: {  	[tilespmem:s29], [sflag:$0x2] =	stream.indirect_vreg.gather [hbm4b:s9+s2], $0x80, v3, vm0, $0xb8;
	[tilespmem:$0x1B200] =	vst v63  }
0x147: {  	s29 =	simm.s32 $0x19A00  }
0x148: {  	[tilespmem:s29], [sflag:$0x2] =	stream.indirect_vreg.gather [hbm4b:s10+s2], $0x80, v3, vm0, $0xb8;
	[tilespmem:$0x1B200] =	vst v63  }
0x149: {  	s29 =	simm.s32 $0x1A200  }
0x14a: {  	[tilespmem:s29], [sflag:$0x2] =	stream.indirect_vreg.gather [hbm4b:s11+s2], $0x80, v3, vm0, $0xb8;
	[tilespmem:$0x1B200] =	vst v63  }
0x14b: {  	s29 =	simm.s32 $0x1AA00  }
0x14c: {  	[tilespmem:s29], [sflag:$0x2] =	stream.indirect_vreg.gather [hbm4b:s12+s2], $0x80, v3, vm0, $0xb8;
	[tilespmem:$0x1B200] =	vst v63  }
0x14d: {  	_ =	swait.ge [sflag:s25], $0xD800  }
0x14e: {  	[sflag:s25] =	ssyncset.done $0x0  }
0x14f: {  	s0 =	simm.s32 $0xDA00;
	s29 =	rddreg [dreg:$0x5];
	[sflag:s25] =	ssyncadd.s32 $0xFFFF2800  }
0x150: {  	[hbm4b:s29+s2] =	stream.linear.scatter [tilespmem:s0], [sflag:$0x4], $0xD800, $0x38;
	[tilespmem:$0x1B200] =	vst v63  }
0x151: {  	_ =	swait.ge [sflag:s26], $0xD800  }
0x152: {  	[sflag:s26] =	ssyncset.done $0x0  }
0x153: {  	[sflag:s26] =	ssyncadd.s32 $0xFFFF2800  }
0x154: {  	v3 =	vld [tilespmem:$0x60];
	_ =	sdelay $0x4  }
0x155: {  	v38 =	vshrl.u32 v3, $0x3  }
0x156: {  	v4 =	vmul.u32 $0x90, v38  }
0x157: {  	v3 =	vand.u32 $0x7, v3  }
0x158: {  	v3 =	vor.u32 v3, v4  }
0x159: {  	v4 =	vperm.xlane v3, v0;
	_ =	sdelay $0x1  }
0x15a: {  	v4 =	vadd.s32 v1, v4;
	_ =	sdelay $0x3  }
0x15b: {  	s29 =	simm.s32 $0x200  }
0x15c: {  	[tilespmem:s29], [sflag:$0x1] =	stream.indirect_vreg.gather [hbm4b:s3+s2], $0x80, v4, vm0, $0xb8;
	[tilespmem:$0x1B200] =	vst v63  }
0x15d: {  	s29 =	simm.s32 $0xA00  }
0x15e: {  	[tilespmem:s29], [sflag:$0x1] =	stream.indirect_vreg.gather [hbm4b:s5+s2], $0x80, v4, vm0, $0xb8;
	[tilespmem:$0x1B200] =	vst v63  }
0x15f: {  	_ = 	snop  }
0x160: {  	[tilespmem:s1], [sflag:$0x1] =	stream.indirect_vreg.gather [hbm4b:s6+s2], $0x80, v4, vm0, $0xb8;
	[tilespmem:$0x1B200] =	vst v63  }
0x161: {  	_ = 	snop  }
0x162: {  	[tilespmem:s4], [sflag:$0x1] =	stream.indirect_vreg.gather [hbm4b:s7+s2], $0x80, v4, vm0, $0xb8;
	[tilespmem:$0x1B200] =	vst v63  }
0x163: {  	_ = 	snop  }
0x164: {  	[tilespmem:s13], [sflag:$0x1] =	stream.indirect_vreg.gather [hbm4b:s8+s2], $0x80, v4, vm0, $0xb8;
	[tilespmem:$0x1B200] =	vst v63  }
0x165: {  	s29 =	simm.s32 $0x2A00  }
0x166: {  	[tilespmem:s29], [sflag:$0x1] =	stream.indirect_vreg.gather [hbm4b:s9+s2], $0x80, v4, vm0, $0xb8;
	[tilespmem:$0x1B200] =	vst v63  }
0x167: {  	v3 =	vperm.xlane v3, v2;
	s29 =	simm.s32 $0x3200  }
0x168: {  	[tilespmem:s29], [sflag:$0x1] =	stream.indirect_vreg.gather [hbm4b:s10+s2], $0x80, v4, vm0, $0xb8;
	[tilespmem:$0x1B200] =	vst v63  }
0x169: {  	v3 =	vadd.s32 v1, v3  }
0x16a: {  	[tilespmem:s14], [sflag:$0x1] =	stream.indirect_vreg.gather [hbm4b:s11+s2], $0x80, v4, vm0, $0xb8;
	[tilespmem:$0x1B200] =	vst v63  }
0x16b: {  	_ = 	snop  }
0x16c: {  	[tilespmem:s16], [sflag:$0x1] =	stream.indirect_vreg.gather [hbm4b:s12+s2], $0x80, v4, vm0, $0xb8;
	[tilespmem:$0x1B200] =	vst v63  }
0x16d: {  	_ = 	snop  }
0x16e: {  	[tilespmem:s17], [sflag:$0x1] =	stream.indirect_vreg.gather [hbm4b:s3+s2], $0x80, v3, vm0, $0xb8;
	[tilespmem:$0x1B200] =	vst v63  }
0x16f: {  	_ = 	snop  }
0x170: {  	[tilespmem:s18], [sflag:$0x1] =	stream.indirect_vreg.gather [hbm4b:s5+s2], $0x80, v3, vm0, $0xb8;
	[tilespmem:$0x1B200] =	vst v63  }
0x171: {  	_ = 	snop  }
0x172: {  	[tilespmem:s19], [sflag:$0x1] =	stream.indirect_vreg.gather [hbm4b:s6+s2], $0x80, v3, vm0, $0xb8;
	[tilespmem:$0x1B200] =	vst v63  }
0x173: {  	_ = 	snop  }
0x174: {  	[tilespmem:s20], [sflag:$0x1] =	stream.indirect_vreg.gather [hbm4b:s7+s2], $0x80, v3, vm0, $0xb8;
	[tilespmem:$0x1B200] =	vst v63  }
0x175: {  	_ = 	snop  }
0x176: {  	[tilespmem:s21], [sflag:$0x1] =	stream.indirect_vreg.gather [hbm4b:s8+s2], $0x80, v3, vm0, $0xb8;
	[tilespmem:$0x1B200] =	vst v63  }
0x177: {  	_ = 	snop  }
0x178: {  	[tilespmem:s22], [sflag:$0x1] =	stream.indirect_vreg.gather [hbm4b:s9+s2], $0x80, v3, vm0, $0xb8;
	[tilespmem:$0x1B200] =	vst v63  }
0x179: {  	_ = 	snop  }
0x17a: {  	[tilespmem:s24], [sflag:$0x1] =	stream.indirect_vreg.gather [hbm4b:s10+s2], $0x80, v3, vm0, $0xb8;
	[tilespmem:$0x1B200] =	vst v63  }
0x17b: {  	_ = 	snop  }
0x17c: {  	[tilespmem:s15], [sflag:$0x1] =	stream.indirect_vreg.gather [hbm4b:s11+s2], $0x80, v3, vm0, $0xb8;
	[tilespmem:$0x1B200] =	vst v63  }
0x17d: {  	s29 =	simm.s32 $0x8A00  }
0x17e: {  	[tilespmem:s29], [sflag:$0x1] =	stream.indirect_vreg.gather [hbm4b:s12+s2], $0x80, v3, vm0, $0xb8;
	[tilespmem:$0x1B200] =	vst v63  }
0x17f: {  	v3 =	vld.msk [tilespmem:$0x70], $0xff;
	_ =	sdelay $0x4  }
0x180: {  	v39 =	vshrl.u32 v3, $0x3  }
0x181: {  	v4 =	vmul.u32 $0x90, v39  }
0x182: {  	v3 =	vand.u32 $0x7, v3  }
0x183: {  	v3 =	vor.u32 v3, v4  }
0x184: {  	v3 =	vperm.xlane v3, v0;
	_ =	sdelay $0x1  }
0x185: {  	v3 =	vadd.s32 v1, v3;
	_ =	sdelay $0x4  }
0x186: {  	[tilespmem:s30], [sflag:$0x1] =	stream.indirect_vreg.gather [hbm4b:s3+s2], $0x80, v3, vm0, $0xb8;
	[tilespmem:$0x1B200] =	vst v63  }
0x187: {  	_ = 	snop  }
0x188: {  	[tilespmem:s31], [sflag:$0x1] =	stream.indirect_vreg.gather [hbm4b:s5+s2], $0x80, v3, vm0, $0xb8;
	[tilespmem:$0x1B200] =	vst v63  }
0x189: {  	s29 =	simm.s32 $0xA200  }
0x18a: {  	[tilespmem:s29], [sflag:$0x1] =	stream.indirect_vreg.gather [hbm4b:s6+s2], $0x80, v3, vm0, $0xb8;
	[tilespmem:$0x1B200] =	vst v63  }
0x18b: {  	s29 =	simm.s32 $0xAA00  }
0x18c: {  	[tilespmem:s29], [sflag:$0x1] =	stream.indirect_vreg.gather [hbm4b:s7+s2], $0x80, v3, vm0, $0xb8;
	[tilespmem:$0x1B200] =	vst v63  }
0x18d: {  	s29 =	simm.s32 $0xB200  }
0x18e: {  	[tilespmem:s29], [sflag:$0x1] =	stream.indirect_vreg.gather [hbm4b:s8+s2], $0x80, v3, vm0, $0xb8;
	[tilespmem:$0x1B200] =	vst v63  }
0x18f: {  	s29 =	simm.s32 $0xBA00  }
0x190: {  	[tilespmem:s29], [sflag:$0x1] =	stream.indirect_vreg.gather [hbm4b:s9+s2], $0x80, v3, vm0, $0xb8;
	[tilespmem:$0x1B200] =	vst v63  }
0x191: {  	s29 =	simm.s32 $0xC200  }
0x192: {  	[tilespmem:s29], [sflag:$0x1] =	stream.indirect_vreg.gather [hbm4b:s10+s2], $0x80, v3, vm0, $0xb8;
	[tilespmem:$0x1B200] =	vst v63  }
0x193: {  	s29 =	simm.s32 $0xCA00  }
0x194: {  	[tilespmem:s29], [sflag:$0x1] =	stream.indirect_vreg.gather [hbm4b:s11+s2], $0x80, v3, vm0, $0xb8;
	[tilespmem:$0x1B200] =	vst v63  }
0x195: {  	s29 =	simm.s32 $0xD200  }
0x196: {  	[tilespmem:s29], [sflag:$0x1] =	stream.indirect_vreg.gather [hbm4b:s12+s2], $0x80, v3, vm0, $0xb8;
	[tilespmem:$0x1B200] =	vst v63  }
0x197: {  	_ =	swait.ge [sflag:s23], $0xD800  }
0x198: {  	[sflag:s23] =	ssyncset.done $0x0  }
0x199: {  	s0 =	simm.s32 $0x200;
	s4 =	rddreg [dreg:$0x6];
	[sflag:s23] =	ssyncadd.s32 $0xFFFF2800  }
0x19a: {  	[hbm4b:s4+s2] =	stream.linear.scatter [tilespmem:s0], [sflag:$0x3], $0xD800, $0x38;
	[tilespmem:$0x1B200] =	vst v63  }
0x19b: {  	_ =	swait.ge [sflag:s28], $0xD800  }
0x19c: {  	[sflag:s28] =	ssyncset.done $0x0  }
0x19d: {  	[sflag:s28] =	ssyncadd.s32 $0xFFFF2800  }
0x19e: {  	v3 =	vld [tilespmem:$0x78];
	_ =	sdelay $0x4  }
0x19f: {  	v40 =	vshrl.u32 v3, $0x3  }
0x1a0: {  	v4 =	vmul.u32 $0x90, v40  }
0x1a1: {  	v3 =	vand.u32 $0x7, v3  }
0x1a2: {  	v3 =	vor.u32 v3, v4  }
0x1a3: {  	v4 =	vperm.xlane v3, v0;
	_ =	sdelay $0x1  }
0x1a4: {  	v4 =	vadd.s32 v1, v4;
	_ =	sdelay $0x3  }
0x1a5: {  	s29 =	simm.s32 $0xDA00  }
0x1a6: {  	[tilespmem:s29], [sflag:$0x2] =	stream.indirect_vreg.gather [hbm4b:s3+s2], $0x80, v4, vm0, $0xb8;
	[tilespmem:$0x1B200] =	vst v63  }
0x1a7: {  	s29 =	simm.s32 $0xE200  }
0x1a8: {  	[tilespmem:s29], [sflag:$0x2] =	stream.indirect_vreg.gather [hbm4b:s5+s2], $0x80, v4, vm0, $0xb8;
	[tilespmem:$0x1B200] =	vst v63  }
0x1a9: {  	s29 =	simm.s32 $0xEA00  }
0x1aa: {  	[tilespmem:s29], [sflag:$0x2] =	stream.indirect_vreg.gather [hbm4b:s6+s2], $0x80, v4, vm0, $0xb8;
	[tilespmem:$0x1B200] =	vst v63  }
0x1ab: {  	s29 =	simm.s32 $0xF200  }
0x1ac: {  	[tilespmem:s29], [sflag:$0x2] =	stream.indirect_vreg.gather [hbm4b:s7+s2], $0x80, v4, vm0, $0xb8;
	[tilespmem:$0x1B200] =	vst v63  }
0x1ad: {  	s29 =	simm.s32 $0xFA00  }
0x1ae: {  	[tilespmem:s29], [sflag:$0x2] =	stream.indirect_vreg.gather [hbm4b:s8+s2], $0x80, v4, vm0, $0xb8;
	[tilespmem:$0x1B200] =	vst v63  }
0x1af: {  	s29 =	simm.s32 $0x10200  }
0x1b0: {  	[tilespmem:s29], [sflag:$0x2] =	stream.indirect_vreg.gather [hbm4b:s9+s2], $0x80, v4, vm0, $0xb8;
	[tilespmem:$0x1B200] =	vst v63  }
0x1b1: {  	v3 =	vperm.xlane v3, v2;
	s29 =	simm.s32 $0x10A00  }
0x1b2: {  	[tilespmem:s29], [sflag:$0x2] =	stream.indirect_vreg.gather [hbm4b:s10+s2], $0x80, v4, vm0, $0xb8;
	[tilespmem:$0x1B200] =	vst v63  }
0x1b3: {  	v3 =	vadd.s32 v1, v3;
	s29 =	simm.s32 $0x11200  }
0x1b4: {  	[tilespmem:s29], [sflag:$0x2] =	stream.indirect_vreg.gather [hbm4b:s11+s2], $0x80, v4, vm0, $0xb8;
	[tilespmem:$0x1B200] =	vst v63  }
0x1b5: {  	s29 =	simm.s32 $0x11A00  }
0x1b6: {  	[tilespmem:s29], [sflag:$0x2] =	stream.indirect_vreg.gather [hbm4b:s12+s2], $0x80, v4, vm0, $0xb8;
	[tilespmem:$0x1B200] =	vst v63  }
0x1b7: {  	s29 =	simm.s32 $0x12200  }
0x1b8: {  	[tilespmem:s29], [sflag:$0x2] =	stream.indirect_vreg.gather [hbm4b:s3+s2], $0x80, v3, vm0, $0xb8;
	[tilespmem:$0x1B200] =	vst v63  }
0x1b9: {  	s29 =	simm.s32 $0x12A00  }
0x1ba: {  	[tilespmem:s29], [sflag:$0x2] =	stream.indirect_vreg.gather [hbm4b:s5+s2], $0x80, v3, vm0, $0xb8;
	[tilespmem:$0x1B200] =	vst v63  }
0x1bb: {  	s29 =	simm.s32 $0x13200  }
0x1bc: {  	[tilespmem:s29], [sflag:$0x2] =	stream.indirect_vreg.gather [hbm4b:s6+s2], $0x80, v3, vm0, $0xb8;
	[tilespmem:$0x1B200] =	vst v63  }
0x1bd: {  	s29 =	simm.s32 $0x13A00  }
0x1be: {  	[tilespmem:s29], [sflag:$0x2] =	stream.indirect_vreg.gather [hbm4b:s7+s2], $0x80, v3, vm0, $0xb8;
	[tilespmem:$0x1B200] =	vst v63  }
0x1bf: {  	s29 =	simm.s32 $0x14200  }
0x1c0: {  	[tilespmem:s29], [sflag:$0x2] =	stream.indirect_vreg.gather [hbm4b:s8+s2], $0x80, v3, vm0, $0xb8;
	[tilespmem:$0x1B200] =	vst v63  }
0x1c1: {  	s29 =	simm.s32 $0x14A00  }
0x1c2: {  	[tilespmem:s29], [sflag:$0x2] =	stream.indirect_vreg.gather [hbm4b:s9+s2], $0x80, v3, vm0, $0xb8;
	[tilespmem:$0x1B200] =	vst v63  }
0x1c3: {  	s29 =	simm.s32 $0x15200  }
0x1c4: {  	[tilespmem:s29], [sflag:$0x2] =	stream.indirect_vreg.gather [hbm4b:s10+s2], $0x80, v3, vm0, $0xb8;
	[tilespmem:$0x1B200] =	vst v63  }
0x1c5: {  	s29 =	simm.s32 $0x15A00  }
0x1c6: {  	[tilespmem:s29], [sflag:$0x2] =	stream.indirect_vreg.gather [hbm4b:s11+s2], $0x80, v3, vm0, $0xb8;
	[tilespmem:$0x1B200] =	vst v63  }
0x1c7: {  	s29 =	simm.s32 $0x16200  }
0x1c8: {  	[tilespmem:s29], [sflag:$0x2] =	stream.indirect_vreg.gather [hbm4b:s12+s2], $0x80, v3, vm0, $0xb8;
	[tilespmem:$0x1B200] =	vst v63  }
0x1c9: {  	v3 =	vld.msk [tilespmem:$0x88], $0xff;
	_ =	sdelay $0x4  }
0x1ca: {  	v41 =	vshrl.u32 v3, $0x3  }
0x1cb: {  	v4 =	vmul.u32 $0x90, v41  }
0x1cc: {  	v3 =	vand.u32 $0x7, v3  }
0x1cd: {  	v3 =	vor.u32 v3, v4  }
0x1ce: {  	v3 =	vperm.xlane v3, v0;
	_ =	sdelay $0x1  }
0x1cf: {  	v3 =	vadd.s32 v1, v3;
	_ =	sdelay $0x3  }
0x1d0: {  	s29 =	simm.s32 $0x16A00  }
0x1d1: {  	[tilespmem:s29], [sflag:$0x2] =	stream.indirect_vreg.gather [hbm4b:s3+s2], $0x80, v3, vm0, $0xb8;
	[tilespmem:$0x1B200] =	vst v63  }
0x1d2: {  	s29 =	simm.s32 $0x17200  }
0x1d3: {  	[tilespmem:s29], [sflag:$0x2] =	stream.indirect_vreg.gather [hbm4b:s5+s2], $0x80, v3, vm0, $0xb8;
	[tilespmem:$0x1B200] =	vst v63  }
0x1d4: {  	s29 =	simm.s32 $0x17A00  }
0x1d5: {  	[tilespmem:s29], [sflag:$0x2] =	stream.indirect_vreg.gather [hbm4b:s6+s2], $0x80, v3, vm0, $0xb8;
	[tilespmem:$0x1B200] =	vst v63  }
0x1d6: {  	s29 =	simm.s32 $0x18200  }
0x1d7: {  	[tilespmem:s29], [sflag:$0x2] =	stream.indirect_vreg.gather [hbm4b:s7+s2], $0x80, v3, vm0, $0xb8;
	[tilespmem:$0x1B200] =	vst v63  }
0x1d8: {  	s29 =	simm.s32 $0x18A00  }
0x1d9: {  	[tilespmem:s29], [sflag:$0x2] =	stream.indirect_vreg.gather [hbm4b:s8+s2], $0x80, v3, vm0, $0xb8;
	[tilespmem:$0x1B200] =	vst v63  }
0x1da: {  	s29 =	simm.s32 $0x19200  }
0x1db: {  	[tilespmem:s29], [sflag:$0x2] =	stream.indirect_vreg.gather [hbm4b:s9+s2], $0x80, v3, vm0, $0xb8;
	[tilespmem:$0x1B200] =	vst v63  }
0x1dc: {  	s29 =	simm.s32 $0x19A00  }
0x1dd: {  	[tilespmem:s29], [sflag:$0x2] =	stream.indirect_vreg.gather [hbm4b:s10+s2], $0x80, v3, vm0, $0xb8;
	[tilespmem:$0x1B200] =	vst v63  }
0x1de: {  	s29 =	simm.s32 $0x1A200  }
0x1df: {  	[tilespmem:s29], [sflag:$0x2] =	stream.indirect_vreg.gather [hbm4b:s11+s2], $0x80, v3, vm0, $0xb8;
	[tilespmem:$0x1B200] =	vst v63  }
0x1e0: {  	s29 =	simm.s32 $0x1AA00  }
0x1e1: {  	[tilespmem:s29], [sflag:$0x2] =	stream.indirect_vreg.gather [hbm4b:s12+s2], $0x80, v3, vm0, $0xb8;
	[tilespmem:$0x1B200] =	vst v63  }
0x1e2: {  	_ =	swait.ge [sflag:s25], $0xD800  }
0x1e3: {  	[sflag:s25] =	ssyncset.done $0x0  }
0x1e4: {  	s0 =	simm.s32 $0xDA00;
	s29 =	rddreg [dreg:$0x7];
	[sflag:s25] =	ssyncadd.s32 $0xFFFF2800  }
0x1e5: {  	[hbm4b:s29+s2] =	stream.linear.scatter [tilespmem:s0], [sflag:$0x4], $0xD800, $0x38;
	[tilespmem:$0x1B200] =	vst v63  }
0x1e6: {  	_ =	swait.ge [sflag:s26], $0xD800  }
0x1e7: {  	[sflag:s26] =	ssyncset.done $0x0  }
0x1e8: {  	[sflag:s26] =	ssyncadd.s32 $0xFFFF2800  }
0x1e9: {  	v3 =	vld [tilespmem:$0x90];
	_ =	sdelay $0x4  }
0x1ea: {  	v42 =	vshrl.u32 v3, $0x3  }
0x1eb: {  	v4 =	vmul.u32 $0x90, v42  }
0x1ec: {  	v3 =	vand.u32 $0x7, v3  }
0x1ed: {  	v3 =	vor.u32 v3, v4  }
0x1ee: {  	v4 =	vperm.xlane v3, v0;
	_ =	sdelay $0x1  }
0x1ef: {  	v4 =	vadd.s32 v1, v4;
	_ =	sdelay $0x3  }
0x1f0: {  	s4 =	simm.s32 $0x200  }
0x1f1: {  	[tilespmem:s4], [sflag:$0x1] =	stream.indirect_vreg.gather [hbm4b:s3+s2], $0x80, v4, vm0, $0xb8;
	[tilespmem:$0x1B200] =	vst v63  }
0x1f2: {  	s29 =	simm.s32 $0xA00  }
0x1f3: {  	[tilespmem:s29], [sflag:$0x1] =	stream.indirect_vreg.gather [hbm4b:s5+s2], $0x80, v4, vm0, $0xb8;
	[tilespmem:$0x1B200] =	vst v63  }
0x1f4: {  	s1 =	simm.s32 $0x1200  }
0x1f5: {  	[tilespmem:s1], [sflag:$0x1] =	stream.indirect_vreg.gather [hbm4b:s6+s2], $0x80, v4, vm0, $0xb8;
	[tilespmem:$0x1B200] =	vst v63  }
0x1f6: {  	s29 =	simm.s32 $0x1A00  }
0x1f7: {  	[tilespmem:s29], [sflag:$0x1] =	stream.indirect_vreg.gather [hbm4b:s7+s2], $0x80, v4, vm0, $0xb8;
	[tilespmem:$0x1B200] =	vst v63  }
0x1f8: {  	s13 =	simm.s32 $0x2200  }
0x1f9: {  	[tilespmem:s13], [sflag:$0x1] =	stream.indirect_vreg.gather [hbm4b:s8+s2], $0x80, v4, vm0, $0xb8;
	[tilespmem:$0x1B200] =	vst v63  }
0x1fa: {  	s29 =	simm.s32 $0x2A00  }
0x1fb: {  	[tilespmem:s29], [sflag:$0x1] =	stream.indirect_vreg.gather [hbm4b:s9+s2], $0x80, v4, vm0, $0xb8;
	[tilespmem:$0x1B200] =	vst v63  }
0x1fc: {  	v3 =	vperm.xlane v3, v2;
	s29 =	simm.s32 $0x3200  }
0x1fd: {  	[tilespmem:s29], [sflag:$0x1] =	stream.indirect_vreg.gather [hbm4b:s10+s2], $0x80, v4, vm0, $0xb8;
	[tilespmem:$0x1B200] =	vst v63  }
0x1fe: {  	s14 =	simm.s32 $0x3A00;
	v3 =	vadd.s32 v1, v3  }
0x1ff: {  	[tilespmem:s14], [sflag:$0x1] =	stream.indirect_vreg.gather [hbm4b:s11+s2], $0x80, v4, vm0, $0xb8;
	[tilespmem:$0x1B200] =	vst v63  }
0x200: {  	s16 =	simm.s32 $0x4200  }
0x201: {  	[tilespmem:s16], [sflag:$0x1] =	stream.indirect_vreg.gather [hbm4b:s12+s2], $0x80, v4, vm0, $0xb8;
	[tilespmem:$0x1B200] =	vst v63  }
0x202: {  	s17 =	simm.s32 $0x4A00  }
0x203: {  	[tilespmem:s17], [sflag:$0x1] =	stream.indirect_vreg.gather [hbm4b:s3+s2], $0x80, v3, vm0, $0xb8;
	[tilespmem:$0x1B200] =	vst v63  }
0x204: {  	s18 =	simm.s32 $0x5200  }
0x205: {  	[tilespmem:s18], [sflag:$0x1] =	stream.indirect_vreg.gather [hbm4b:s5+s2], $0x80, v3, vm0, $0xb8;
	[tilespmem:$0x1B200] =	vst v63  }
0x206: {  	s19 =	simm.s32 $0x5A00  }
0x207: {  	[tilespmem:s19], [sflag:$0x1] =	stream.indirect_vreg.gather [hbm4b:s6+s2], $0x80, v3, vm0, $0xb8;
	[tilespmem:$0x1B200] =	vst v63  }
0x208: {  	s20 =	simm.s32 $0x6200  }
0x209: {  	[tilespmem:s20], [sflag:$0x1] =	stream.indirect_vreg.gather [hbm4b:s7+s2], $0x80, v3, vm0, $0xb8;
	[tilespmem:$0x1B200] =	vst v63  }
0x20a: {  	s21 =	simm.s32 $0x6A00  }
0x20b: {  	[tilespmem:s21], [sflag:$0x1] =	stream.indirect_vreg.gather [hbm4b:s8+s2], $0x80, v3, vm0, $0xb8;
	[tilespmem:$0x1B200] =	vst v63  }
0x20c: {  	s22 =	simm.s32 $0x7200  }
0x20d: {  	[tilespmem:s22], [sflag:$0x1] =	stream.indirect_vreg.gather [hbm4b:s9+s2], $0x80, v3, vm0, $0xb8;
	[tilespmem:$0x1B200] =	vst v63  }
0x20e: {  	s24 =	simm.s32 $0x7A00  }
0x20f: {  	[tilespmem:s24], [sflag:$0x1] =	stream.indirect_vreg.gather [hbm4b:s10+s2], $0x80, v3, vm0, $0xb8;
	[tilespmem:$0x1B200] =	vst v63  }
0x210: {  	s15 =	simm.s32 $0x8200  }
0x211: {  	[tilespmem:s15], [sflag:$0x1] =	stream.indirect_vreg.gather [hbm4b:s11+s2], $0x80, v3, vm0, $0xb8;
	[tilespmem:$0x1B200] =	vst v63  }
0x212: {  	s29 =	simm.s32 $0x8A00  }
0x213: {  	[tilespmem:s29], [sflag:$0x1] =	stream.indirect_vreg.gather [hbm4b:s12+s2], $0x80, v3, vm0, $0xb8;
	[tilespmem:$0x1B200] =	vst v63  }
0x214: {  	v3 =	vld.msk [tilespmem:$0xA0], $0xff;
	_ =	sdelay $0x4  }
0x215: {  	v43 =	vshrl.u32 v3, $0x3  }
0x216: {  	v4 =	vmul.u32 $0x90, v43  }
0x217: {  	v3 =	vand.u32 $0x7, v3  }
0x218: {  	v3 =	vor.u32 v3, v4  }
0x219: {  	v3 =	vperm.xlane v3, v0;
	_ =	sdelay $0x1  }
0x21a: {  	v3 =	vadd.s32 v1, v3;
	_ =	sdelay $0x3  }
0x21b: {  	s30 =	simm.s32 $0x9200  }
0x21c: {  	[tilespmem:s30], [sflag:$0x1] =	stream.indirect_vreg.gather [hbm4b:s3+s2], $0x80, v3, vm0, $0xb8;
	[tilespmem:$0x1B200] =	vst v63  }
0x21d: {  	s31 =	simm.s32 $0x9A00  }
0x21e: {  	[tilespmem:s31], [sflag:$0x1] =	stream.indirect_vreg.gather [hbm4b:s5+s2], $0x80, v3, vm0, $0xb8;
	[tilespmem:$0x1B200] =	vst v63  }
0x21f: {  	s29 =	simm.s32 $0xA200  }
0x220: {  	[tilespmem:s29], [sflag:$0x1] =	stream.indirect_vreg.gather [hbm4b:s6+s2], $0x80, v3, vm0, $0xb8;
	[tilespmem:$0x1B200] =	vst v63  }
0x221: {  	s29 =	simm.s32 $0xAA00  }
0x222: {  	[tilespmem:s29], [sflag:$0x1] =	stream.indirect_vreg.gather [hbm4b:s7+s2], $0x80, v3, vm0, $0xb8;
	[tilespmem:$0x1B200] =	vst v63  }
0x223: {  	s29 =	simm.s32 $0xB200  }
0x224: {  	[tilespmem:s29], [sflag:$0x1] =	stream.indirect_vreg.gather [hbm4b:s8+s2], $0x80, v3, vm0, $0xb8;
	[tilespmem:$0x1B200] =	vst v63  }
0x225: {  	s29 =	simm.s32 $0xBA00  }
0x226: {  	[tilespmem:s29], [sflag:$0x1] =	stream.indirect_vreg.gather [hbm4b:s9+s2], $0x80, v3, vm0, $0xb8;
	[tilespmem:$0x1B200] =	vst v63  }
0x227: {  	s29 =	simm.s32 $0xC200  }
0x228: {  	[tilespmem:s29], [sflag:$0x1] =	stream.indirect_vreg.gather [hbm4b:s10+s2], $0x80, v3, vm0, $0xb8;
	[tilespmem:$0x1B200] =	vst v63  }
0x229: {  	s29 =	simm.s32 $0xCA00  }
0x22a: {  	[tilespmem:s29], [sflag:$0x1] =	stream.indirect_vreg.gather [hbm4b:s11+s2], $0x80, v3, vm0, $0xb8;
	[tilespmem:$0x1B200] =	vst v63  }
0x22b: {  	s29 =	simm.s32 $0xD200  }
0x22c: {  	[tilespmem:s29], [sflag:$0x1] =	stream.indirect_vreg.gather [hbm4b:s12+s2], $0x80, v3, vm0, $0xb8;
	[tilespmem:$0x1B200] =	vst v63  }
0x22d: {  	_ =	swait.ge [sflag:s23], $0xD800  }
0x22e: {  	[sflag:s23] =	ssyncset.done $0x0  }
0x22f: {  	s29 =	rddreg [dreg:$0x8];
	[sflag:s23] =	ssyncadd.s32 $0xFFFF2800  }
0x230: {  	[hbm4b:s29+s2] =	stream.linear.scatter [tilespmem:s4], [sflag:$0x3], $0xD800, $0x38;
	[tilespmem:$0x1B200] =	vst v63  }
0x231: {  	_ =	swait.ge [sflag:s28], $0xD800  }
0x232: {  	[sflag:s28] =	ssyncset.done $0x0  }
0x233: {  	[sflag:s28] =	ssyncadd.s32 $0xFFFF2800  }
0x234: {  	v3 =	vld [tilespmem:$0xA8];
	_ =	sdelay $0x4  }
0x235: {  	v44 =	vshrl.u32 v3, $0x3  }
0x236: {  	v4 =	vmul.u32 $0x90, v44  }
0x237: {  	v3 =	vand.u32 $0x7, v3  }
0x238: {  	v3 =	vor.u32 v3, v4  }
0x239: {  	v4 =	vperm.xlane v3, v0;
	_ =	sdelay $0x1  }
0x23a: {  	v4 =	vadd.s32 v1, v4;
	_ =	sdelay $0x4  }
0x23b: {  	[tilespmem:s0], [sflag:$0x2] =	stream.indirect_vreg.gather [hbm4b:s3+s2], $0x80, v4, vm0, $0xb8;
	[tilespmem:$0x1B200] =	vst v63  }
0x23c: {  	s29 =	simm.s32 $0xE200  }
0x23d: {  	[tilespmem:s29], [sflag:$0x2] =	stream.indirect_vreg.gather [hbm4b:s5+s2], $0x80, v4, vm0, $0xb8;
	[tilespmem:$0x1B200] =	vst v63  }
0x23e: {  	s29 =	simm.s32 $0xEA00  }
0x23f: {  	[tilespmem:s29], [sflag:$0x2] =	stream.indirect_vreg.gather [hbm4b:s6+s2], $0x80, v4, vm0, $0xb8;
	[tilespmem:$0x1B200] =	vst v63  }
0x240: {  	s29 =	simm.s32 $0xF200  }
0x241: {  	[tilespmem:s29], [sflag:$0x2] =	stream.indirect_vreg.gather [hbm4b:s7+s2], $0x80, v4, vm0, $0xb8;
	[tilespmem:$0x1B200] =	vst v63  }
0x242: {  	s29 =	simm.s32 $0xFA00  }
0x243: {  	[tilespmem:s29], [sflag:$0x2] =	stream.indirect_vreg.gather [hbm4b:s8+s2], $0x80, v4, vm0, $0xb8;
	[tilespmem:$0x1B200] =	vst v63  }
0x244: {  	s29 =	simm.s32 $0x10200  }
0x245: {  	[tilespmem:s29], [sflag:$0x2] =	stream.indirect_vreg.gather [hbm4b:s9+s2], $0x80, v4, vm0, $0xb8;
	[tilespmem:$0x1B200] =	vst v63  }
0x246: {  	v3 =	vperm.xlane v3, v2;
	s29 =	simm.s32 $0x10A00  }
0x247: {  	[tilespmem:s29], [sflag:$0x2] =	stream.indirect_vreg.gather [hbm4b:s10+s2], $0x80, v4, vm0, $0xb8;
	[tilespmem:$0x1B200] =	vst v63  }
0x248: {  	v3 =	vadd.s32 v1, v3;
	s29 =	simm.s32 $0x11200  }
0x249: {  	[tilespmem:s29], [sflag:$0x2] =	stream.indirect_vreg.gather [hbm4b:s11+s2], $0x80, v4, vm0, $0xb8;
	[tilespmem:$0x1B200] =	vst v63  }
0x24a: {  	s29 =	simm.s32 $0x11A00  }
0x24b: {  	[tilespmem:s29], [sflag:$0x2] =	stream.indirect_vreg.gather [hbm4b:s12+s2], $0x80, v4, vm0, $0xb8;
	[tilespmem:$0x1B200] =	vst v63  }
0x24c: {  	s29 =	simm.s32 $0x12200  }
0x24d: {  	[tilespmem:s29], [sflag:$0x2] =	stream.indirect_vreg.gather [hbm4b:s3+s2], $0x80, v3, vm0, $0xb8;
	[tilespmem:$0x1B200] =	vst v63  }
0x24e: {  	s29 =	simm.s32 $0x12A00  }
0x24f: {  	[tilespmem:s29], [sflag:$0x2] =	stream.indirect_vreg.gather [hbm4b:s5+s2], $0x80, v3, vm0, $0xb8;
	[tilespmem:$0x1B200] =	vst v63  }
0x250: {  	s29 =	simm.s32 $0x13200  }
0x251: {  	[tilespmem:s29], [sflag:$0x2] =	stream.indirect_vreg.gather [hbm4b:s6+s2], $0x80, v3, vm0, $0xb8;
	[tilespmem:$0x1B200] =	vst v63  }
0x252: {  	s29 =	simm.s32 $0x13A00  }
0x253: {  	[tilespmem:s29], [sflag:$0x2] =	stream.indirect_vreg.gather [hbm4b:s7+s2], $0x80, v3, vm0, $0xb8;
	[tilespmem:$0x1B200] =	vst v63  }
0x254: {  	s29 =	simm.s32 $0x14200  }
0x255: {  	[tilespmem:s29], [sflag:$0x2] =	stream.indirect_vreg.gather [hbm4b:s8+s2], $0x80, v3, vm0, $0xb8;
	[tilespmem:$0x1B200] =	vst v63  }
0x256: {  	s29 =	simm.s32 $0x14A00  }
0x257: {  	[tilespmem:s29], [sflag:$0x2] =	stream.indirect_vreg.gather [hbm4b:s9+s2], $0x80, v3, vm0, $0xb8;
	[tilespmem:$0x1B200] =	vst v63  }
0x258: {  	s29 =	simm.s32 $0x15200  }
0x259: {  	[tilespmem:s29], [sflag:$0x2] =	stream.indirect_vreg.gather [hbm4b:s10+s2], $0x80, v3, vm0, $0xb8;
	[tilespmem:$0x1B200] =	vst v63  }
0x25a: {  	s29 =	simm.s32 $0x15A00  }
0x25b: {  	[tilespmem:s29], [sflag:$0x2] =	stream.indirect_vreg.gather [hbm4b:s11+s2], $0x80, v3, vm0, $0xb8;
	[tilespmem:$0x1B200] =	vst v63  }
0x25c: {  	s29 =	simm.s32 $0x16200  }
0x25d: {  	[tilespmem:s29], [sflag:$0x2] =	stream.indirect_vreg.gather [hbm4b:s12+s2], $0x80, v3, vm0, $0xb8;
	[tilespmem:$0x1B200] =	vst v63  }
0x25e: {  	v3 =	vld.msk [tilespmem:$0xB8], $0xff;
	_ =	sdelay $0x4  }
0x25f: {  	v45 =	vshrl.u32 v3, $0x3  }
0x260: {  	v4 =	vmul.u32 $0x90, v45  }
0x261: {  	v3 =	vand.u32 $0x7, v3  }
0x262: {  	v3 =	vor.u32 v3, v4  }
0x263: {  	v3 =	vperm.xlane v3, v0;
	_ =	sdelay $0x1  }
0x264: {  	v3 =	vadd.s32 v1, v3;
	_ =	sdelay $0x3  }
0x265: {  	s29 =	simm.s32 $0x16A00  }
0x266: {  	[tilespmem:s29], [sflag:$0x2] =	stream.indirect_vreg.gather [hbm4b:s3+s2], $0x80, v3, vm0, $0xb8;
	[tilespmem:$0x1B200] =	vst v63  }
0x267: {  	s29 =	simm.s32 $0x17200  }
0x268: {  	[tilespmem:s29], [sflag:$0x2] =	stream.indirect_vreg.gather [hbm4b:s5+s2], $0x80, v3, vm0, $0xb8;
	[tilespmem:$0x1B200] =	vst v63  }
0x269: {  	s29 =	simm.s32 $0x17A00  }
0x26a: {  	[tilespmem:s29], [sflag:$0x2] =	stream.indirect_vreg.gather [hbm4b:s6+s2], $0x80, v3, vm0, $0xb8;
	[tilespmem:$0x1B200] =	vst v63  }
0x26b: {  	s29 =	simm.s32 $0x18200  }
0x26c: {  	[tilespmem:s29], [sflag:$0x2] =	stream.indirect_vreg.gather [hbm4b:s7+s2], $0x80, v3, vm0, $0xb8;
	[tilespmem:$0x1B200] =	vst v63  }
0x26d: {  	s29 =	simm.s32 $0x18A00  }
0x26e: {  	[tilespmem:s29], [sflag:$0x2] =	stream.indirect_vreg.gather [hbm4b:s8+s2], $0x80, v3, vm0, $0xb8;
	[tilespmem:$0x1B200] =	vst v63  }
0x26f: {  	s29 =	simm.s32 $0x19200  }
0x270: {  	[tilespmem:s29], [sflag:$0x2] =	stream.indirect_vreg.gather [hbm4b:s9+s2], $0x80, v3, vm0, $0xb8;
	[tilespmem:$0x1B200] =	vst v63  }
0x271: {  	s29 =	simm.s32 $0x19A00  }
0x272: {  	[tilespmem:s29], [sflag:$0x2] =	stream.indirect_vreg.gather [hbm4b:s10+s2], $0x80, v3, vm0, $0xb8;
	[tilespmem:$0x1B200] =	vst v63  }
0x273: {  	s29 =	simm.s32 $0x1A200  }
0x274: {  	[tilespmem:s29], [sflag:$0x2] =	stream.indirect_vreg.gather [hbm4b:s11+s2], $0x80, v3, vm0, $0xb8;
	[tilespmem:$0x1B200] =	vst v63  }
0x275: {  	s29 =	simm.s32 $0x1AA00  }
0x276: {  	[tilespmem:s29], [sflag:$0x2] =	stream.indirect_vreg.gather [hbm4b:s12+s2], $0x80, v3, vm0, $0xb8;
	[tilespmem:$0x1B200] =	vst v63  }
0x277: {  	_ =	swait.ge [sflag:s25], $0xD800  }
0x278: {  	[sflag:s25] =	ssyncset.done $0x0  }
0x279: {  	s29 =	rddreg [dreg:$0x9];
	[sflag:s25] =	ssyncadd.s32 $0xFFFF2800  }
0x27a: {  	[hbm4b:s29+s2] =	stream.linear.scatter [tilespmem:s0], [sflag:$0x4], $0xD800, $0x38;
	[tilespmem:$0x1B200] =	vst v63  }
0x27b: {  	_ =	swait.ge [sflag:s26], $0xD800  }
0x27c: {  	[sflag:s26] =	ssyncset.done $0x0  }
0x27d: {  	[sflag:s26] =	ssyncadd.s32 $0xFFFF2800  }
0x27e: {  	v3 =	vld [tilespmem:$0xC0];
	_ =	sdelay $0x4  }
0x27f: {  	v46 =	vshrl.u32 v3, $0x3  }
0x280: {  	v4 =	vmul.u32 $0x90, v46  }
0x281: {  	v3 =	vand.u32 $0x7, v3  }
0x282: {  	v3 =	vor.u32 v3, v4  }
0x283: {  	v4 =	vperm.xlane v3, v0;
	_ =	sdelay $0x1  }
0x284: {  	v4 =	vadd.s32 v1, v4;
	_ =	sdelay $0x4  }
0x285: {  	[tilespmem:s4], [sflag:$0x1] =	stream.indirect_vreg.gather [hbm4b:s3+s2], $0x80, v4, vm0, $0xb8;
	[tilespmem:$0x1B200] =	vst v63  }
0x286: {  	s29 =	simm.s32 $0xA00  }
0x287: {  	[tilespmem:s29], [sflag:$0x1] =	stream.indirect_vreg.gather [hbm4b:s5+s2], $0x80, v4, vm0, $0xb8;
	[tilespmem:$0x1B200] =	vst v63  }
0x288: {  	s1 =	simm.s32 $0x1200  }
0x289: {  	[tilespmem:s1], [sflag:$0x1] =	stream.indirect_vreg.gather [hbm4b:s6+s2], $0x80, v4, vm0, $0xb8;
	[tilespmem:$0x1B200] =	vst v63  }
0x28a: {  	s29 =	simm.s32 $0x1A00  }
0x28b: {  	[tilespmem:s29], [sflag:$0x1] =	stream.indirect_vreg.gather [hbm4b:s7+s2], $0x80, v4, vm0, $0xb8;
	[tilespmem:$0x1B200] =	vst v63  }
0x28c: {  	s13 =	simm.s32 $0x2200  }
0x28d: {  	[tilespmem:s13], [sflag:$0x1] =	stream.indirect_vreg.gather [hbm4b:s8+s2], $0x80, v4, vm0, $0xb8;
	[tilespmem:$0x1B200] =	vst v63  }
0x28e: {  	s29 =	simm.s32 $0x2A00  }
0x28f: {  	[tilespmem:s29], [sflag:$0x1] =	stream.indirect_vreg.gather [hbm4b:s9+s2], $0x80, v4, vm0, $0xb8;
	[tilespmem:$0x1B200] =	vst v63  }
0x290: {  	v3 =	vperm.xlane v3, v2;
	s29 =	simm.s32 $0x3200  }
0x291: {  	[tilespmem:s29], [sflag:$0x1] =	stream.indirect_vreg.gather [hbm4b:s10+s2], $0x80, v4, vm0, $0xb8;
	[tilespmem:$0x1B200] =	vst v63  }
0x292: {  	s14 =	simm.s32 $0x3A00;
	v3 =	vadd.s32 v1, v3  }
0x293: {  	[tilespmem:s14], [sflag:$0x1] =	stream.indirect_vreg.gather [hbm4b:s11+s2], $0x80, v4, vm0, $0xb8;
	[tilespmem:$0x1B200] =	vst v63  }
0x294: {  	s16 =	simm.s32 $0x4200  }
0x295: {  	[tilespmem:s16], [sflag:$0x1] =	stream.indirect_vreg.gather [hbm4b:s12+s2], $0x80, v4, vm0, $0xb8;
	[tilespmem:$0x1B200] =	vst v63  }
0x296: {  	s17 =	simm.s32 $0x4A00  }
0x297: {  	[tilespmem:s17], [sflag:$0x1] =	stream.indirect_vreg.gather [hbm4b:s3+s2], $0x80, v3, vm0, $0xb8;
	[tilespmem:$0x1B200] =	vst v63  }
0x298: {  	s18 =	simm.s32 $0x5200  }
0x299: {  	[tilespmem:s18], [sflag:$0x1] =	stream.indirect_vreg.gather [hbm4b:s5+s2], $0x80, v3, vm0, $0xb8;
	[tilespmem:$0x1B200] =	vst v63  }
0x29a: {  	s19 =	simm.s32 $0x5A00  }
0x29b: {  	[tilespmem:s19], [sflag:$0x1] =	stream.indirect_vreg.gather [hbm4b:s6+s2], $0x80, v3, vm0, $0xb8;
	[tilespmem:$0x1B200] =	vst v63  }
0x29c: {  	s20 =	simm.s32 $0x6200  }
0x29d: {  	[tilespmem:s20], [sflag:$0x1] =	stream.indirect_vreg.gather [hbm4b:s7+s2], $0x80, v3, vm0, $0xb8;
	[tilespmem:$0x1B200] =	vst v63  }
0x29e: {  	s21 =	simm.s32 $0x6A00  }
0x29f: {  	[tilespmem:s21], [sflag:$0x1] =	stream.indirect_vreg.gather [hbm4b:s8+s2], $0x80, v3, vm0, $0xb8;
	[tilespmem:$0x1B200] =	vst v63  }
0x2a0: {  	s22 =	simm.s32 $0x7200  }
0x2a1: {  	[tilespmem:s22], [sflag:$0x1] =	stream.indirect_vreg.gather [hbm4b:s9+s2], $0x80, v3, vm0, $0xb8;
	[tilespmem:$0x1B200] =	vst v63  }
0x2a2: {  	s24 =	simm.s32 $0x7A00  }
0x2a3: {  	[tilespmem:s24], [sflag:$0x1] =	stream.indirect_vreg.gather [hbm4b:s10+s2], $0x80, v3, vm0, $0xb8;
	[tilespmem:$0x1B200] =	vst v63  }
0x2a4: {  	s15 =	simm.s32 $0x8200  }
0x2a5: {  	[tilespmem:s15], [sflag:$0x1] =	stream.indirect_vreg.gather [hbm4b:s11+s2], $0x80, v3, vm0, $0xb8;
	[tilespmem:$0x1B200] =	vst v63  }
0x2a6: {  	s29 =	simm.s32 $0x8A00  }
0x2a7: {  	[tilespmem:s29], [sflag:$0x1] =	stream.indirect_vreg.gather [hbm4b:s12+s2], $0x80, v3, vm0, $0xb8;
	[tilespmem:$0x1B200] =	vst v63  }
0x2a8: {  	v3 =	vld.msk [tilespmem:$0xD0], $0xff;
	_ =	sdelay $0x4  }
0x2a9: {  	v47 =	vshrl.u32 v3, $0x3  }
0x2aa: {  	v4 =	vmul.u32 $0x90, v47  }
0x2ab: {  	v3 =	vand.u32 $0x7, v3  }
0x2ac: {  	v3 =	vor.u32 v3, v4  }
0x2ad: {  	v3 =	vperm.xlane v3, v0;
	_ =	sdelay $0x1  }
0x2ae: {  	v3 =	vadd.s32 v1, v3;
	_ =	sdelay $0x3  }
0x2af: {  	s30 =	simm.s32 $0x9200  }
0x2b0: {  	[tilespmem:s30], [sflag:$0x1] =	stream.indirect_vreg.gather [hbm4b:s3+s2], $0x80, v3, vm0, $0xb8;
	[tilespmem:$0x1B200] =	vst v63  }
0x2b1: {  	s31 =	simm.s32 $0x9A00  }
0x2b2: {  	[tilespmem:s31], [sflag:$0x1] =	stream.indirect_vreg.gather [hbm4b:s5+s2], $0x80, v3, vm0, $0xb8;
	[tilespmem:$0x1B200] =	vst v63  }
0x2b3: {  	s29 =	simm.s32 $0xA200  }
0x2b4: {  	[tilespmem:s29], [sflag:$0x1] =	stream.indirect_vreg.gather [hbm4b:s6+s2], $0x80, v3, vm0, $0xb8;
	[tilespmem:$0x1B200] =	vst v63  }
0x2b5: {  	s29 =	simm.s32 $0xAA00  }
0x2b6: {  	[tilespmem:s29], [sflag:$0x1] =	stream.indirect_vreg.gather [hbm4b:s7+s2], $0x80, v3, vm0, $0xb8;
	[tilespmem:$0x1B200] =	vst v63  }
0x2b7: {  	s29 =	simm.s32 $0xB200  }
0x2b8: {  	[tilespmem:s29], [sflag:$0x1] =	stream.indirect_vreg.gather [hbm4b:s8+s2], $0x80, v3, vm0, $0xb8;
	[tilespmem:$0x1B200] =	vst v63  }
0x2b9: {  	s29 =	simm.s32 $0xBA00  }
0x2ba: {  	[tilespmem:s29], [sflag:$0x1] =	stream.indirect_vreg.gather [hbm4b:s9+s2], $0x80, v3, vm0, $0xb8;
	[tilespmem:$0x1B200] =	vst v63  }
0x2bb: {  	s29 =	simm.s32 $0xC200  }
0x2bc: {  	[tilespmem:s29], [sflag:$0x1] =	stream.indirect_vreg.gather [hbm4b:s10+s2], $0x80, v3, vm0, $0xb8;
	[tilespmem:$0x1B200] =	vst v63  }
0x2bd: {  	s29 =	simm.s32 $0xCA00  }
0x2be: {  	[tilespmem:s29], [sflag:$0x1] =	stream.indirect_vreg.gather [hbm4b:s11+s2], $0x80, v3, vm0, $0xb8;
	[tilespmem:$0x1B200] =	vst v63  }
0x2bf: {  	s29 =	simm.s32 $0xD200  }
0x2c0: {  	[tilespmem:s29], [sflag:$0x1] =	stream.indirect_vreg.gather [hbm4b:s12+s2], $0x80, v3, vm0, $0xb8;
	[tilespmem:$0x1B200] =	vst v63  }
0x2c1: {  	_ =	swait.ge [sflag:s23], $0xD800  }
0x2c2: {  	[sflag:s23] =	ssyncset.done $0x0  }
0x2c3: {  	s29 =	rddreg [dreg:$0xa];
	[sflag:s23] =	ssyncadd.s32 $0xFFFF2800  }
0x2c4: {  	[hbm4b:s29+s2] =	stream.linear.scatter [tilespmem:s4], [sflag:$0x3], $0xD800, $0x38;
	[tilespmem:$0x1B200] =	vst v63  }
0x2c5: {  	_ =	swait.ge [sflag:s28], $0xD800  }
0x2c6: {  	[sflag:s28] =	ssyncset.done $0x0  }
0x2c7: {  	[sflag:s28] =	ssyncadd.s32 $0xFFFF2800  }
0x2c8: {  	v3 =	vld [tilespmem:$0xD8];
	_ =	sdelay $0x4  }
0x2c9: {  	v48 =	vshrl.u32 v3, $0x3  }
0x2ca: {  	v4 =	vmul.u32 $0x90, v48  }
0x2cb: {  	v3 =	vand.u32 $0x7, v3  }
0x2cc: {  	v3 =	vor.u32 v3, v4  }
0x2cd: {  	v4 =	vperm.xlane v3, v0;
	_ =	sdelay $0x1  }
0x2ce: {  	v4 =	vadd.s32 v1, v4;
	_ =	sdelay $0x4  }
0x2cf: {  	[tilespmem:s0], [sflag:$0x2] =	stream.indirect_vreg.gather [hbm4b:s3+s2], $0x80, v4, vm0, $0xb8;
	[tilespmem:$0x1B200] =	vst v63  }
0x2d0: {  	s29 =	simm.s32 $0xE200  }
0x2d1: {  	[tilespmem:s29], [sflag:$0x2] =	stream.indirect_vreg.gather [hbm4b:s5+s2], $0x80, v4, vm0, $0xb8;
	[tilespmem:$0x1B200] =	vst v63  }
0x2d2: {  	s29 =	simm.s32 $0xEA00  }
0x2d3: {  	[tilespmem:s29], [sflag:$0x2] =	stream.indirect_vreg.gather [hbm4b:s6+s2], $0x80, v4, vm0, $0xb8;
	[tilespmem:$0x1B200] =	vst v63  }
0x2d4: {  	s29 =	simm.s32 $0xF200  }
0x2d5: {  	[tilespmem:s29], [sflag:$0x2] =	stream.indirect_vreg.gather [hbm4b:s7+s2], $0x80, v4, vm0, $0xb8;
	[tilespmem:$0x1B200] =	vst v63  }
0x2d6: {  	s29 =	simm.s32 $0xFA00  }
0x2d7: {  	[tilespmem:s29], [sflag:$0x2] =	stream.indirect_vreg.gather [hbm4b:s8+s2], $0x80, v4, vm0, $0xb8;
	[tilespmem:$0x1B200] =	vst v63  }
0x2d8: {  	s29 =	simm.s32 $0x10200  }
0x2d9: {  	[tilespmem:s29], [sflag:$0x2] =	stream.indirect_vreg.gather [hbm4b:s9+s2], $0x80, v4, vm0, $0xb8;
	[tilespmem:$0x1B200] =	vst v63  }
0x2da: {  	v3 =	vperm.xlane v3, v2;
	s29 =	simm.s32 $0x10A00  }
0x2db: {  	[tilespmem:s29], [sflag:$0x2] =	stream.indirect_vreg.gather [hbm4b:s10+s2], $0x80, v4, vm0, $0xb8;
	[tilespmem:$0x1B200] =	vst v63  }
0x2dc: {  	v3 =	vadd.s32 v1, v3;
	s29 =	simm.s32 $0x11200  }
0x2dd: {  	[tilespmem:s29], [sflag:$0x2] =	stream.indirect_vreg.gather [hbm4b:s11+s2], $0x80, v4, vm0, $0xb8;
	[tilespmem:$0x1B200] =	vst v63  }
0x2de: {  	s29 =	simm.s32 $0x11A00  }
0x2df: {  	[tilespmem:s29], [sflag:$0x2] =	stream.indirect_vreg.gather [hbm4b:s12+s2], $0x80, v4, vm0, $0xb8;
	[tilespmem:$0x1B200] =	vst v63  }
0x2e0: {  	s29 =	simm.s32 $0x12200  }
0x2e1: {  	[tilespmem:s29], [sflag:$0x2] =	stream.indirect_vreg.gather [hbm4b:s3+s2], $0x80, v3, vm0, $0xb8;
	[tilespmem:$0x1B200] =	vst v63  }
0x2e2: {  	s29 =	simm.s32 $0x12A00  }
0x2e3: {  	[tilespmem:s29], [sflag:$0x2] =	stream.indirect_vreg.gather [hbm4b:s5+s2], $0x80, v3, vm0, $0xb8;
	[tilespmem:$0x1B200] =	vst v63  }
0x2e4: {  	s29 =	simm.s32 $0x13200  }
0x2e5: {  	[tilespmem:s29], [sflag:$0x2] =	stream.indirect_vreg.gather [hbm4b:s6+s2], $0x80, v3, vm0, $0xb8;
	[tilespmem:$0x1B200] =	vst v63  }
0x2e6: {  	s29 =	simm.s32 $0x13A00  }
0x2e7: {  	[tilespmem:s29], [sflag:$0x2] =	stream.indirect_vreg.gather [hbm4b:s7+s2], $0x80, v3, vm0, $0xb8;
	[tilespmem:$0x1B200] =	vst v63  }
0x2e8: {  	s29 =	simm.s32 $0x14200  }
0x2e9: {  	[tilespmem:s29], [sflag:$0x2] =	stream.indirect_vreg.gather [hbm4b:s8+s2], $0x80, v3, vm0, $0xb8;
	[tilespmem:$0x1B200] =	vst v63  }
0x2ea: {  	s29 =	simm.s32 $0x14A00  }
0x2eb: {  	[tilespmem:s29], [sflag:$0x2] =	stream.indirect_vreg.gather [hbm4b:s9+s2], $0x80, v3, vm0, $0xb8;
	[tilespmem:$0x1B200] =	vst v63  }
0x2ec: {  	s29 =	simm.s32 $0x15200  }
0x2ed: {  	[tilespmem:s29], [sflag:$0x2] =	stream.indirect_vreg.gather [hbm4b:s10+s2], $0x80, v3, vm0, $0xb8;
	[tilespmem:$0x1B200] =	vst v63  }
0x2ee: {  	s29 =	simm.s32 $0x15A00  }
0x2ef: {  	[tilespmem:s29], [sflag:$0x2] =	stream.indirect_vreg.gather [hbm4b:s11+s2], $0x80, v3, vm0, $0xb8;
	[tilespmem:$0x1B200] =	vst v63  }
0x2f0: {  	s29 =	simm.s32 $0x16200  }
0x2f1: {  	[tilespmem:s29], [sflag:$0x2] =	stream.indirect_vreg.gather [hbm4b:s12+s2], $0x80, v3, vm0, $0xb8;
	[tilespmem:$0x1B200] =	vst v63  }
0x2f2: {  	v3 =	vld.msk [tilespmem:$0xE8], $0xff;
	_ =	sdelay $0x4  }
0x2f3: {  	v49 =	vshrl.u32 v3, $0x3  }
0x2f4: {  	v4 =	vmul.u32 $0x90, v49  }
0x2f5: {  	v3 =	vand.u32 $0x7, v3  }
0x2f6: {  	v3 =	vor.u32 v3, v4  }
0x2f7: {  	v3 =	vperm.xlane v3, v0;
	_ =	sdelay $0x1  }
0x2f8: {  	v3 =	vadd.s32 v1, v3;
	_ =	sdelay $0x3  }
0x2f9: {  	s29 =	simm.s32 $0x16A00  }
0x2fa: {  	[tilespmem:s29], [sflag:$0x2] =	stream.indirect_vreg.gather [hbm4b:s3+s2], $0x80, v3, vm0, $0xb8;
	[tilespmem:$0x1B200] =	vst v63  }
0x2fb: {  	s29 =	simm.s32 $0x17200  }
0x2fc: {  	[tilespmem:s29], [sflag:$0x2] =	stream.indirect_vreg.gather [hbm4b:s5+s2], $0x80, v3, vm0, $0xb8;
	[tilespmem:$0x1B200] =	vst v63  }
0x2fd: {  	s29 =	simm.s32 $0x17A00  }
0x2fe: {  	[tilespmem:s29], [sflag:$0x2] =	stream.indirect_vreg.gather [hbm4b:s6+s2], $0x80, v3, vm0, $0xb8;
	[tilespmem:$0x1B200] =	vst v63  }
0x2ff: {  	s29 =	simm.s32 $0x18200  }
0x300: {  	[tilespmem:s29], [sflag:$0x2] =	stream.indirect_vreg.gather [hbm4b:s7+s2], $0x80, v3, vm0, $0xb8;
	[tilespmem:$0x1B200] =	vst v63  }
0x301: {  	s29 =	simm.s32 $0x18A00  }
0x302: {  	[tilespmem:s29], [sflag:$0x2] =	stream.indirect_vreg.gather [hbm4b:s8+s2], $0x80, v3, vm0, $0xb8;
	[tilespmem:$0x1B200] =	vst v63  }
0x303: {  	s29 =	simm.s32 $0x19200  }
0x304: {  	[tilespmem:s29], [sflag:$0x2] =	stream.indirect_vreg.gather [hbm4b:s9+s2], $0x80, v3, vm0, $0xb8;
	[tilespmem:$0x1B200] =	vst v63  }
0x305: {  	s29 =	simm.s32 $0x19A00  }
0x306: {  	[tilespmem:s29], [sflag:$0x2] =	stream.indirect_vreg.gather [hbm4b:s10+s2], $0x80, v3, vm0, $0xb8;
	[tilespmem:$0x1B200] =	vst v63  }
0x307: {  	s29 =	simm.s32 $0x1A200  }
0x308: {  	[tilespmem:s29], [sflag:$0x2] =	stream.indirect_vreg.gather [hbm4b:s11+s2], $0x80, v3, vm0, $0xb8;
	[tilespmem:$0x1B200] =	vst v63  }
0x309: {  	s29 =	simm.s32 $0x1AA00  }
0x30a: {  	[tilespmem:s29], [sflag:$0x2] =	stream.indirect_vreg.gather [hbm4b:s12+s2], $0x80, v3, vm0, $0xb8;
	[tilespmem:$0x1B200] =	vst v63  }
0x30b: {  	_ =	swait.ge [sflag:s25], $0xD800  }
0x30c: {  	[sflag:s25] =	ssyncset.done $0x0  }
0x30d: {  	s29 =	rddreg [dreg:$0xb];
	[sflag:s25] =	ssyncadd.s32 $0xFFFF2800  }
0x30e: {  	[hbm4b:s29+s2] =	stream.linear.scatter [tilespmem:s0], [sflag:$0x4], $0xD800, $0x38;
	[tilespmem:$0x1B200] =	vst v63  }
0x30f: {  	_ =	swait.ge [sflag:s26], $0xD800  }
0x310: {  	[sflag:s26] =	ssyncset.done $0x0  }
0x311: {  	[sflag:s26] =	ssyncadd.s32 $0xFFFF2800  }
0x312: {  	v3 =	vld [tilespmem:$0xF0];
	_ =	sdelay $0x4  }
0x313: {  	v50 =	vshrl.u32 v3, $0x3  }
0x314: {  	v4 =	vmul.u32 $0x90, v50  }
0x315: {  	v3 =	vand.u32 $0x7, v3  }
0x316: {  	v3 =	vor.u32 v3, v4  }
0x317: {  	v4 =	vperm.xlane v3, v0;
	_ =	sdelay $0x1  }
0x318: {  	v4 =	vadd.s32 v1, v4;
	_ =	sdelay $0x4  }
0x319: {  	[tilespmem:s4], [sflag:$0x1] =	stream.indirect_vreg.gather [hbm4b:s3+s2], $0x80, v4, vm0, $0xb8;
	[tilespmem:$0x1B200] =	vst v63  }
0x31a: {  	s29 =	simm.s32 $0xA00  }
0x31b: {  	[tilespmem:s29], [sflag:$0x1] =	stream.indirect_vreg.gather [hbm4b:s5+s2], $0x80, v4, vm0, $0xb8;
	[tilespmem:$0x1B200] =	vst v63  }
0x31c: {  	s1 =	simm.s32 $0x1200  }
0x31d: {  	[tilespmem:s1], [sflag:$0x1] =	stream.indirect_vreg.gather [hbm4b:s6+s2], $0x80, v4, vm0, $0xb8;
	[tilespmem:$0x1B200] =	vst v63  }
0x31e: {  	s29 =	simm.s32 $0x1A00  }
0x31f: {  	[tilespmem:s29], [sflag:$0x1] =	stream.indirect_vreg.gather [hbm4b:s7+s2], $0x80, v4, vm0, $0xb8;
	[tilespmem:$0x1B200] =	vst v63  }
0x320: {  	s13 =	simm.s32 $0x2200  }
0x321: {  	[tilespmem:s13], [sflag:$0x1] =	stream.indirect_vreg.gather [hbm4b:s8+s2], $0x80, v4, vm0, $0xb8;
	[tilespmem:$0x1B200] =	vst v63  }
0x322: {  	s29 =	simm.s32 $0x2A00  }
0x323: {  	[tilespmem:s29], [sflag:$0x1] =	stream.indirect_vreg.gather [hbm4b:s9+s2], $0x80, v4, vm0, $0xb8;
	[tilespmem:$0x1B200] =	vst v63  }
0x324: {  	v3 =	vperm.xlane v3, v2;
	s29 =	simm.s32 $0x3200  }
0x325: {  	[tilespmem:s29], [sflag:$0x1] =	stream.indirect_vreg.gather [hbm4b:s10+s2], $0x80, v4, vm0, $0xb8;
	[tilespmem:$0x1B200] =	vst v63  }
0x326: {  	s14 =	simm.s32 $0x3A00;
	v3 =	vadd.s32 v1, v3  }
0x327: {  	[tilespmem:s14], [sflag:$0x1] =	stream.indirect_vreg.gather [hbm4b:s11+s2], $0x80, v4, vm0, $0xb8;
	[tilespmem:$0x1B200] =	vst v63  }
0x328: {  	s16 =	simm.s32 $0x4200  }
0x329: {  	[tilespmem:s16], [sflag:$0x1] =	stream.indirect_vreg.gather [hbm4b:s12+s2], $0x80, v4, vm0, $0xb8;
	[tilespmem:$0x1B200] =	vst v63  }
0x32a: {  	s17 =	simm.s32 $0x4A00  }
0x32b: {  	[tilespmem:s17], [sflag:$0x1] =	stream.indirect_vreg.gather [hbm4b:s3+s2], $0x80, v3, vm0, $0xb8;
	[tilespmem:$0x1B200] =	vst v63  }
0x32c: {  	s18 =	simm.s32 $0x5200  }
0x32d: {  	[tilespmem:s18], [sflag:$0x1] =	stream.indirect_vreg.gather [hbm4b:s5+s2], $0x80, v3, vm0, $0xb8;
	[tilespmem:$0x1B200] =	vst v63  }
0x32e: {  	s19 =	simm.s32 $0x5A00  }
0x32f: {  	[tilespmem:s19], [sflag:$0x1] =	stream.indirect_vreg.gather [hbm4b:s6+s2], $0x80, v3, vm0, $0xb8;
	[tilespmem:$0x1B200] =	vst v63  }
0x330: {  	s20 =	simm.s32 $0x6200  }
0x331: {  	[tilespmem:s20], [sflag:$0x1] =	stream.indirect_vreg.gather [hbm4b:s7+s2], $0x80, v3, vm0, $0xb8;
	[tilespmem:$0x1B200] =	vst v63  }
0x332: {  	s21 =	simm.s32 $0x6A00  }
0x333: {  	[tilespmem:s21], [sflag:$0x1] =	stream.indirect_vreg.gather [hbm4b:s8+s2], $0x80, v3, vm0, $0xb8;
	[tilespmem:$0x1B200] =	vst v63  }
0x334: {  	s22 =	simm.s32 $0x7200  }
0x335: {  	[tilespmem:s22], [sflag:$0x1] =	stream.indirect_vreg.gather [hbm4b:s9+s2], $0x80, v3, vm0, $0xb8;
	[tilespmem:$0x1B200] =	vst v63  }
0x336: {  	s24 =	simm.s32 $0x7A00  }
0x337: {  	[tilespmem:s24], [sflag:$0x1] =	stream.indirect_vreg.gather [hbm4b:s10+s2], $0x80, v3, vm0, $0xb8;
	[tilespmem:$0x1B200] =	vst v63  }
0x338: {  	s15 =	simm.s32 $0x8200  }
0x339: {  	[tilespmem:s15], [sflag:$0x1] =	stream.indirect_vreg.gather [hbm4b:s11+s2], $0x80, v3, vm0, $0xb8;
	[tilespmem:$0x1B200] =	vst v63  }
0x33a: {  	s29 =	simm.s32 $0x8A00  }
0x33b: {  	[tilespmem:s29], [sflag:$0x1] =	stream.indirect_vreg.gather [hbm4b:s12+s2], $0x80, v3, vm0, $0xb8;
	[tilespmem:$0x1B200] =	vst v63  }
0x33c: {  	v3 =	vld.msk [tilespmem:$0x100], $0xff;
	_ =	sdelay $0x4  }
0x33d: {  	v51 =	vshrl.u32 v3, $0x3  }
0x33e: {  	v4 =	vmul.u32 $0x90, v51  }
0x33f: {  	v3 =	vand.u32 $0x7, v3  }
0x340: {  	v3 =	vor.u32 v3, v4  }
0x341: {  	v3 =	vperm.xlane v3, v0;
	_ =	sdelay $0x1  }
0x342: {  	v3 =	vadd.s32 v1, v3;
	_ =	sdelay $0x3  }
0x343: {  	s30 =	simm.s32 $0x9200  }
0x344: {  	[tilespmem:s30], [sflag:$0x1] =	stream.indirect_vreg.gather [hbm4b:s3+s2], $0x80, v3, vm0, $0xb8;
	[tilespmem:$0x1B200] =	vst v63  }
0x345: {  	s31 =	simm.s32 $0x9A00  }
0x346: {  	[tilespmem:s31], [sflag:$0x1] =	stream.indirect_vreg.gather [hbm4b:s5+s2], $0x80, v3, vm0, $0xb8;
	[tilespmem:$0x1B200] =	vst v63  }
0x347: {  	s29 =	simm.s32 $0xA200  }
0x348: {  	[tilespmem:s29], [sflag:$0x1] =	stream.indirect_vreg.gather [hbm4b:s6+s2], $0x80, v3, vm0, $0xb8;
	[tilespmem:$0x1B200] =	vst v63  }
0x349: {  	s29 =	simm.s32 $0xAA00  }
0x34a: {  	[tilespmem:s29], [sflag:$0x1] =	stream.indirect_vreg.gather [hbm4b:s7+s2], $0x80, v3, vm0, $0xb8;
	[tilespmem:$0x1B200] =	vst v63  }
0x34b: {  	s29 =	simm.s32 $0xB200  }
0x34c: {  	[tilespmem:s29], [sflag:$0x1] =	stream.indirect_vreg.gather [hbm4b:s8+s2], $0x80, v3, vm0, $0xb8;
	[tilespmem:$0x1B200] =	vst v63  }
0x34d: {  	s29 =	simm.s32 $0xBA00  }
0x34e: {  	[tilespmem:s29], [sflag:$0x1] =	stream.indirect_vreg.gather [hbm4b:s9+s2], $0x80, v3, vm0, $0xb8;
	[tilespmem:$0x1B200] =	vst v63  }
0x34f: {  	s29 =	simm.s32 $0xC200  }
0x350: {  	[tilespmem:s29], [sflag:$0x1] =	stream.indirect_vreg.gather [hbm4b:s10+s2], $0x80, v3, vm0, $0xb8;
	[tilespmem:$0x1B200] =	vst v63  }
0x351: {  	s29 =	simm.s32 $0xCA00  }
0x352: {  	[tilespmem:s29], [sflag:$0x1] =	stream.indirect_vreg.gather [hbm4b:s11+s2], $0x80, v3, vm0, $0xb8;
	[tilespmem:$0x1B200] =	vst v63  }
0x353: {  	s29 =	simm.s32 $0xD200  }
0x354: {  	[tilespmem:s29], [sflag:$0x1] =	stream.indirect_vreg.gather [hbm4b:s12+s2], $0x80, v3, vm0, $0xb8;
	[tilespmem:$0x1B200] =	vst v63  }
0x355: {  	_ =	swait.ge [sflag:s23], $0xD800  }
0x356: {  	[sflag:s23] =	ssyncset.done $0x0  }
0x357: {  	s29 =	rddreg [dreg:$0xc];
	[sflag:s23] =	ssyncadd.s32 $0xFFFF2800  }
0x358: {  	[hbm4b:s29+s2] =	stream.linear.scatter [tilespmem:s4], [sflag:$0x3], $0xD800, $0x38;
	[tilespmem:$0x1B200] =	vst v63  }
0x359: {  	_ =	swait.ge [sflag:s28], $0xD800  }
0x35a: {  	[sflag:s28] =	ssyncset.done $0x0  }
0x35b: {  	[sflag:s28] =	ssyncadd.s32 $0xFFFF2800  }
0x35c: {  	v3 =	vld [tilespmem:$0x108];
	_ =	sdelay $0x4  }
0x35d: {  	v52 =	vshrl.u32 v3, $0x3  }
0x35e: {  	v4 =	vmul.u32 $0x90, v52  }
0x35f: {  	v3 =	vand.u32 $0x7, v3  }
0x360: {  	v3 =	vor.u32 v3, v4  }
0x361: {  	v4 =	vperm.xlane v3, v0;
	_ =	sdelay $0x1  }
0x362: {  	v4 =	vadd.s32 v1, v4;
	_ =	sdelay $0x4  }
0x363: {  	[tilespmem:s0], [sflag:$0x2] =	stream.indirect_vreg.gather [hbm4b:s3+s2], $0x80, v4, vm0, $0xb8;
	[tilespmem:$0x1B200] =	vst v63  }
0x364: {  	s29 =	simm.s32 $0xE200  }
0x365: {  	[tilespmem:s29], [sflag:$0x2] =	stream.indirect_vreg.gather [hbm4b:s5+s2], $0x80, v4, vm0, $0xb8;
	[tilespmem:$0x1B200] =	vst v63  }
0x366: {  	s29 =	simm.s32 $0xEA00  }
0x367: {  	[tilespmem:s29], [sflag:$0x2] =	stream.indirect_vreg.gather [hbm4b:s6+s2], $0x80, v4, vm0, $0xb8;
	[tilespmem:$0x1B200] =	vst v63  }
0x368: {  	s29 =	simm.s32 $0xF200  }
0x369: {  	[tilespmem:s29], [sflag:$0x2] =	stream.indirect_vreg.gather [hbm4b:s7+s2], $0x80, v4, vm0, $0xb8;
	[tilespmem:$0x1B200] =	vst v63  }
0x36a: {  	s29 =	simm.s32 $0xFA00  }
0x36b: {  	[tilespmem:s29], [sflag:$0x2] =	stream.indirect_vreg.gather [hbm4b:s8+s2], $0x80, v4, vm0, $0xb8;
	[tilespmem:$0x1B200] =	vst v63  }
0x36c: {  	s29 =	simm.s32 $0x10200  }
0x36d: {  	[tilespmem:s29], [sflag:$0x2] =	stream.indirect_vreg.gather [hbm4b:s9+s2], $0x80, v4, vm0, $0xb8;
	[tilespmem:$0x1B200] =	vst v63  }
0x36e: {  	v3 =	vperm.xlane v3, v2;
	s29 =	simm.s32 $0x10A00  }
0x36f: {  	[tilespmem:s29], [sflag:$0x2] =	stream.indirect_vreg.gather [hbm4b:s10+s2], $0x80, v4, vm0, $0xb8;
	[tilespmem:$0x1B200] =	vst v63  }
0x370: {  	v3 =	vadd.s32 v1, v3;
	s29 =	simm.s32 $0x11200  }
0x371: {  	[tilespmem:s29], [sflag:$0x2] =	stream.indirect_vreg.gather [hbm4b:s11+s2], $0x80, v4, vm0, $0xb8;
	[tilespmem:$0x1B200] =	vst v63  }
0x372: {  	s29 =	simm.s32 $0x11A00  }
0x373: {  	[tilespmem:s29], [sflag:$0x2] =	stream.indirect_vreg.gather [hbm4b:s12+s2], $0x80, v4, vm0, $0xb8;
	[tilespmem:$0x1B200] =	vst v63  }
0x374: {  	s29 =	simm.s32 $0x12200  }
0x375: {  	[tilespmem:s29], [sflag:$0x2] =	stream.indirect_vreg.gather [hbm4b:s3+s2], $0x80, v3, vm0, $0xb8;
	[tilespmem:$0x1B200] =	vst v63  }
0x376: {  	s29 =	simm.s32 $0x12A00  }
0x377: {  	[tilespmem:s29], [sflag:$0x2] =	stream.indirect_vreg.gather [hbm4b:s5+s2], $0x80, v3, vm0, $0xb8;
	[tilespmem:$0x1B200] =	vst v63  }
0x378: {  	s29 =	simm.s32 $0x13200  }
0x379: {  	[tilespmem:s29], [sflag:$0x2] =	stream.indirect_vreg.gather [hbm4b:s6+s2], $0x80, v3, vm0, $0xb8;
	[tilespmem:$0x1B200] =	vst v63  }
0x37a: {  	s29 =	simm.s32 $0x13A00  }
0x37b: {  	[tilespmem:s29], [sflag:$0x2] =	stream.indirect_vreg.gather [hbm4b:s7+s2], $0x80, v3, vm0, $0xb8;
	[tilespmem:$0x1B200] =	vst v63  }
0x37c: {  	s29 =	simm.s32 $0x14200  }
0x37d: {  	[tilespmem:s29], [sflag:$0x2] =	stream.indirect_vreg.gather [hbm4b:s8+s2], $0x80, v3, vm0, $0xb8;
	[tilespmem:$0x1B200] =	vst v63  }
0x37e: {  	s29 =	simm.s32 $0x14A00  }
0x37f: {  	[tilespmem:s29], [sflag:$0x2] =	stream.indirect_vreg.gather [hbm4b:s9+s2], $0x80, v3, vm0, $0xb8;
	[tilespmem:$0x1B200] =	vst v63  }
0x380: {  	s29 =	simm.s32 $0x15200  }
0x381: {  	[tilespmem:s29], [sflag:$0x2] =	stream.indirect_vreg.gather [hbm4b:s10+s2], $0x80, v3, vm0, $0xb8;
	[tilespmem:$0x1B200] =	vst v63  }
0x382: {  	s29 =	simm.s32 $0x15A00  }
0x383: {  	[tilespmem:s29], [sflag:$0x2] =	stream.indirect_vreg.gather [hbm4b:s11+s2], $0x80, v3, vm0, $0xb8;
	[tilespmem:$0x1B200] =	vst v63  }
0x384: {  	s29 =	simm.s32 $0x16200  }
0x385: {  	[tilespmem:s29], [sflag:$0x2] =	stream.indirect_vreg.gather [hbm4b:s12+s2], $0x80, v3, vm0, $0xb8;
	[tilespmem:$0x1B200] =	vst v63  }
0x386: {  	v3 =	vld.msk [tilespmem:$0x118], $0xff;
	_ =	sdelay $0x4  }
0x387: {  	v53 =	vshrl.u32 v3, $0x3  }
0x388: {  	v4 =	vmul.u32 $0x90, v53  }
0x389: {  	v3 =	vand.u32 $0x7, v3  }
0x38a: {  	v3 =	vor.u32 v3, v4  }
0x38b: {  	v3 =	vperm.xlane v3, v0;
	_ =	sdelay $0x1  }
0x38c: {  	v3 =	vadd.s32 v1, v3;
	_ =	sdelay $0x3  }
0x38d: {  	s29 =	simm.s32 $0x16A00  }
0x38e: {  	[tilespmem:s29], [sflag:$0x2] =	stream.indirect_vreg.gather [hbm4b:s3+s2], $0x80, v3, vm0, $0xb8;
	[tilespmem:$0x1B200] =	vst v63  }
0x38f: {  	s29 =	simm.s32 $0x17200  }
0x390: {  	[tilespmem:s29], [sflag:$0x2] =	stream.indirect_vreg.gather [hbm4b:s5+s2], $0x80, v3, vm0, $0xb8;
	[tilespmem:$0x1B200] =	vst v63  }
0x391: {  	s29 =	simm.s32 $0x17A00  }
0x392: {  	[tilespmem:s29], [sflag:$0x2] =	stream.indirect_vreg.gather [hbm4b:s6+s2], $0x80, v3, vm0, $0xb8;
	[tilespmem:$0x1B200] =	vst v63  }
0x393: {  	s29 =	simm.s32 $0x18200  }
0x394: {  	[tilespmem:s29], [sflag:$0x2] =	stream.indirect_vreg.gather [hbm4b:s7+s2], $0x80, v3, vm0, $0xb8;
	[tilespmem:$0x1B200] =	vst v63  }
0x395: {  	s29 =	simm.s32 $0x18A00  }
0x396: {  	[tilespmem:s29], [sflag:$0x2] =	stream.indirect_vreg.gather [hbm4b:s8+s2], $0x80, v3, vm0, $0xb8;
	[tilespmem:$0x1B200] =	vst v63  }
0x397: {  	s29 =	simm.s32 $0x19200  }
0x398: {  	[tilespmem:s29], [sflag:$0x2] =	stream.indirect_vreg.gather [hbm4b:s9+s2], $0x80, v3, vm0, $0xb8;
	[tilespmem:$0x1B200] =	vst v63  }
0x399: {  	s29 =	simm.s32 $0x19A00  }
0x39a: {  	[tilespmem:s29], [sflag:$0x2] =	stream.indirect_vreg.gather [hbm4b:s10+s2], $0x80, v3, vm0, $0xb8;
	[tilespmem:$0x1B200] =	vst v63  }
0x39b: {  	s29 =	simm.s32 $0x1A200  }
0x39c: {  	[tilespmem:s29], [sflag:$0x2] =	stream.indirect_vreg.gather [hbm4b:s11+s2], $0x80, v3, vm0, $0xb8;
	[tilespmem:$0x1B200] =	vst v63  }
0x39d: {  	s29 =	simm.s32 $0x1AA00  }
0x39e: {  	[tilespmem:s29], [sflag:$0x2] =	stream.indirect_vreg.gather [hbm4b:s12+s2], $0x80, v3, vm0, $0xb8;
	[tilespmem:$0x1B200] =	vst v63  }
0x39f: {  	_ =	swait.ge [sflag:s25], $0xD800  }
0x3a0: {  	[sflag:s25] =	ssyncset.done $0x0  }
0x3a1: {  	s29 =	rddreg [dreg:$0xd];
	[sflag:s25] =	ssyncadd.s32 $0xFFFF2800  }
0x3a2: {  	[hbm4b:s29+s2] =	stream.linear.scatter [tilespmem:s0], [sflag:$0x4], $0xD800, $0x38;
	[tilespmem:$0x1B200] =	vst v63  }
0x3a3: {  	_ =	swait.ge [sflag:s26], $0xD800  }
0x3a4: {  	[sflag:s26] =	ssyncset.done $0x0  }
0x3a5: {  	[sflag:s26] =	ssyncadd.s32 $0xFFFF2800  }
0x3a6: {  	v3 =	vld [tilespmem:$0x120];
	_ =	sdelay $0x4  }
0x3a7: {  	v54 =	vshrl.u32 v3, $0x3  }
0x3a8: {  	v4 =	vmul.u32 $0x90, v54  }
0x3a9: {  	v3 =	vand.u32 $0x7, v3  }
0x3aa: {  	v3 =	vor.u32 v3, v4  }
0x3ab: {  	v4 =	vperm.xlane v3, v0;
	_ =	sdelay $0x1  }
0x3ac: {  	v4 =	vadd.s32 v1, v4;
	_ =	sdelay $0x4  }
0x3ad: {  	[tilespmem:s4], [sflag:$0x1] =	stream.indirect_vreg.gather [hbm4b:s3+s2], $0x80, v4, vm0, $0xb8;
	[tilespmem:$0x1B200] =	vst v63  }
0x3ae: {  	s29 =	simm.s32 $0xA00  }
0x3af: {  	[tilespmem:s29], [sflag:$0x1] =	stream.indirect_vreg.gather [hbm4b:s5+s2], $0x80, v4, vm0, $0xb8;
	[tilespmem:$0x1B200] =	vst v63  }
0x3b0: {  	s1 =	simm.s32 $0x1200  }
0x3b1: {  	[tilespmem:s1], [sflag:$0x1] =	stream.indirect_vreg.gather [hbm4b:s6+s2], $0x80, v4, vm0, $0xb8;
	[tilespmem:$0x1B200] =	vst v63  }
0x3b2: {  	s29 =	simm.s32 $0x1A00  }
0x3b3: {  	[tilespmem:s29], [sflag:$0x1] =	stream.indirect_vreg.gather [hbm4b:s7+s2], $0x80, v4, vm0, $0xb8;
	[tilespmem:$0x1B200] =	vst v63  }
0x3b4: {  	s13 =	simm.s32 $0x2200  }
0x3b5: {  	[tilespmem:s13], [sflag:$0x1] =	stream.indirect_vreg.gather [hbm4b:s8+s2], $0x80, v4, vm0, $0xb8;
	[tilespmem:$0x1B200] =	vst v63  }
0x3b6: {  	s29 =	simm.s32 $0x2A00  }
0x3b7: {  	[tilespmem:s29], [sflag:$0x1] =	stream.indirect_vreg.gather [hbm4b:s9+s2], $0x80, v4, vm0, $0xb8;
	[tilespmem:$0x1B200] =	vst v63  }
0x3b8: {  	v3 =	vperm.xlane v3, v2;
	s13 =	simm.s32 $0x3200  }
0x3b9: {  	[tilespmem:s13], [sflag:$0x1] =	stream.indirect_vreg.gather [hbm4b:s10+s2], $0x80, v4, vm0, $0xb8;
	[tilespmem:$0x1B200] =	vst v63  }
0x3ba: {  	s14 =	simm.s32 $0x3A00;
	v3 =	vadd.s32 v1, v3  }
0x3bb: {  	[tilespmem:s14], [sflag:$0x1] =	stream.indirect_vreg.gather [hbm4b:s11+s2], $0x80, v4, vm0, $0xb8;
	[tilespmem:$0x1B200] =	vst v63  }
0x3bc: {  	s16 =	simm.s32 $0x4200  }
0x3bd: {  	[tilespmem:s16], [sflag:$0x1] =	stream.indirect_vreg.gather [hbm4b:s12+s2], $0x80, v4, vm0, $0xb8;
	[tilespmem:$0x1B200] =	vst v63  }
0x3be: {  	s17 =	simm.s32 $0x4A00  }
0x3bf: {  	[tilespmem:s17], [sflag:$0x1] =	stream.indirect_vreg.gather [hbm4b:s3+s2], $0x80, v3, vm0, $0xb8;
	[tilespmem:$0x1B200] =	vst v63  }
0x3c0: {  	s18 =	simm.s32 $0x5200  }
0x3c1: {  	[tilespmem:s18], [sflag:$0x1] =	stream.indirect_vreg.gather [hbm4b:s5+s2], $0x80, v3, vm0, $0xb8;
	[tilespmem:$0x1B200] =	vst v63  }
0x3c2: {  	s19 =	simm.s32 $0x5A00  }
0x3c3: {  	[tilespmem:s19], [sflag:$0x1] =	stream.indirect_vreg.gather [hbm4b:s6+s2], $0x80, v3, vm0, $0xb8;
	[tilespmem:$0x1B200] =	vst v63  }
0x3c4: {  	s20 =	simm.s32 $0x6200  }
0x3c5: {  	[tilespmem:s20], [sflag:$0x1] =	stream.indirect_vreg.gather [hbm4b:s7+s2], $0x80, v3, vm0, $0xb8;
	[tilespmem:$0x1B200] =	vst v63  }
0x3c6: {  	s21 =	simm.s32 $0x6A00  }
0x3c7: {  	[tilespmem:s21], [sflag:$0x1] =	stream.indirect_vreg.gather [hbm4b:s8+s2], $0x80, v3, vm0, $0xb8;
	[tilespmem:$0x1B200] =	vst v63  }
0x3c8: {  	s22 =	simm.s32 $0x7200  }
0x3c9: {  	[tilespmem:s22], [sflag:$0x1] =	stream.indirect_vreg.gather [hbm4b:s9+s2], $0x80, v3, vm0, $0xb8;
	[tilespmem:$0x1B200] =	vst v63  }
0x3ca: {  	s24 =	simm.s32 $0x7A00  }
0x3cb: {  	[tilespmem:s24], [sflag:$0x1] =	stream.indirect_vreg.gather [hbm4b:s10+s2], $0x80, v3, vm0, $0xb8;
	[tilespmem:$0x1B200] =	vst v63  }
0x3cc: {  	s15 =	simm.s32 $0x8200  }
0x3cd: {  	[tilespmem:s15], [sflag:$0x1] =	stream.indirect_vreg.gather [hbm4b:s11+s2], $0x80, v3, vm0, $0xb8;
	[tilespmem:$0x1B200] =	vst v63  }
0x3ce: {  	s29 =	simm.s32 $0x8A00  }
0x3cf: {  	[tilespmem:s29], [sflag:$0x1] =	stream.indirect_vreg.gather [hbm4b:s12+s2], $0x80, v3, vm0, $0xb8;
	[tilespmem:$0x1B200] =	vst v63  }
0x3d0: {  	v3 =	vld.msk [tilespmem:$0x130], $0xff;
	_ =	sdelay $0x4  }
0x3d1: {  	v55 =	vshrl.u32 v3, $0x3  }
0x3d2: {  	v4 =	vmul.u32 $0x90, v55  }
0x3d3: {  	v3 =	vand.u32 $0x7, v3  }
0x3d4: {  	v3 =	vor.u32 v3, v4  }
0x3d5: {  	v3 =	vperm.xlane v3, v0;
	_ =	sdelay $0x1  }
0x3d6: {  	v3 =	vadd.s32 v1, v3;
	_ =	sdelay $0x3  }
0x3d7: {  	s30 =	simm.s32 $0x9200  }
0x3d8: {  	[tilespmem:s30], [sflag:$0x1] =	stream.indirect_vreg.gather [hbm4b:s3+s2], $0x80, v3, vm0, $0xb8;
	[tilespmem:$0x1B200] =	vst v63  }
0x3d9: {  	s31 =	simm.s32 $0x9A00  }
0x3da: {  	[tilespmem:s31], [sflag:$0x1] =	stream.indirect_vreg.gather [hbm4b:s5+s2], $0x80, v3, vm0, $0xb8;
	[tilespmem:$0x1B200] =	vst v63  }
0x3db: {  	s13 =	simm.s32 $0xA200  }
0x3dc: {  	[tilespmem:s13], [sflag:$0x1] =	stream.indirect_vreg.gather [hbm4b:s6+s2], $0x80, v3, vm0, $0xb8;
	[tilespmem:$0x1B200] =	vst v63  }
0x3dd: {  	s14 =	simm.s32 $0xAA00  }
0x3de: {  	[tilespmem:s14], [sflag:$0x1] =	stream.indirect_vreg.gather [hbm4b:s7+s2], $0x80, v3, vm0, $0xb8;
	[tilespmem:$0x1B200] =	vst v63  }
0x3df: {  	s15 =	simm.s32 $0xB200  }
0x3e0: {  	[tilespmem:s15], [sflag:$0x1] =	stream.indirect_vreg.gather [hbm4b:s8+s2], $0x80, v3, vm0, $0xb8;
	[tilespmem:$0x1B200] =	vst v63  }
0x3e1: {  	s16 =	simm.s32 $0xBA00  }
0x3e2: {  	[tilespmem:s16], [sflag:$0x1] =	stream.indirect_vreg.gather [hbm4b:s9+s2], $0x80, v3, vm0, $0xb8;
	[tilespmem:$0x1B200] =	vst v63  }
0x3e3: {  	s17 =	simm.s32 $0xC200  }
0x3e4: {  	[tilespmem:s17], [sflag:$0x1] =	stream.indirect_vreg.gather [hbm4b:s10+s2], $0x80, v3, vm0, $0xb8;
	[tilespmem:$0x1B200] =	vst v63  }
0x3e5: {  	s18 =	simm.s32 $0xCA00  }
0x3e6: {  	[tilespmem:s18], [sflag:$0x1] =	stream.indirect_vreg.gather [hbm4b:s11+s2], $0x80, v3, vm0, $0xb8;
	[tilespmem:$0x1B200] =	vst v63  }
0x3e7: {  	s19 =	simm.s32 $0xD200  }
0x3e8: {  	[tilespmem:s19], [sflag:$0x1] =	stream.indirect_vreg.gather [hbm4b:s12+s2], $0x80, v3, vm0, $0xb8;
	[tilespmem:$0x1B200] =	vst v63  }
0x3e9: {  	_ =	swait.ge [sflag:s23], $0xD800  }
0x3ea: {  	[sflag:s23] =	ssyncset.done $0x0  }
0x3eb: {  	s20 =	rddreg [dreg:$0xe];
	[sflag:s23] =	ssyncadd.s32 $0xFFFF2800  }
0x3ec: {  	[hbm4b:s20+s2] =	stream.linear.scatter [tilespmem:s4], [sflag:$0x3], $0xD800, $0x38;
	[tilespmem:$0x1B200] =	vst v63  }
0x3ed: {  	_ =	swait.ge [sflag:s28], $0xD800  }
0x3ee: {  	[sflag:s28] =	ssyncset.done $0x0  }
0x3ef: {  	[sflag:s28] =	ssyncadd.s32 $0xFFFF2800  }
0x3f0: {  	v3 =	vld [tilespmem:$0x138];
	_ =	sdelay $0x4  }
0x3f1: {  	v56 =	vshrl.u32 v3, $0x3  }
0x3f2: {  	v4 =	vmul.u32 $0x90, v56  }
0x3f3: {  	v3 =	vand.u32 $0x7, v3  }
0x3f4: {  	v3 =	vor.u32 v3, v4  }
0x3f5: {  	v4 =	vperm.xlane v3, v0;
	_ =	sdelay $0x1  }
0x3f6: {  	v4 =	vadd.s32 v1, v4;
	_ =	sdelay $0x4  }
0x3f7: {  	[tilespmem:s0], [sflag:$0x2] =	stream.indirect_vreg.gather [hbm4b:s3+s2], $0x80, v4, vm0, $0xb8;
	[tilespmem:$0x1B200] =	vst v63  }
0x3f8: {  	s21 =	simm.s32 $0xE200  }
0x3f9: {  	[tilespmem:s21], [sflag:$0x2] =	stream.indirect_vreg.gather [hbm4b:s5+s2], $0x80, v4, vm0, $0xb8;
	[tilespmem:$0x1B200] =	vst v63  }
0x3fa: {  	s22 =	simm.s32 $0xEA00  }
0x3fb: {  	[tilespmem:s22], [sflag:$0x2] =	stream.indirect_vreg.gather [hbm4b:s6+s2], $0x80, v4, vm0, $0xb8;
	[tilespmem:$0x1B200] =	vst v63  }
0x3fc: {  	s24 =	simm.s32 $0xF200  }
0x3fd: {  	[tilespmem:s24], [sflag:$0x2] =	stream.indirect_vreg.gather [hbm4b:s7+s2], $0x80, v4, vm0, $0xb8;
	[tilespmem:$0x1B200] =	vst v63  }
0x3fe: {  	s29 =	simm.s32 $0xFA00  }
0x3ff: {  	[tilespmem:s29], [sflag:$0x2] =	stream.indirect_vreg.gather [hbm4b:s8+s2], $0x80, v4, vm0, $0xb8;
	[tilespmem:$0x1B200] =	vst v63  }
0x400: {  	s30 =	simm.s32 $0x10200  }
0x401: {  	[tilespmem:s30], [sflag:$0x2] =	stream.indirect_vreg.gather [hbm4b:s9+s2], $0x80, v4, vm0, $0xb8;
	[tilespmem:$0x1B200] =	vst v63  }
0x402: {  	s31 =	simm.s32 $0x10A00;
	v3 =	vperm.xlane v3, v2  }
0x403: {  	[tilespmem:s31], [sflag:$0x2] =	stream.indirect_vreg.gather [hbm4b:s10+s2], $0x80, v4, vm0, $0xb8;
	[tilespmem:$0x1B200] =	vst v63  }
0x404: {  	s17 =	simm.s32 $0x11200;
	v3 =	vadd.s32 v1, v3  }
0x405: {  	[tilespmem:s17], [sflag:$0x2] =	stream.indirect_vreg.gather [hbm4b:s11+s2], $0x80, v4, vm0, $0xb8;
	[tilespmem:$0x1B200] =	vst v63  }
0x406: {  	s18 =	simm.s32 $0x11A00  }
0x407: {  	[tilespmem:s18], [sflag:$0x2] =	stream.indirect_vreg.gather [hbm4b:s12+s2], $0x80, v4, vm0, $0xb8;
	[tilespmem:$0x1B200] =	vst v63  }
0x408: {  	s19 =	simm.s32 $0x12200  }
0x409: {  	[tilespmem:s19], [sflag:$0x2] =	stream.indirect_vreg.gather [hbm4b:s3+s2], $0x80, v3, vm0, $0xb8;
	[tilespmem:$0x1B200] =	vst v63  }
0x40a: {  	s20 =	simm.s32 $0x12A00  }
0x40b: {  	[tilespmem:s20], [sflag:$0x2] =	stream.indirect_vreg.gather [hbm4b:s5+s2], $0x80, v3, vm0, $0xb8;
	[tilespmem:$0x1B200] =	vst v63  }
0x40c: {  	s21 =	simm.s32 $0x13200  }
0x40d: {  	[tilespmem:s21], [sflag:$0x2] =	stream.indirect_vreg.gather [hbm4b:s6+s2], $0x80, v3, vm0, $0xb8;
	[tilespmem:$0x1B200] =	vst v63  }
0x40e: {  	s22 =	simm.s32 $0x13A00  }
0x40f: {  	[tilespmem:s22], [sflag:$0x2] =	stream.indirect_vreg.gather [hbm4b:s7+s2], $0x80, v3, vm0, $0xb8;
	[tilespmem:$0x1B200] =	vst v63  }
0x410: {  	s24 =	simm.s32 $0x14200  }
0x411: {  	[tilespmem:s24], [sflag:$0x2] =	stream.indirect_vreg.gather [hbm4b:s8+s2], $0x80, v3, vm0, $0xb8;
	[tilespmem:$0x1B200] =	vst v63  }
0x412: {  	s29 =	simm.s32 $0x14A00  }
0x413: {  	[tilespmem:s29], [sflag:$0x2] =	stream.indirect_vreg.gather [hbm4b:s9+s2], $0x80, v3, vm0, $0xb8;
	[tilespmem:$0x1B200] =	vst v63  }
0x414: {  	s30 =	simm.s32 $0x15200  }
0x415: {  	[tilespmem:s30], [sflag:$0x2] =	stream.indirect_vreg.gather [hbm4b:s10+s2], $0x80, v3, vm0, $0xb8;
	[tilespmem:$0x1B200] =	vst v63  }
0x416: {  	s31 =	simm.s32 $0x15A00  }
0x417: {  	[tilespmem:s31], [sflag:$0x2] =	stream.indirect_vreg.gather [hbm4b:s11+s2], $0x80, v3, vm0, $0xb8;
	[tilespmem:$0x1B200] =	vst v63  }
0x418: {  	s29 =	simm.s32 $0x16200  }
0x419: {  	[tilespmem:s29], [sflag:$0x2] =	stream.indirect_vreg.gather [hbm4b:s12+s2], $0x80, v3, vm0, $0xb8;
	[tilespmem:$0x1B200] =	vst v63  }
0x41a: {  	v3 =	vld.msk [tilespmem:$0x148], $0xff;
	_ =	sdelay $0x4  }
0x41b: {  	v57 =	vshrl.u32 v3, $0x3  }
0x41c: {  	v4 =	vmul.u32 $0x90, v57  }
0x41d: {  	v3 =	vand.u32 $0x7, v3  }
0x41e: {  	v3 =	vor.u32 v3, v4  }
0x41f: {  	v3 =	vperm.xlane v3, v0;
	_ =	sdelay $0x1  }
0x420: {  	v3 =	vadd.s32 v1, v3;
	_ =	sdelay $0x3  }
0x421: {  	s29 =	simm.s32 $0x16A00  }
0x422: {  	[tilespmem:s29], [sflag:$0x2] =	stream.indirect_vreg.gather [hbm4b:s3+s2], $0x80, v3, vm0, $0xb8;
	[tilespmem:$0x1B200] =	vst v63  }
0x423: {  	s29 =	simm.s32 $0x17200  }
0x424: {  	[tilespmem:s29], [sflag:$0x2] =	stream.indirect_vreg.gather [hbm4b:s5+s2], $0x80, v3, vm0, $0xb8;
	[tilespmem:$0x1B200] =	vst v63  }
0x425: {  	s29 =	simm.s32 $0x17A00  }
0x426: {  	[tilespmem:s29], [sflag:$0x2] =	stream.indirect_vreg.gather [hbm4b:s6+s2], $0x80, v3, vm0, $0xb8;
	[tilespmem:$0x1B200] =	vst v63  }
0x427: {  	s29 =	simm.s32 $0x18200  }
0x428: {  	[tilespmem:s29], [sflag:$0x2] =	stream.indirect_vreg.gather [hbm4b:s7+s2], $0x80, v3, vm0, $0xb8;
	[tilespmem:$0x1B200] =	vst v63  }
0x429: {  	s29 =	simm.s32 $0x18A00  }
0x42a: {  	[tilespmem:s29], [sflag:$0x2] =	stream.indirect_vreg.gather [hbm4b:s8+s2], $0x80, v3, vm0, $0xb8;
	[tilespmem:$0x1B200] =	vst v63  }
0x42b: {  	s29 =	simm.s32 $0x19200  }
0x42c: {  	[tilespmem:s29], [sflag:$0x2] =	stream.indirect_vreg.gather [hbm4b:s9+s2], $0x80, v3, vm0, $0xb8;
	[tilespmem:$0x1B200] =	vst v63  }
0x42d: {  	s29 =	simm.s32 $0x19A00  }
0x42e: {  	[tilespmem:s29], [sflag:$0x2] =	stream.indirect_vreg.gather [hbm4b:s10+s2], $0x80, v3, vm0, $0xb8;
	[tilespmem:$0x1B200] =	vst v63  }
0x42f: {  	s29 =	simm.s32 $0x1A200  }
0x430: {  	[tilespmem:s29], [sflag:$0x2] =	stream.indirect_vreg.gather [hbm4b:s11+s2], $0x80, v3, vm0, $0xb8;
	[tilespmem:$0x1B200] =	vst v63  }
0x431: {  	s29 =	simm.s32 $0x1AA00  }
0x432: {  	[tilespmem:s29], [sflag:$0x2] =	stream.indirect_vreg.gather [hbm4b:s12+s2], $0x80, v3, vm0, $0xb8;
	[tilespmem:$0x1B200] =	vst v63  }
0x433: {  	_ =	swait.ge [sflag:s25], $0xD800  }
0x434: {  	[sflag:s25] =	ssyncset.done $0x0  }
0x435: {  	s29 =	rddreg [dreg:$0xf];
	[sflag:s25] =	ssyncadd.s32 $0xFFFF2800  }
0x436: {  	[hbm4b:s29+s2] =	stream.linear.scatter [tilespmem:s0], [sflag:$0x4], $0xD800, $0x38;
	[tilespmem:$0x1B200] =	vst v63  }
0x437: {  	_ =	swait.ge [sflag:s26], $0xD800  }
0x438: {  	[sflag:s26] =	ssyncset.done $0x0  }
0x439: {  	[sflag:s26] =	ssyncadd.s32 $0xFFFF2800  }
0x43a: {  	v3 =	vld [tilespmem:$0x150];
	_ =	sdelay $0x4  }
0x43b: {  	v58 =	vshrl.u32 v3, $0x3  }
0x43c: {  	v4 =	vmul.u32 $0x90, v58  }
0x43d: {  	v3 =	vand.u32 $0x7, v3  }
0x43e: {  	v3 =	vor.u32 v3, v4  }
0x43f: {  	v4 =	vperm.xlane v3, v0;
	_ =	sdelay $0x1  }
0x440: {  	v4 =	vadd.s32 v1, v4;
	_ =	sdelay $0x4  }
0x441: {  	[tilespmem:s4], [sflag:$0x1] =	stream.indirect_vreg.gather [hbm4b:s3+s2], $0x80, v4, vm0, $0xb8;
	[tilespmem:$0x1B200] =	vst v63  }
0x442: {  	s29 =	simm.s32 $0xA00  }
0x443: {  	[tilespmem:s29], [sflag:$0x1] =	stream.indirect_vreg.gather [hbm4b:s5+s2], $0x80, v4, vm0, $0xb8;
	[tilespmem:$0x1B200] =	vst v63  }
0x444: {  	s29 =	simm.s32 $0x1200  }
0x445: {  	[tilespmem:s29], [sflag:$0x1] =	stream.indirect_vreg.gather [hbm4b:s6+s2], $0x80, v4, vm0, $0xb8;
	[tilespmem:$0x1B200] =	vst v63  }
0x446: {  	s29 =	simm.s32 $0x1A00  }
0x447: {  	[tilespmem:s29], [sflag:$0x1] =	stream.indirect_vreg.gather [hbm4b:s7+s2], $0x80, v4, vm0, $0xb8;
	[tilespmem:$0x1B200] =	vst v63  }
0x448: {  	s29 =	simm.s32 $0x2200  }
0x449: {  	[tilespmem:s29], [sflag:$0x1] =	stream.indirect_vreg.gather [hbm4b:s8+s2], $0x80, v4, vm0, $0xb8;
	[tilespmem:$0x1B200] =	vst v63  }
0x44a: {  	s29 =	simm.s32 $0x2A00  }
0x44b: {  	[tilespmem:s29], [sflag:$0x1] =	stream.indirect_vreg.gather [hbm4b:s9+s2], $0x80, v4, vm0, $0xb8;
	[tilespmem:$0x1B200] =	vst v63  }
0x44c: {  	v3 =	vperm.xlane v3, v2;
	s29 =	simm.s32 $0x3200  }
0x44d: {  	[tilespmem:s29], [sflag:$0x1] =	stream.indirect_vreg.gather [hbm4b:s10+s2], $0x80, v4, vm0, $0xb8;
	[tilespmem:$0x1B200] =	vst v63  }
0x44e: {  	v3 =	vadd.s32 v1, v3;
	s29 =	simm.s32 $0x3A00  }
0x44f: {  	[tilespmem:s29], [sflag:$0x1] =	stream.indirect_vreg.gather [hbm4b:s11+s2], $0x80, v4, vm0, $0xb8;
	[tilespmem:$0x1B200] =	vst v63  }
0x450: {  	s29 =	simm.s32 $0x4200  }
0x451: {  	[tilespmem:s29], [sflag:$0x1] =	stream.indirect_vreg.gather [hbm4b:s12+s2], $0x80, v4, vm0, $0xb8;
	[tilespmem:$0x1B200] =	vst v63  }
0x452: {  	s29 =	simm.s32 $0x4A00  }
0x453: {  	[tilespmem:s29], [sflag:$0x1] =	stream.indirect_vreg.gather [hbm4b:s3+s2], $0x80, v3, vm0, $0xb8;
	[tilespmem:$0x1B200] =	vst v63  }
0x454: {  	s29 =	simm.s32 $0x5200  }
0x455: {  	[tilespmem:s29], [sflag:$0x1] =	stream.indirect_vreg.gather [hbm4b:s5+s2], $0x80, v3, vm0, $0xb8;
	[tilespmem:$0x1B200] =	vst v63  }
0x456: {  	s29 =	simm.s32 $0x5A00  }
0x457: {  	[tilespmem:s29], [sflag:$0x1] =	stream.indirect_vreg.gather [hbm4b:s6+s2], $0x80, v3, vm0, $0xb8;
	[tilespmem:$0x1B200] =	vst v63  }
0x458: {  	s29 =	simm.s32 $0x6200  }
0x459: {  	[tilespmem:s29], [sflag:$0x1] =	stream.indirect_vreg.gather [hbm4b:s7+s2], $0x80, v3, vm0, $0xb8;
	[tilespmem:$0x1B200] =	vst v63  }
0x45a: {  	s29 =	simm.s32 $0x6A00  }
0x45b: {  	[tilespmem:s29], [sflag:$0x1] =	stream.indirect_vreg.gather [hbm4b:s8+s2], $0x80, v3, vm0, $0xb8;
	[tilespmem:$0x1B200] =	vst v63  }
0x45c: {  	s29 =	simm.s32 $0x7200  }
0x45d: {  	[tilespmem:s29], [sflag:$0x1] =	stream.indirect_vreg.gather [hbm4b:s9+s2], $0x80, v3, vm0, $0xb8;
	[tilespmem:$0x1B200] =	vst v63  }
0x45e: {  	s29 =	simm.s32 $0x7A00  }
0x45f: {  	[tilespmem:s29], [sflag:$0x1] =	stream.indirect_vreg.gather [hbm4b:s10+s2], $0x80, v3, vm0, $0xb8;
	[tilespmem:$0x1B200] =	vst v63  }
0x460: {  	s29 =	simm.s32 $0x8200  }
0x461: {  	[tilespmem:s29], [sflag:$0x1] =	stream.indirect_vreg.gather [hbm4b:s11+s2], $0x80, v3, vm0, $0xb8;
	[tilespmem:$0x1B200] =	vst v63  }
0x462: {  	s29 =	simm.s32 $0x8A00  }
0x463: {  	[tilespmem:s29], [sflag:$0x1] =	stream.indirect_vreg.gather [hbm4b:s12+s2], $0x80, v3, vm0, $0xb8;
	[tilespmem:$0x1B200] =	vst v63  }
0x464: {  	v3 =	vld.msk [tilespmem:$0x160], $0xff;
	_ =	sdelay $0x4  }
0x465: {  	v59 =	vshrl.u32 v3, $0x3  }
0x466: {  	v4 =	vmul.u32 $0x90, v59  }
0x467: {  	v3 =	vand.u32 $0x7, v3  }
0x468: {  	v3 =	vor.u32 v3, v4  }
0x469: {  	v3 =	vperm.xlane v3, v0;
	_ =	sdelay $0x1  }
0x46a: {  	v3 =	vadd.s32 v1, v3;
	_ =	sdelay $0x3  }
0x46b: {  	s29 =	simm.s32 $0x9200  }
0x46c: {  	[tilespmem:s29], [sflag:$0x1] =	stream.indirect_vreg.gather [hbm4b:s3+s2], $0x80, v3, vm0, $0xb8;
	[tilespmem:$0x1B200] =	vst v63  }
0x46d: {  	s29 =	simm.s32 $0x9A00  }
0x46e: {  	[tilespmem:s29], [sflag:$0x1] =	stream.indirect_vreg.gather [hbm4b:s5+s2], $0x80, v3, vm0, $0xb8;
	[tilespmem:$0x1B200] =	vst v63  }
0x46f: {  	s29 =	simm.s32 $0xA200  }
0x470: {  	[tilespmem:s29], [sflag:$0x1] =	stream.indirect_vreg.gather [hbm4b:s6+s2], $0x80, v3, vm0, $0xb8;
	[tilespmem:$0x1B200] =	vst v63  }
0x471: {  	s29 =	simm.s32 $0xAA00  }
0x472: {  	[tilespmem:s29], [sflag:$0x1] =	stream.indirect_vreg.gather [hbm4b:s7+s2], $0x80, v3, vm0, $0xb8;
	[tilespmem:$0x1B200] =	vst v63  }
0x473: {  	s29 =	simm.s32 $0xB200  }
0x474: {  	[tilespmem:s29], [sflag:$0x1] =	stream.indirect_vreg.gather [hbm4b:s8+s2], $0x80, v3, vm0, $0xb8;
	[tilespmem:$0x1B200] =	vst v63  }
0x475: {  	s29 =	simm.s32 $0xBA00  }
0x476: {  	[tilespmem:s29], [sflag:$0x1] =	stream.indirect_vreg.gather [hbm4b:s9+s2], $0x80, v3, vm0, $0xb8;
	[tilespmem:$0x1B200] =	vst v63  }
0x477: {  	s29 =	simm.s32 $0xC200  }
0x478: {  	[tilespmem:s29], [sflag:$0x1] =	stream.indirect_vreg.gather [hbm4b:s10+s2], $0x80, v3, vm0, $0xb8;
	[tilespmem:$0x1B200] =	vst v63  }
0x479: {  	s29 =	simm.s32 $0xCA00  }
0x47a: {  	[tilespmem:s29], [sflag:$0x1] =	stream.indirect_vreg.gather [hbm4b:s11+s2], $0x80, v3, vm0, $0xb8;
	[tilespmem:$0x1B200] =	vst v63  }
0x47b: {  	s29 =	simm.s32 $0xD200  }
0x47c: {  	[tilespmem:s29], [sflag:$0x1] =	stream.indirect_vreg.gather [hbm4b:s12+s2], $0x80, v3, vm0, $0xb8;
	[tilespmem:$0x1B200] =	vst v63  }
0x47d: {  	_ =	swait.ge [sflag:s23], $0xD800  }
0x47e: {  	[sflag:s23] =	ssyncset.done $0x0  }
0x47f: {  	s29 =	rddreg [dreg:$0x10];
	[sflag:s23] =	ssyncadd.s32 $0xFFFF2800  }
0x480: {  	[hbm4b:s29+s2] =	stream.linear.scatter [tilespmem:s4], [sflag:$0x3], $0xD800, $0x38;
	[tilespmem:$0x1B200] =	vst v63  }
0x481: {  	_ =	swait.ge [sflag:s28], $0xD800  }
0x482: {  	[sflag:s28] =	ssyncset.done $0x0  }
0x483: {  	[sflag:s28] =	ssyncadd.s32 $0xFFFF2800  }
0x484: {  	v3 =	vld [tilespmem:$0x168];
	_ =	sdelay $0x4  }
0x485: {  	v60 =	vshrl.u32 v3, $0x3  }
0x486: {  	v4 =	vmul.u32 $0x90, v60  }
0x487: {  	v3 =	vand.u32 $0x7, v3  }
0x488: {  	v3 =	vor.u32 v3, v4  }
0x489: {  	v4 =	vperm.xlane v3, v0;
	_ =	sdelay $0x1  }
0x48a: {  	v4 =	vadd.s32 v1, v4;
	_ =	sdelay $0x4  }
0x48b: {  	[tilespmem:s0], [sflag:$0x2] =	stream.indirect_vreg.gather [hbm4b:s3+s2], $0x80, v4, vm0, $0xb8;
	[tilespmem:$0x1B200] =	vst v63  }
0x48c: {  	s1 =	simm.s32 $0xE200  }
0x48d: {  	[tilespmem:s1], [sflag:$0x2] =	stream.indirect_vreg.gather [hbm4b:s5+s2], $0x80, v4, vm0, $0xb8;
	[tilespmem:$0x1B200] =	vst v63  }
0x48e: {  	s13 =	simm.s32 $0xEA00  }
0x48f: {  	[tilespmem:s13], [sflag:$0x2] =	stream.indirect_vreg.gather [hbm4b:s6+s2], $0x80, v4, vm0, $0xb8;
	[tilespmem:$0x1B200] =	vst v63  }
0x490: {  	s14 =	simm.s32 $0xF200  }
0x491: {  	[tilespmem:s14], [sflag:$0x2] =	stream.indirect_vreg.gather [hbm4b:s7+s2], $0x80, v4, vm0, $0xb8;
	[tilespmem:$0x1B200] =	vst v63  }
0x492: {  	s15 =	simm.s32 $0xFA00  }
0x493: {  	[tilespmem:s15], [sflag:$0x2] =	stream.indirect_vreg.gather [hbm4b:s8+s2], $0x80, v4, vm0, $0xb8;
	[tilespmem:$0x1B200] =	vst v63  }
0x494: {  	s14 =	simm.s32 $0x10200  }
0x495: {  	[tilespmem:s14], [sflag:$0x2] =	stream.indirect_vreg.gather [hbm4b:s9+s2], $0x80, v4, vm0, $0xb8;
	[tilespmem:$0x1B200] =	vst v63  }
0x496: {  	v3 =	vperm.xlane v3, v2;
	s15 =	simm.s32 $0x10A00  }
0x497: {  	[tilespmem:s15], [sflag:$0x2] =	stream.indirect_vreg.gather [hbm4b:s10+s2], $0x80, v4, vm0, $0xb8;
	[tilespmem:$0x1B200] =	vst v63  }
0x498: {  	s16 =	simm.s32 $0x11200;
	v3 =	vadd.s32 v1, v3  }
0x499: {  	[tilespmem:s16], [sflag:$0x2] =	stream.indirect_vreg.gather [hbm4b:s11+s2], $0x80, v4, vm0, $0xb8;
	[tilespmem:$0x1B200] =	vst v63  }
0x49a: {  	s17 =	simm.s32 $0x11A00  }
0x49b: {  	[tilespmem:s17], [sflag:$0x2] =	stream.indirect_vreg.gather [hbm4b:s12+s2], $0x80, v4, vm0, $0xb8;
	[tilespmem:$0x1B200] =	vst v63  }
0x49c: {  	s18 =	simm.s32 $0x12200  }
0x49d: {  	[tilespmem:s18], [sflag:$0x2] =	stream.indirect_vreg.gather [hbm4b:s3+s2], $0x80, v3, vm0, $0xb8;
	[tilespmem:$0x1B200] =	vst v63  }
0x49e: {  	s19 =	simm.s32 $0x12A00  }
0x49f: {  	[tilespmem:s19], [sflag:$0x2] =	stream.indirect_vreg.gather [hbm4b:s5+s2], $0x80, v3, vm0, $0xb8;
	[tilespmem:$0x1B200] =	vst v63  }
0x4a0: {  	s20 =	simm.s32 $0x13200  }
0x4a1: {  	[tilespmem:s20], [sflag:$0x2] =	stream.indirect_vreg.gather [hbm4b:s6+s2], $0x80, v3, vm0, $0xb8;
	[tilespmem:$0x1B200] =	vst v63  }
0x4a2: {  	s21 =	simm.s32 $0x13A00  }
0x4a3: {  	[tilespmem:s21], [sflag:$0x2] =	stream.indirect_vreg.gather [hbm4b:s7+s2], $0x80, v3, vm0, $0xb8;
	[tilespmem:$0x1B200] =	vst v63  }
0x4a4: {  	s22 =	simm.s32 $0x14200  }
0x4a5: {  	[tilespmem:s22], [sflag:$0x2] =	stream.indirect_vreg.gather [hbm4b:s8+s2], $0x80, v3, vm0, $0xb8;
	[tilespmem:$0x1B200] =	vst v63  }
0x4a6: {  	s24 =	simm.s32 $0x14A00  }
0x4a7: {  	[tilespmem:s24], [sflag:$0x2] =	stream.indirect_vreg.gather [hbm4b:s9+s2], $0x80, v3, vm0, $0xb8;
	[tilespmem:$0x1B200] =	vst v63  }
0x4a8: {  	s30 =	simm.s32 $0x15200  }
0x4a9: {  	[tilespmem:s30], [sflag:$0x2] =	stream.indirect_vreg.gather [hbm4b:s10+s2], $0x80, v3, vm0, $0xb8;
	[tilespmem:$0x1B200] =	vst v63  }
0x4aa: {  	s31 =	simm.s32 $0x15A00  }
0x4ab: {  	[tilespmem:s31], [sflag:$0x2] =	stream.indirect_vreg.gather [hbm4b:s11+s2], $0x80, v3, vm0, $0xb8;
	[tilespmem:$0x1B200] =	vst v63  }
0x4ac: {  	s17 =	simm.s32 $0x16200  }
0x4ad: {  	[tilespmem:s17], [sflag:$0x2] =	stream.indirect_vreg.gather [hbm4b:s12+s2], $0x80, v3, vm0, $0xb8;
	[tilespmem:$0x1B200] =	vst v63  }
0x4ae: {  	v3 =	vld.msk [tilespmem:$0x178], $0xff;
	_ =	sdelay $0x4  }
0x4af: {  	v61 =	vshrl.u32 v3, $0x3  }
0x4b0: {  	v4 =	vmul.u32 $0x90, v61  }
0x4b1: {  	v3 =	vand.u32 $0x7, v3  }
0x4b2: {  	v3 =	vor.u32 v3, v4  }
0x4b3: {  	v3 =	vperm.xlane v3, v0;
	_ =	sdelay $0x1  }
0x4b4: {  	v3 =	vadd.s32 v1, v3;
	_ =	sdelay $0x3  }
0x4b5: {  	s18 =	simm.s32 $0x16A00  }
0x4b6: {  	[tilespmem:s18], [sflag:$0x2] =	stream.indirect_vreg.gather [hbm4b:s3+s2], $0x80, v3, vm0, $0xb8;
	[tilespmem:$0x1B200] =	vst v63  }
0x4b7: {  	s19 =	simm.s32 $0x17200  }
0x4b8: {  	[tilespmem:s19], [sflag:$0x2] =	stream.indirect_vreg.gather [hbm4b:s5+s2], $0x80, v3, vm0, $0xb8;
	[tilespmem:$0x1B200] =	vst v63  }
0x4b9: {  	s20 =	simm.s32 $0x17A00  }
0x4ba: {  	[tilespmem:s20], [sflag:$0x2] =	stream.indirect_vreg.gather [hbm4b:s6+s2], $0x80, v3, vm0, $0xb8;
	[tilespmem:$0x1B200] =	vst v63  }
0x4bb: {  	s21 =	simm.s32 $0x18200  }
0x4bc: {  	[tilespmem:s21], [sflag:$0x2] =	stream.indirect_vreg.gather [hbm4b:s7+s2], $0x80, v3, vm0, $0xb8;
	[tilespmem:$0x1B200] =	vst v63  }
0x4bd: {  	s22 =	simm.s32 $0x18A00  }
0x4be: {  	[tilespmem:s22], [sflag:$0x2] =	stream.indirect_vreg.gather [hbm4b:s8+s2], $0x80, v3, vm0, $0xb8;
	[tilespmem:$0x1B200] =	vst v63  }
0x4bf: {  	s24 =	simm.s32 $0x19200  }
0x4c0: {  	[tilespmem:s24], [sflag:$0x2] =	stream.indirect_vreg.gather [hbm4b:s9+s2], $0x80, v3, vm0, $0xb8;
	[tilespmem:$0x1B200] =	vst v63  }
0x4c1: {  	s29 =	simm.s32 $0x19A00  }
0x4c2: {  	[tilespmem:s29], [sflag:$0x2] =	stream.indirect_vreg.gather [hbm4b:s10+s2], $0x80, v3, vm0, $0xb8;
	[tilespmem:$0x1B200] =	vst v63  }
0x4c3: {  	s30 =	simm.s32 $0x1A200  }
0x4c4: {  	[tilespmem:s30], [sflag:$0x2] =	stream.indirect_vreg.gather [hbm4b:s11+s2], $0x80, v3, vm0, $0xb8;
	[tilespmem:$0x1B200] =	vst v63  }
0x4c5: {  	s31 =	simm.s32 $0x1AA00  }
0x4c6: {  	[tilespmem:s31], [sflag:$0x2] =	stream.indirect_vreg.gather [hbm4b:s12+s2], $0x80, v3, vm0, $0xb8;
	[tilespmem:$0x1B200] =	vst v63  }
0x4c7: {  	_ =	swait.ge [sflag:s25], $0xD800  }
0x4c8: {  	[sflag:s25] =	ssyncset.done $0x0  }
0x4c9: {  	s13 =	rddreg [dreg:$0x11];
	[sflag:s25] =	ssyncadd.s32 $0xFFFF2800  }
0x4ca: {  	[hbm4b:s13+s2] =	stream.linear.scatter [tilespmem:s0], [sflag:$0x4], $0xD800, $0x38;
	[tilespmem:$0x1B200] =	vst v63  }
0x4cb: {  	_ =	swait.ge [sflag:s26], $0xD800  }
0x4cc: {  	[sflag:s26] =	ssyncset.done $0x0  }
0x4cd: {  	[sflag:s26] =	ssyncadd.s32 $0xFFFF2800  }
0x4ce: {  	v3 =	vld [tilespmem:$0x180];
	_ =	sdelay $0x4  }
0x4cf: {  	v62 =	vshrl.u32 v3, $0x3  }
0x4d0: {  	v4 =	vmul.u32 $0x90, v62  }
0x4d1: {  	v3 =	vand.u32 $0x7, v3  }
0x4d2: {  	v3 =	vor.u32 v3, v4  }
0x4d3: {  	v4 =	vperm.xlane v3, v0;
	_ =	sdelay $0x1  }
0x4d4: {  	v4 =	vadd.s32 v1, v4;
	_ =	sdelay $0x4  }
0x4d5: {  	[tilespmem:s4], [sflag:$0x1] =	stream.indirect_vreg.gather [hbm4b:s3+s2], $0x80, v4, vm0, $0xb8;
	[tilespmem:$0x1B200] =	vst v63  }
0x4d6: {  	s14 =	simm.s32 $0xA00  }
0x4d7: {  	[tilespmem:s14], [sflag:$0x1] =	stream.indirect_vreg.gather [hbm4b:s5+s2], $0x80, v4, vm0, $0xb8;
	[tilespmem:$0x1B200] =	vst v63  }
0x4d8: {  	s15 =	simm.s32 $0x1200  }
0x4d9: {  	[tilespmem:s15], [sflag:$0x1] =	stream.indirect_vreg.gather [hbm4b:s6+s2], $0x80, v4, vm0, $0xb8;
	[tilespmem:$0x1B200] =	vst v63  }
0x4da: {  	s16 =	simm.s32 $0x1A00  }
0x4db: {  	[tilespmem:s16], [sflag:$0x1] =	stream.indirect_vreg.gather [hbm4b:s7+s2], $0x80, v4, vm0, $0xb8;
	[tilespmem:$0x1B200] =	vst v63  }
0x4dc: {  	s17 =	simm.s32 $0x2200  }
0x4dd: {  	[tilespmem:s17], [sflag:$0x1] =	stream.indirect_vreg.gather [hbm4b:s8+s2], $0x80, v4, vm0, $0xb8;
	[tilespmem:$0x1B200] =	vst v63  }
0x4de: {  	s18 =	simm.s32 $0x2A00  }
0x4df: {  	[tilespmem:s18], [sflag:$0x1] =	stream.indirect_vreg.gather [hbm4b:s9+s2], $0x80, v4, vm0, $0xb8;
	[tilespmem:$0x1B200] =	vst v63  }
0x4e0: {  	s19 =	simm.s32 $0x3200;
	v3 =	vperm.xlane v3, v2  }
0x4e1: {  	[tilespmem:s19], [sflag:$0x1] =	stream.indirect_vreg.gather [hbm4b:s10+s2], $0x80, v4, vm0, $0xb8;
	[tilespmem:$0x1B200] =	vst v63  }
0x4e2: {  	s20 =	simm.s32 $0x3A00;
	v3 =	vadd.s32 v1, v3  }
0x4e3: {  	[tilespmem:s20], [sflag:$0x1] =	stream.indirect_vreg.gather [hbm4b:s11+s2], $0x80, v4, vm0, $0xb8;
	[tilespmem:$0x1B200] =	vst v63  }
0x4e4: {  	s21 =	simm.s32 $0x4200  }
0x4e5: {  	[tilespmem:s21], [sflag:$0x1] =	stream.indirect_vreg.gather [hbm4b:s12+s2], $0x80, v4, vm0, $0xb8;
	[tilespmem:$0x1B200] =	vst v63  }
0x4e6: {  	s22 =	simm.s32 $0x4A00  }
0x4e7: {  	[tilespmem:s22], [sflag:$0x1] =	stream.indirect_vreg.gather [hbm4b:s3+s2], $0x80, v3, vm0, $0xb8;
	[tilespmem:$0x1B200] =	vst v63  }
0x4e8: {  	s24 =	simm.s32 $0x5200  }
0x4e9: {  	[tilespmem:s24], [sflag:$0x1] =	stream.indirect_vreg.gather [hbm4b:s5+s2], $0x80, v3, vm0, $0xb8;
	[tilespmem:$0x1B200] =	vst v63  }
0x4ea: {  	s29 =	simm.s32 $0x5A00  }
0x4eb: {  	[tilespmem:s29], [sflag:$0x1] =	stream.indirect_vreg.gather [hbm4b:s6+s2], $0x80, v3, vm0, $0xb8;
	[tilespmem:$0x1B200] =	vst v63  }
0x4ec: {  	s30 =	simm.s32 $0x6200  }
0x4ed: {  	[tilespmem:s30], [sflag:$0x1] =	stream.indirect_vreg.gather [hbm4b:s7+s2], $0x80, v3, vm0, $0xb8;
	[tilespmem:$0x1B200] =	vst v63  }
0x4ee: {  	s31 =	simm.s32 $0x6A00  }
0x4ef: {  	[tilespmem:s31], [sflag:$0x1] =	stream.indirect_vreg.gather [hbm4b:s8+s2], $0x80, v3, vm0, $0xb8;
	[tilespmem:$0x1B200] =	vst v63  }
0x4f0: {  	s13 =	simm.s32 $0x7200  }
0x4f1: {  	[tilespmem:s13], [sflag:$0x1] =	stream.indirect_vreg.gather [hbm4b:s9+s2], $0x80, v3, vm0, $0xb8;
	[tilespmem:$0x1B200] =	vst v63  }
0x4f2: {  	s14 =	simm.s32 $0x7A00  }
0x4f3: {  	[tilespmem:s14], [sflag:$0x1] =	stream.indirect_vreg.gather [hbm4b:s10+s2], $0x80, v3, vm0, $0xb8;
	[tilespmem:$0x1B200] =	vst v63  }
0x4f4: {  	s15 =	simm.s32 $0x8200  }
0x4f5: {  	[tilespmem:s15], [sflag:$0x1] =	stream.indirect_vreg.gather [hbm4b:s11+s2], $0x80, v3, vm0, $0xb8;
	[tilespmem:$0x1B200] =	vst v63  }
0x4f6: {  	s16 =	simm.s32 $0x8A00  }
0x4f7: {  	[tilespmem:s16], [sflag:$0x1] =	stream.indirect_vreg.gather [hbm4b:s12+s2], $0x80, v3, vm0, $0xb8;
	[tilespmem:$0x1B200] =	vst v63  }
0x4f8: {  	v3 =	vld.msk [tilespmem:$0x190], $0xff;
	_ =	sdelay $0x4  }
0x4f9: {  	v63 =	vshrl.u32 v3, $0x3  }
0x4fa: {  	v4 =	vmul.u32 $0x90, v63  }
0x4fb: {  	v3 =	vand.u32 $0x7, v3  }
0x4fc: {  	v3 =	vor.u32 v3, v4  }
0x4fd: {  	v3 =	vperm.xlane v3, v0;
	_ =	sdelay $0x1  }
0x4fe: {  	v3 =	vadd.s32 v1, v3;
	_ =	sdelay $0x3  }
0x4ff: {  	s17 =	simm.s32 $0x9200  }
0x500: {  	[tilespmem:s17], [sflag:$0x1] =	stream.indirect_vreg.gather [hbm4b:s3+s2], $0x80, v3, vm0, $0xb8;
	[tilespmem:$0x1B200] =	vst v63  }
0x501: {  	s18 =	simm.s32 $0x9A00  }
0x502: {  	[tilespmem:s18], [sflag:$0x1] =	stream.indirect_vreg.gather [hbm4b:s5+s2], $0x80, v3, vm0, $0xb8;
	[tilespmem:$0x1B200] =	vst v63  }
0x503: {  	s19 =	simm.s32 $0xA200  }
0x504: {  	[tilespmem:s19], [sflag:$0x1] =	stream.indirect_vreg.gather [hbm4b:s6+s2], $0x80, v3, vm0, $0xb8;
	[tilespmem:$0x1B200] =	vst v63  }
0x505: {  	s20 =	simm.s32 $0xAA00  }
0x506: {  	[tilespmem:s20], [sflag:$0x1] =	stream.indirect_vreg.gather [hbm4b:s7+s2], $0x80, v3, vm0, $0xb8;
	[tilespmem:$0x1B200] =	vst v63  }
0x507: {  	s21 =	simm.s32 $0xB200  }
0x508: {  	[tilespmem:s21], [sflag:$0x1] =	stream.indirect_vreg.gather [hbm4b:s8+s2], $0x80, v3, vm0, $0xb8;
	[tilespmem:$0x1B200] =	vst v63  }
0x509: {  	s22 =	simm.s32 $0xBA00  }
0x50a: {  	[tilespmem:s22], [sflag:$0x1] =	stream.indirect_vreg.gather [hbm4b:s9+s2], $0x80, v3, vm0, $0xb8;
	[tilespmem:$0x1B200] =	vst v63  }
0x50b: {  	s24 =	simm.s32 $0xC200  }
0x50c: {  	[tilespmem:s24], [sflag:$0x1] =	stream.indirect_vreg.gather [hbm4b:s10+s2], $0x80, v3, vm0, $0xb8;
	[tilespmem:$0x1B200] =	vst v63  }
0x50d: {  	s29 =	simm.s32 $0xCA00  }
0x50e: {  	[tilespmem:s29], [sflag:$0x1] =	stream.indirect_vreg.gather [hbm4b:s11+s2], $0x80, v3, vm0, $0xb8;
	[tilespmem:$0x1B200] =	vst v63  }
0x50f: {  	s30 =	simm.s32 $0xD200  }
0x510: {  	[tilespmem:s30], [sflag:$0x1] =	stream.indirect_vreg.gather [hbm4b:s12+s2], $0x80, v3, vm0, $0xb8;
	[tilespmem:$0x1B200] =	vst v63  }
0x511: {  	s1 =	rddreg [dreg:$0x16];
	_ =	swait.ge [sflag:s23], $0xD800  }
0x512: {  	[sflag:s23] =	ssyncset.done $0x0  }
0x513: {  	s31 =	rddreg [dreg:$0x12];
	[sflag:s23] =	ssyncadd.s32 $0xFFFF2800  }
0x514: {  	[hbm4b:s31+s2] =	stream.linear.scatter [tilespmem:s4], [sflag:$0x3], $0xD800, $0x38;
	[tilespmem:$0x1B200] =	vst v63  }
0x515: {  	p0 =	sne.s32 s1, $0x1;
	_ =	swait.ge [sflag:s26], $0xD800  }
.Ltmp0:
0x516: {  	[sflag:s26] =	ssyncset.done $0x0;
	(pc) =	sbr.rel @p0 .LBB2_1-.Ltmp0, $4  }
0x517: {  	[sflag:s26] =	ssyncadd.s32 $0xFFFF2800  }
0x518: {  	_ =	swait.ge [sflag:s28], $0xD800  }
0x519: {  	[sflag:s28] =	ssyncset.done $0x0  }
0x51a: {  	s1 =	sadd.s32 $0xFFFFFFFF, s1;
	[sflag:s28] =	ssyncadd.s32 $0xFFFF2800  }
0x51b: {  	_ =	sfence.sel $0x180000  }
0x51c: {  	[bflag:$0x0] =	sbarrier.arrive $0xFFFF  }
0x51d: {  	_ =	strace $0x90000047  }
0x51e: {  	s0 =	stileid.u32;
	[bflag:$0x2] =	sbarrier.arrive $0xFFFF  }
0x51f: {  	p0 =	sne.s32 s0, $0x0;
	s0 =	rddreg [dreg:$0x1]  }
0x520: {  	s0 =	sadd.s32 @!p0 $0x100000, s0  }
0x521: {  	[sflag:s0] =	ssyncadd.tile.s32 @!p0 $0x1;
	_ =	shalt  }
.Lfunc_end2:
_tile_overlayer_lowered:
.L_overlay_start_2:
0x522: {  	(tag) =	ssettag $0x2  }
0x523: {  	s0 =	rddreg [dreg:$0x0];
	s2 =	stileid.u32  }
0x524: {  	s1 =	rddreg [dreg:$0x1];
	p0 =	sne.s32 s2, $0x0  }
0x525: {  	s3 =	rddreg [dreg:$0x2];
	[bflag:$0x3] =	sbarrier.arrive $0xFFFF;
	s2 =	simm.s32 @!p0 $0x1C05  }
0x526: {  	[timem:s3], [sflag:s2] =	dma.local @!p0 [hbm:s0], s1  }
0x527: {  	s0 =	simm.s32 @!p0 $0x5  }
0x528: {  	_ =	swait.ge @!p0 [sflag:s0], s1  }
0x529: {  	s1 =	ssub.s32 @!p0 $0x0, s1;
	[sflag:s0] =	ssyncset.done @!p0 $0x0  }
0x52a: {  	[sflag:s0] =	ssyncadd.s32 @!p0 s1  }
0x52b: {  	[bflag:$0x3] =	sbarrier.arrive $0xFFFF  }
0x52c: {  	_ =	shalt  }

</sc_bundles>
